<compile_context>
chip_gen: v7x
topology: tpu7x:2x2x1
jax: 0.10.2.dev20260603
libtpu: 0.0.44.dev20260713+nightly
codegen_flags: <defaults>
</compile_context>

<pallas_src>
import functools

import jax
import jax.numpy as jnp
from jax import lax
from jax.experimental import pallas as pl
from jax.experimental.pallas import tpu as pltpu
from jax.experimental.pallas import tpu_sc as plsc

Q = 25000
N = 50000
E = 400000
D = 128
HALF = 64
EMB = 128

NC = 2
NS = 16
L = 16

Q_PAD = 25088
ROWS_PER_TILE_Q = Q_PAD // NS
CHUNK = 100
NCHUNK = 2
R_TILE = NCHUNK * CHUNK
E_PAD = NS * R_TILE * 128
DUMMY_HE = Q


def _sum_body(x2, pn, ph, nn, nh,
              pos_lo, pos_hi, neg_lo, neg_hi,
              acc, idxn, idxh, rows_a, rows_b, rows_c, rows_d,
              sem_a, sem_b, sem_c, sem_d):
    c = lax.axis_index("c")
    s = lax.axis_index("s")
    qbase = s * ROWS_PER_TILE_Q
    slots = ((rows_a, sem_a), (rows_b, sem_b), (rows_c, sem_c),
             (rows_d, sem_d))

    zeros32 = jnp.zeros((2 * L,), jnp.bfloat16)

    def fill_zeros(t, _):
        rows_a[t // 2, pl.ds((t % 2) * 2 * L, 2 * L)] = zeros32
        return 0


    def gather(r, slot, sem):
        return pltpu.async_copy(x2.at[idxn.at[r]], slot, sem)

    def gather_wait(r, slot, sem):
        pltpu.make_async_copy(x2.at[idxn.at[r]], slot, sem).wait()

    def scat(r, slot):
        pltpu.sync_copy(slot, acc.at[idxh.at[r]], add=True)


    def channel_pass(nidx, hidx, out_lo, out_hi):
        lax.fori_loop(0, 128 * 2, fill_zeros, 0)

        def zacc(i, _):
            pltpu.sync_copy(rows_a, acc.at[pl.ds(qbase + i * 128, 128)])
            return 0
        lax.fori_loop(0, ROWS_PER_TILE_Q // 128, zacc, 0)
        pltpu.sync_copy(
            rows_a.at[pl.ds(0, ROWS_PER_TILE_Q % 128)],
            acc.at[pl.ds(qbase + (ROWS_PER_TILE_Q // 128) * 128,
                         ROWS_PER_TILE_Q % 128)])

        plsc.subcore_barrier()

        pltpu.sync_copy(nidx.at[c].at[s], idxn)
        pltpu.sync_copy(hidx.at[s], idxh)
        for i, (slot, sem) in enumerate(slots):
            gather(i, slot, sem)

        def quad(t, _):
            for i, (slot, sem) in enumerate(slots):
                r = 4 * t + i
                gather_wait(r, slot, sem)
                scat(r, slot)
                gather(r + 4, slot, sem)
            return 0
        lax.fori_loop(0, R_TILE // 4 - 1, quad, 0)

        for i, (slot, sem) in enumerate(slots):
            r = R_TILE - 4 + i
            gather_wait(r, slot, sem)
            scat(r, slot)

        plsc.subcore_barrier()

        @pl.when(c == 0)
        def _():
            pltpu.sync_copy(acc.at[pl.ds(qbase, ROWS_PER_TILE_Q)],
                            out_lo.at[pl.ds(qbase, ROWS_PER_TILE_Q)])

        @pl.when(c == 1)
        def _():
            pltpu.sync_copy(acc.at[pl.ds(qbase, ROWS_PER_TILE_Q)],
                            out_hi.at[pl.ds(qbase, ROWS_PER_TILE_Q)])

        plsc.subcore_barrier()

    channel_pass(pn, ph, pos_lo, pos_hi)
    channel_pass(nn, nh, neg_lo, neg_hi)


_sum_call = functools.partial(
    pl.kernel,
    out_type=(
        jax.ShapeDtypeStruct((Q_PAD, HALF), jnp.bfloat16),
        jax.ShapeDtypeStruct((Q_PAD, HALF), jnp.bfloat16),
        jax.ShapeDtypeStruct((Q_PAD, HALF), jnp.bfloat16),
        jax.ShapeDtypeStruct((Q_PAD, HALF), jnp.bfloat16),
    ),
    mesh=plsc.VectorSubcoreMesh(core_axis_name="c", subcore_axis_name="s",
                                num_cores=NC, num_subcores=NS),
    compiler_params=pltpu.CompilerParams(use_tc_tiling_on_sc=False),
    scratch_types=[
        pltpu.VMEM_SHARED((Q_PAD, HALF), jnp.bfloat16),
        pltpu.VMEM((R_TILE, 128), jnp.int32),
        pltpu.VMEM((R_TILE, 128), jnp.int32),
        pltpu.VMEM((128, HALF), jnp.bfloat16),
        pltpu.VMEM((128, HALF), jnp.bfloat16),
        pltpu.VMEM((128, HALF), jnp.bfloat16),
        pltpu.VMEM((128, HALF), jnp.bfloat16),
        pltpu.SemaphoreType.DMA,
        pltpu.SemaphoreType.DMA,
        pltpu.SemaphoreType.DMA,
        pltpu.SemaphoreType.DMA,
    ],
)(_sum_body)


def _deg_body(ph, nh, deg_pos, deg_neg, degacc, idxh, ones, zb16):
    c = lax.axis_index("c")
    s = lax.axis_index("s")
    qbase = s * ROWS_PER_TILE_Q

    zeros16 = jnp.zeros((L,), jnp.float32)
    ones16 = jnp.ones((L,), jnp.float32)

    def fill_ones(i, _):
        ones[i, :] = ones16
        return 0
    lax.fori_loop(0, 128, fill_ones, 0)

    def fill_zb16(i, _):
        zb16[i, :] = zeros16
        return 0
    lax.fori_loop(0, 224, fill_zb16, 0)

    def zdeg(i, _):
        pltpu.sync_copy(zb16, degacc.at[pl.ds(qbase + i * 224, 224)])
        return 0
    lax.fori_loop(0, ROWS_PER_TILE_Q // 224, zdeg, 0)

    plsc.subcore_barrier()

    @pl.when(c == 0)
    def _():
        pltpu.sync_copy(ph.at[s], idxh)

    @pl.when(c == 1)
    def _():
        pltpu.sync_copy(nh.at[s], idxh)

    def step(j, _):
        pltpu.sync_copy(ones, degacc.at[idxh.at[j]], add=True)
        return 0
    lax.fori_loop(0, R_TILE, step, 0)

    plsc.subcore_barrier()

    @pl.when(c == 0)
    def _():
        pltpu.sync_copy(degacc.at[pl.ds(qbase, ROWS_PER_TILE_Q)],
                        deg_pos.at[pl.ds(qbase, ROWS_PER_TILE_Q)])

    @pl.when(c == 1)
    def _():
        pltpu.sync_copy(degacc.at[pl.ds(qbase, ROWS_PER_TILE_Q)],
                        deg_neg.at[pl.ds(qbase, ROWS_PER_TILE_Q)])


_deg_call = functools.partial(
    pl.kernel,
    out_type=(
        jax.ShapeDtypeStruct((Q_PAD, L), jnp.float32),
        jax.ShapeDtypeStruct((Q_PAD, L), jnp.float32),
    ),
    mesh=plsc.VectorSubcoreMesh(core_axis_name="c", subcore_axis_name="s",
                                num_cores=NC, num_subcores=NS),
    compiler_params=pltpu.CompilerParams(use_tc_tiling_on_sc=False),
    scratch_types=[
        pltpu.VMEM_SHARED((Q_PAD, L), jnp.float32),
        pltpu.VMEM((R_TILE, 128), jnp.int32),
        pltpu.VMEM((128, L), jnp.float32),
        pltpu.VMEM((224, L), jnp.float32),
    ],
)(_deg_body)


BLK_Q = 1792


def _tc_body(xq, plo, phi, nlo, nhi, dp, dn, wq, bq, wn, bn, wo, bo, out):
    inv_p = 1.0 / jnp.maximum(dp[:, 0:1], 1.0)
    inv_n = 1.0 / jnp.maximum(dn[:, 0:1], 1.0)
    x = xq[...]
    wq_ = wq[...]
    wn_ = wn[...]
    wo_ = wo[...]
    plo_ = plo[...].astype(jnp.float32)
    phi_ = phi[...].astype(jnp.float32)
    nlo_ = nlo[...].astype(jnp.float32)
    nhi_ = nhi[...].astype(jnp.float32)
    hp = (jnp.dot(x, wq_[:D], preferred_element_type=jnp.float32)
          + jnp.dot(plo_ * inv_p, wq_[D:D + HALF],
                    preferred_element_type=jnp.float32)
          + jnp.dot(phi_ * inv_p, wq_[D + HALF:],
                    preferred_element_type=jnp.float32)
          + bq[...])
    hp = jnp.maximum(hp, 0.0)
    hn = (jnp.dot(x, wn_[:D], preferred_element_type=jnp.float32)
          + jnp.dot(nlo_ * inv_n, wn_[D:D + HALF],
                    preferred_element_type=jnp.float32)
          + jnp.dot(nhi_ * inv_n, wn_[D + HALF:],
                    preferred_element_type=jnp.float32)
          + bn[...])
    hn = jnp.maximum(hn, 0.0)
    out[...] = (jnp.dot(hp, wo_[:D], preferred_element_type=jnp.float32)
                + jnp.dot(hn, wo_[D:], preferred_element_type=jnp.float32)
                + bo[...])


def _tc_call(xq, plo, phi, nlo, nhi, dp, dn, wq, bq, wn, bn, wo, bo):
    row_spec = lambda w: pl.BlockSpec((BLK_Q, w), lambda i: (i, 0))
    full = lambda a: pl.BlockSpec(a.shape, lambda i: (0,) * a.ndim)
    return pl.pallas_call(
        _tc_body,
        grid=(Q_PAD // BLK_Q,),
        in_specs=[
            row_spec(D), row_spec(HALF), row_spec(HALF), row_spec(HALF),
            row_spec(HALF), row_spec(L), row_spec(L),
            full(wq), full(bq), full(wn), full(bn), full(wo), full(bo),
        ],
        out_specs=pl.BlockSpec((BLK_Q, EMB), lambda i: (i, 0)),
        out_shape=jax.ShapeDtypeStruct((Q, EMB), jnp.float32),
    )(xq, plo, phi, nlo, nhi, dp, dn, wq, bq, wn, bn, wo, bo)


def _prep_he(idx):
    idx = idx.astype(jnp.int32)
    pad = jnp.full((E_PAD - E,), DUMMY_HE, jnp.int32)
    return jnp.concatenate([idx, pad]).reshape(NS, R_TILE, 128)


def _prep_node(idx):
    idx = idx.astype(jnp.int32)
    pad = jnp.zeros((E_PAD - E,), jnp.int32)
    idx2 = 2 * jnp.concatenate([idx, pad])
    return jnp.stack([idx2, idx2 + 1]).reshape(NC, NS, R_TILE, 128)


def kernel(x, pos_node_idx, pos_he_idx, neg_node_idx, neg_he_idx,
           W_q, b_q, W_n, b_n, W_out, b_out):
    x2 = x.astype(jnp.bfloat16).reshape(2 * N, HALF)
    pn = _prep_node(pos_node_idx)
    ph = _prep_he(pos_he_idx)
    nn = _prep_node(neg_node_idx)
    nh = _prep_he(neg_he_idx)

    pos_lo, pos_hi, neg_lo, neg_hi = _sum_call(x2, pn, ph, nn, nh)
    deg_pos, deg_neg = _deg_call(ph, nh)

    return _tc_call(x, pos_lo, pos_hi, neg_lo, neg_hi, deg_pos, deg_neg,
                    W_q, b_q.reshape(1, D), W_n, b_n.reshape(1, D),
                    W_out, b_out.reshape(1, EMB))

# --- scband reference (transcript-rebuilt; emitter-appended) ---
"""Pipeline reference for scband-hypergraph-dual-channel-78726750536358 (READ-ONLY COPY).

The authoritative reference and input builder live on the scoring server;
editing this copy changes nothing except your own understanding.
"""

import jax, jax.numpy as jnp
import numpy as np

Q = 25000
N = 50000
E = 400000
D = 128
EMB = 128

def setup_inputs(seed: int = 0):
    key = jax.random.key(seed)
    ks = jax.random.split(key, 10)
    x = jax.random.normal(ks[0], (N, D), dtype=jnp.float32)
    pos_node_idx = jax.random.randint(ks[1], (E,), 0, N)
    pos_he_idx = jax.random.randint(ks[2], (E,), 0, Q)
    neg_node_idx = jax.random.randint(ks[3], (E,), 0, N)
    neg_he_idx = jax.random.randint(ks[4], (E,), 0, Q)
    s = 1.0 / np.sqrt(2 * D)
    W_q = jax.random.normal(ks[5], (2 * D, D), dtype=jnp.float32) * s
    b_q = jnp.zeros((D,), jnp.float32)
    W_n = jax.random.normal(ks[6], (2 * D, D), dtype=jnp.float32) * s
    b_n = jnp.zeros((D,), jnp.float32)
    W_out = jax.random.normal(ks[7], (2 * D, EMB), dtype=jnp.float32) * s
    b_out = jnp.zeros((EMB,), jnp.float32)
    return {"x": x, "pos_node_idx": pos_node_idx, "pos_he_idx": pos_he_idx,
            "neg_node_idx": neg_node_idx, "neg_he_idx": neg_he_idx,
            "W_q": W_q, "b_q": b_q, "W_n": W_n, "b_n": b_n,
            "W_out": W_out, "b_out": b_out}

def reference(x, pos_node_idx, pos_he_idx, neg_node_idx, neg_he_idx,
              W_q, b_q, W_n, b_n, W_out, b_out):
    # dual-channel hypergraph aggregation: gather node feats along incidences,
    # scatter-add (segment_sum) into hyperedges (questions), degree-normalize.
    xq = x[:Q]
    pos_gather = x[pos_node_idx]                              # [E, D] gather
    pos_msg = jax.ops.segment_sum(pos_gather, pos_he_idx, num_segments=Q)
    pos_deg = jax.ops.segment_sum(jnp.ones((E,), jnp.float32), pos_he_idx, num_segments=Q)
    pos_msg = pos_msg / jnp.maximum(pos_deg, 1.0)[:, None]
    neg_gather = x[neg_node_idx]
    neg_msg = jax.ops.segment_sum(neg_gather, neg_he_idx, num_segments=Q)
    neg_deg = jax.ops.segment_sum(jnp.ones((E,), jnp.float32), neg_he_idx, num_segments=Q)
    neg_msg = neg_msg / jnp.maximum(neg_deg, 1.0)[:, None]
    h_pos = jax.nn.relu(jnp.concatenate([xq, pos_msg], axis=-1) @ W_q + b_q)
    h_neg = jax.nn.relu(jnp.concatenate([xq, neg_msg], axis=-1) @ W_n + b_n)
    out = jnp.concatenate([h_pos, h_neg], axis=-1) @ W_out + b_out
    return out

if __name__ == "__main__":
    import jax
    _d = setup_inputs()
    print(jax.jit(kernel)(*tuple(_d.values())))

</pallas_src>

<mosaic_0001>
#map = affine_map<(d0, d1) -> (0, 0)>
#map1 = affine_map<(d0, d1) -> (0, 0, 0, 0)>
#map2 = affine_map<(d0, d1) -> (0, 0, 0)>
module attributes {stable_mosaic.version = 14 : i64} {
  func.func @_sum_body(%arg0: i32, %arg1: i32, %arg2: memref<100000x64xbf16, #tpu.memory_space<hbm>>, %arg3: memref<2x16x200x128xi32, #tpu.memory_space<hbm>>, %arg4: memref<16x200x128xi32, #tpu.memory_space<hbm>>, %arg5: memref<2x16x200x128xi32, #tpu.memory_space<hbm>>, %arg6: memref<16x200x128xi32, #tpu.memory_space<hbm>>, %arg7: memref<25088x64xbf16, #tpu.memory_space<hbm>>, %arg8: memref<25088x64xbf16, #tpu.memory_space<hbm>>, %arg9: memref<25088x64xbf16, #tpu.memory_space<hbm>>, %arg10: memref<25088x64xbf16, #tpu.memory_space<hbm>>, %arg11: memref<25088x64xbf16, #tpu.memory_space<vmem_shared>>, %arg12: memref<200x128xi32, #tpu.memory_space<vmem>>, %arg13: memref<200x128xi32, #tpu.memory_space<vmem>>, %arg14: memref<128x64xbf16, #tpu.memory_space<vmem>>, %arg15: memref<128x64xbf16, #tpu.memory_space<vmem>>, %arg16: memref<128x64xbf16, #tpu.memory_space<vmem>>, %arg17: memref<128x64xbf16, #tpu.memory_space<vmem>>, %arg18: memref<!tpu.dma_semaphore, #tpu.memory_space<semaphore_mem>>, %arg19: memref<!tpu.dma_semaphore, #tpu.memory_space<semaphore_mem>>, %arg20: memref<!tpu.dma_semaphore, #tpu.memory_space<semaphore_mem>>, %arg21: memref<!tpu.dma_semaphore, #tpu.memory_space<semaphore_mem>>) attributes {dimension_semantics = [#tpu.dimension_semantics<core_parallel>, #tpu.dimension_semantics<subcore_parallel>], iteration_bounds = array<i64: 2, 16>, scalar_prefetch = 0 : i64, scratch_operands = 11 : i64, tpu.core_type = #tpu.core_type<sc_vector_subcore>, window_params = [{transform_indices = #map}, {transform_indices = #map1}, {transform_indices = #map2}, {transform_indices = #map1}, {transform_indices = #map2}, {transform_indices = #map}, {transform_indices = #map}, {transform_indices = #map}, {transform_indices = #map}]} {
    %mul3A = arith.constant 1568 : i32
    %mul3A_0 = arith.muli %arg1, %mul3A : i32
    %broadcast_in_dim3A = arith.constant 0.000000e+00 : bf16
    %broadcast_in_dim3A_1 = vector.broadcast %broadcast_in_dim3A : bf16 to vector<32xbf16>
    %scan3A = arith.constant 0 : i32
    %scan3A_2 = arith.constant 0 : i32
    %scan3A_3 = arith.constant 256 : i32
    %scan3A_4 = arith.addi %scan3A_2, %scan3A_3 : i32
    %scan3A_5 = arith.constant 1 : i32
    %scan3A_6 = scf.for %scan3A_185 = %scan3A_2 to %scan3A_4 step %scan3A_5 iter_args(%scan3A_186 = %scan3A) -> (i32)  : i32 {
      %jit3A = arith.constant 2 : i32
      %div3A = arith.divsi %scan3A_185, %jit3A : i32
      %sign3A = arith.constant 0 : i32
      %sign3A_187 = arith.cmpi sgt, %scan3A_185, %sign3A : i32
      %sign3A_188 = arith.extui %sign3A_187 : i1 to i32
      %sign3A_189 = arith.constant 0 : i32
      %sign3A_190 = arith.cmpi slt, %scan3A_185, %sign3A_189 : i32
      %sign3A_191 = arith.extui %sign3A_190 : i1 to i32
      %sign3A_192 = arith.subi %sign3A_188, %sign3A_191 : i32
      %sign3A_193 = arith.constant 0 : i32
      %sign3A_194 = arith.cmpi sgt, %jit3A, %sign3A_193 : i32
      %sign3A_195 = arith.extui %sign3A_194 : i1 to i32
      %sign3A_196 = arith.constant 0 : i32
      %sign3A_197 = arith.cmpi slt, %jit3A, %sign3A_196 : i32
      %sign3A_198 = arith.extui %sign3A_197 : i1 to i32
      %sign3A_199 = arith.subi %sign3A_195, %sign3A_198 : i32
      %ne3A = arith.cmpi ne, %sign3A_192, %sign3A_199 : i32
      %rem3A = arith.remsi %scan3A_185, %jit3A : i32
      %ne3A_200 = arith.constant 0 : i32
      %ne3A_201 = arith.cmpi ne, %rem3A, %ne3A_200 : i32
      %and3A = arith.andi %ne3A, %ne3A_201 : i1
      %sub3A = arith.constant 1 : i32
      %sub3A_202 = arith.subi %div3A, %sub3A : i32
      %select_n3A = arith.select %and3A, %sub3A_202, %div3A : i32
      %jit3A_203 = arith.constant 2 : i32
      %eq3A_204 = arith.constant 0 : i32
      %eq3A_205 = arith.cmpi eq, %jit3A_203, %eq3A_204 : i32
      %jit3A_206 = arith.constant 1 : i32
      %select_n3A_207 = arith.select %eq3A_205, %jit3A_206, %jit3A_203 : i32
      %rem3A_208 = arith.remsi %scan3A_185, %select_n3A_207 : i32
      %ne3A_209 = arith.constant 0 : i32
      %ne3A_210 = arith.cmpi ne, %rem3A_208, %ne3A_209 : i32
      %lt3A = arith.constant 0 : i32
      %lt3A_211 = arith.cmpi slt, %rem3A_208, %lt3A : i32
      %lt3A_212 = arith.constant 0 : i32
      %lt3A_213 = arith.cmpi slt, %select_n3A_207, %lt3A_212 : i32
      %ne3A_214 = arith.xori %lt3A_211, %lt3A_213 : i1
      %and3A_215 = arith.andi %ne3A_214, %ne3A_210 : i1
      %add3A_216 = arith.addi %rem3A_208, %select_n3A_207 : i32
      %select_n3A_217 = arith.select %and3A_215, %add3A_216, %rem3A_208 : i32
      %mul3A_218 = arith.constant 2 : i32
      %mul3A_219 = arith.muli %select_n3A_217, %mul3A_218 : i32
      %mul3A_220 = arith.constant 16 : i32
      %mul3A_221 = arith.muli %mul3A_219, %mul3A_220 : i32
      %swap3A = arith.index_cast %select_n3A : i32 to index
      %swap3A_222 = arith.index_cast %mul3A_221 : i32 to index
      %swap3A_223 = tpu.vector_load %arg14[%swap3A, %swap3A_222] {strides = array<i32>} : memref<128x64xbf16, #tpu.memory_space<vmem>>, vector<1x32xbf16>,
      %swap3A_224 = vector.shape_cast %swap3A_223 : vector<1x32xbf16> to vector<32xbf16>
      %swap3A_225 = vector.shape_cast %broadcast_in_dim3A_1 : vector<32xbf16> to vector<1x32xbf16>
      tpu.vector_store %arg14[%swap3A, %swap3A_222], %swap3A_225 {strides = array<i32>} : memref<128x64xbf16, #tpu.memory_space<vmem>>, vector<1x32xbf16>,
      %scan3A_226 = arith.constant 0 : i32
      scf.yield %scan3A_226 : i32
    }
    %scan3A_7 = arith.constant 256 : i32
    %scan3A_8 = arith.constant 0 : i32
    %scan3A_9 = arith.constant 0 : i32
    %scan3A_10 = arith.constant 12 : i32
    %scan3A_11 = arith.addi %scan3A_9, %scan3A_10 : i32
    %scan3A_12 = arith.constant 1 : i32
    %scan3A_13 = scf.for %scan3A_185 = %scan3A_9 to %scan3A_11 step %scan3A_12 iter_args(%scan3A_186 = %scan3A_8) -> (i32)  : i32 {
      %mul3A_187 = arith.constant 128 : i32
      %mul3A_188 = arith.muli %scan3A_185, %mul3A_187 : i32
      %add3A_189 = arith.addi %mul3A_0, %mul3A_188 : i32
      "tpu.region"() ({
        %run_scoped3A_191 = tpu.sem_alloc : memref<!tpu.dma_semaphore, #tpu.memory_space<semaphore_mem>>
        %dma_start3A_192 = arith.constant 0 : i32
        %dma_start3A_193 = tpu.memref_slice %arg11[%add3A_189, %dma_start3A_192] : memref<25088x64xbf16, #tpu.memory_space<vmem_shared>> -> memref<128x64xbf16, #tpu.memory_space<vmem_shared>>
        %dma_start3A_194 = arith.constant 0 : i32
        %dma_start3A_195 = tpu.memref_slice %arg11[%add3A_189, %dma_start3A_194] : memref<25088x64xbf16, #tpu.memory_space<vmem_shared>> -> memref<128x64xbf16, #tpu.memory_space<vmem_shared>>
        tpu.enqueue_dma source(%arg14 : memref<128x64xbf16, #tpu.memory_space<vmem>>) target(%dma_start3A_195 : memref<128x64xbf16, #tpu.memory_space<vmem_shared>>) target_semaphore(%run_scoped3A_191 : memref<!tpu.dma_semaphore, #tpu.memory_space<semaphore_mem>>)
        %dma_wait3A_196 = arith.constant 0 : i32
        %dma_wait3A_197 = tpu.memref_slice %arg11[%add3A_189, %dma_wait3A_196] : memref<25088x64xbf16, #tpu.memory_space<vmem_shared>> -> memref<128x64xbf16, #tpu.memory_space<vmem_shared>>
        %dma_wait3A_198 = arith.constant 0 : i32
        %dma_wait3A_199 = tpu.memref_slice %arg11[%add3A_189, %dma_wait3A_198] : memref<25088x64xbf16, #tpu.memory_space<vmem_shared>> -> memref<128x64xbf16, #tpu.memory_space<vmem_shared>>
        tpu.wait_dma2 semaphore(%run_scoped3A_191 : memref<!tpu.dma_semaphore, #tpu.memory_space<semaphore_mem>>) src(%arg14 : memref<128x64xbf16, #tpu.memory_space<vmem>>) dst(%dma_wait3A_199 : memref<128x64xbf16, #tpu.memory_space<vmem_shared>>)
        tpu.yield
      }) : () -> ()
      %scan3A_190 = arith.constant 0 : i32
      scf.yield %scan3A_190 : i32
    }
    %scan3A_14 = arith.constant 12 : i32
    %add3A = arith.constant 1536 : i32
    %add3A_15 = arith.addi %mul3A_0, %add3A : i32
    "tpu.region"() ({
      %run_scoped3A_185 = tpu.sem_alloc : memref<!tpu.dma_semaphore, #tpu.memory_space<semaphore_mem>>
      %dma_start3A_186 = arith.constant 0 : i32
      %dma_start3A_187 = arith.constant 0 : i32
      %dma_start3A_188 = tpu.memref_slice %arg14[%dma_start3A_186, %dma_start3A_187] : memref<128x64xbf16, #tpu.memory_space<vmem>> -> memref<32x64xbf16, #tpu.memory_space<vmem>>
      %dma_start3A_189 = arith.constant 0 : i32
      %dma_start3A_190 = tpu.memref_slice %arg11[%add3A_15, %dma_start3A_189] : memref<25088x64xbf16, #tpu.memory_space<vmem_shared>> -> memref<32x64xbf16, #tpu.memory_space<vmem_shared>>
      %dma_start3A_191 = arith.constant 0 : i32
      %dma_start3A_192 = tpu.memref_slice %arg11[%add3A_15, %dma_start3A_191] : memref<25088x64xbf16, #tpu.memory_space<vmem_shared>> -> memref<32x64xbf16, #tpu.memory_space<vmem_shared>>
      %dma_start3A_193 = arith.constant 0 : i32
      %dma_start3A_194 = arith.constant 0 : i32
      %dma_start3A_195 = tpu.memref_slice %arg14[%dma_start3A_193, %dma_start3A_194] : memref<128x64xbf16, #tpu.memory_space<vmem>> -> memref<32x64xbf16, #tpu.memory_space<vmem>>
      tpu.enqueue_dma source(%dma_start3A_195 : memref<32x64xbf16, #tpu.memory_space<vmem>>) target(%dma_start3A_192 : memref<32x64xbf16, #tpu.memory_space<vmem_shared>>) target_semaphore(%run_scoped3A_185 : memref<!tpu.dma_semaphore, #tpu.memory_space<semaphore_mem>>)
      %dma_wait3A_196 = arith.constant 0 : i32
      %dma_wait3A_197 = arith.constant 0 : i32
      %dma_wait3A_198 = tpu.memref_slice %arg14[%dma_wait3A_196, %dma_wait3A_197] : memref<128x64xbf16, #tpu.memory_space<vmem>> -> memref<32x64xbf16, #tpu.memory_space<vmem>>
      %dma_wait3A_199 = arith.constant 0 : i32
      %dma_wait3A_200 = tpu.memref_slice %arg11[%add3A_15, %dma_wait3A_199] : memref<25088x64xbf16, #tpu.memory_space<vmem_shared>> -> memref<32x64xbf16, #tpu.memory_space<vmem_shared>>
      %dma_wait3A_201 = arith.constant 0 : i32
      %dma_wait3A_202 = tpu.memref_slice %arg11[%add3A_15, %dma_wait3A_201] : memref<25088x64xbf16, #tpu.memory_space<vmem_shared>> -> memref<32x64xbf16, #tpu.memory_space<vmem_shared>>
      %dma_wait3A_203 = arith.constant 0 : i32
      %dma_wait3A_204 = arith.constant 0 : i32
      %dma_wait3A_205 = tpu.memref_slice %arg14[%dma_wait3A_203, %dma_wait3A_204] : memref<128x64xbf16, #tpu.memory_space<vmem>> -> memref<32x64xbf16, #tpu.memory_space<vmem>>
      tpu.wait_dma2 semaphore(%run_scoped3A_185 : memref<!tpu.dma_semaphore, #tpu.memory_space<semaphore_mem>>) src(%dma_wait3A_205 : memref<32x64xbf16, #tpu.memory_space<vmem>>) dst(%dma_wait3A_202 : memref<32x64xbf16, #tpu.memory_space<vmem_shared>>)
      tpu.yield
    }) : () -> ()
    %barrier3A = arith.constant 0 : index
    tpu.barrier barrier_id(%barrier3A)
    "tpu.region"() ({
      %run_scoped3A_185 = tpu.sem_alloc : memref<!tpu.dma_semaphore, #tpu.memory_space<semaphore_mem>>
      %dma_start3A_186 = arith.constant 0 : i32
      %dma_start3A_187 = arith.constant 0 : i32
      %dma_start3A_188 = arith.constant 0 : i32
      %dma_start3A_189 = tpu.memref_slice %arg3[%arg0, %dma_start3A_186, %dma_start3A_187, %dma_start3A_188] : memref<2x16x200x128xi32, #tpu.memory_space<hbm>> -> memref<1x16x200x128xi32, #tpu.memory_space<hbm>>
      %dma_start3A_190 = tpu.memref_squeeze %dma_start3A_189 : memref<1x16x200x128xi32, #tpu.memory_space<hbm>> -> memref<16x200x128xi32, #tpu.memory_space<hbm>>
      %dma_start3A_191 = arith.constant 0 : i32
      %dma_start3A_192 = arith.constant 0 : i32
      %dma_start3A_193 = tpu.memref_slice %dma_start3A_190[%arg1, %dma_start3A_191, %dma_start3A_192] : memref<16x200x128xi32, #tpu.memory_space<hbm>> -> memref<1x200x128xi32, #tpu.memory_space<hbm>>
      %dma_start3A_194 = tpu.memref_squeeze %dma_start3A_193 : memref<1x200x128xi32, #tpu.memory_space<hbm>> -> memref<200x128xi32, #tpu.memory_space<hbm>>
      %dma_start3A_195 = arith.constant 0 : i32
      %dma_start3A_196 = arith.constant 0 : i32
      %dma_start3A_197 = arith.constant 0 : i32
      %dma_start3A_198 = tpu.memref_slice %arg3[%arg0, %dma_start3A_195, %dma_start3A_196, %dma_start3A_197] : memref<2x16x200x128xi32, #tpu.memory_space<hbm>> -> memref<1x16x200x128xi32, #tpu.memory_space<hbm>>
      %dma_start3A_199 = tpu.memref_squeeze %dma_start3A_198 : memref<1x16x200x128xi32, #tpu.memory_space<hbm>> -> memref<16x200x128xi32, #tpu.memory_space<hbm>>
      %dma_start3A_200 = arith.constant 0 : i32
      %dma_start3A_201 = arith.constant 0 : i32
      %dma_start3A_202 = tpu.memref_slice %dma_start3A_199[%arg1, %dma_start3A_200, %dma_start3A_201] : memref<16x200x128xi32, #tpu.memory_space<hbm>> -> memref<1x200x128xi32, #tpu.memory_space<hbm>>
      %dma_start3A_203 = tpu.memref_squeeze %dma_start3A_202 : memref<1x200x128xi32, #tpu.memory_space<hbm>> -> memref<200x128xi32, #tpu.memory_space<hbm>>
      tpu.enqueue_dma source(%dma_start3A_203 : memref<200x128xi32, #tpu.memory_space<hbm>>) target(%arg12 : memref<200x128xi32, #tpu.memory_space<vmem>>) target_semaphore(%run_scoped3A_185 : memref<!tpu.dma_semaphore, #tpu.memory_space<semaphore_mem>>)
      %dma_wait3A_204 = arith.constant 0 : i32
      %dma_wait3A_205 = arith.constant 0 : i32
      %dma_wait3A_206 = arith.constant 0 : i32
      %dma_wait3A_207 = tpu.memref_slice %arg3[%arg0, %dma_wait3A_204, %dma_wait3A_205, %dma_wait3A_206] : memref<2x16x200x128xi32, #tpu.memory_space<hbm>> -> memref<1x16x200x128xi32, #tpu.memory_space<hbm>>
      %dma_wait3A_208 = tpu.memref_squeeze %dma_wait3A_207 : memref<1x16x200x128xi32, #tpu.memory_space<hbm>> -> memref<16x200x128xi32, #tpu.memory_space<hbm>>
      %dma_wait3A_209 = arith.constant 0 : i32
      %dma_wait3A_210 = arith.constant 0 : i32
      %dma_wait3A_211 = tpu.memref_slice %dma_wait3A_208[%arg1, %dma_wait3A_209, %dma_wait3A_210] : memref<16x200x128xi32, #tpu.memory_space<hbm>> -> memref<1x200x128xi32, #tpu.memory_space<hbm>>
      %dma_wait3A_212 = tpu.memref_squeeze %dma_wait3A_211 : memref<1x200x128xi32, #tpu.memory_space<hbm>> -> memref<200x128xi32, #tpu.memory_space<hbm>>
      %dma_wait3A_213 = arith.constant 0 : i32
      %dma_wait3A_214 = arith.constant 0 : i32
      %dma_wait3A_215 = arith.constant 0 : i32
      %dma_wait3A_216 = tpu.memref_slice %arg3[%arg0, %dma_wait3A_213, %dma_wait3A_214, %dma_wait3A_215] : memref<2x16x200x128xi32, #tpu.memory_space<hbm>> -> memref<1x16x200x128xi32, #tpu.memory_space<hbm>>
      %dma_wait3A_217 = tpu.memref_squeeze %dma_wait3A_216 : memref<1x16x200x128xi32, #tpu.memory_space<hbm>> -> memref<16x200x128xi32, #tpu.memory_space<hbm>>
      %dma_wait3A_218 = arith.constant 0 : i32
      %dma_wait3A_219 = arith.constant 0 : i32
      %dma_wait3A_220 = tpu.memref_slice %dma_wait3A_217[%arg1, %dma_wait3A_218, %dma_wait3A_219] : memref<16x200x128xi32, #tpu.memory_space<hbm>> -> memref<1x200x128xi32, #tpu.memory_space<hbm>>
      %dma_wait3A_221 = tpu.memref_squeeze %dma_wait3A_220 : memref<1x200x128xi32, #tpu.memory_space<hbm>> -> memref<200x128xi32, #tpu.memory_space<hbm>>
      tpu.wait_dma2 semaphore(%run_scoped3A_185 : memref<!tpu.dma_semaphore, #tpu.memory_space<semaphore_mem>>) src(%dma_wait3A_221 : memref<200x128xi32, #tpu.memory_space<hbm>>) dst(%arg12 : memref<200x128xi32, #tpu.memory_space<vmem>>)
      tpu.yield
    }) : () -> ()
    "tpu.region"() ({
      %run_scoped3A_185 = tpu.sem_alloc : memref<!tpu.dma_semaphore, #tpu.memory_space<semaphore_mem>>
      %dma_start3A_186 = arith.constant 0 : i32
      %dma_start3A_187 = arith.constant 0 : i32
      %dma_start3A_188 = tpu.memref_slice %arg4[%arg1, %dma_start3A_186, %dma_start3A_187] : memref<16x200x128xi32, #tpu.memory_space<hbm>> -> memref<1x200x128xi32, #tpu.memory_space<hbm>>
      %dma_start3A_189 = tpu.memref_squeeze %dma_start3A_188 : memref<1x200x128xi32, #tpu.memory_space<hbm>> -> memref<200x128xi32, #tpu.memory_space<hbm>>
      %dma_start3A_190 = arith.constant 0 : i32
      %dma_start3A_191 = arith.constant 0 : i32
      %dma_start3A_192 = tpu.memref_slice %arg4[%arg1, %dma_start3A_190, %dma_start3A_191] : memref<16x200x128xi32, #tpu.memory_space<hbm>> -> memref<1x200x128xi32, #tpu.memory_space<hbm>>
      %dma_start3A_193 = tpu.memref_squeeze %dma_start3A_192 : memref<1x200x128xi32, #tpu.memory_space<hbm>> -> memref<200x128xi32, #tpu.memory_space<hbm>>
      tpu.enqueue_dma source(%dma_start3A_193 : memref<200x128xi32, #tpu.memory_space<hbm>>) target(%arg13 : memref<200x128xi32, #tpu.memory_space<vmem>>) target_semaphore(%run_scoped3A_185 : memref<!tpu.dma_semaphore, #tpu.memory_space<semaphore_mem>>)
      %dma_wait3A_194 = arith.constant 0 : i32
      %dma_wait3A_195 = arith.constant 0 : i32
      %dma_wait3A_196 = tpu.memref_slice %arg4[%arg1, %dma_wait3A_194, %dma_wait3A_195] : memref<16x200x128xi32, #tpu.memory_space<hbm>> -> memref<1x200x128xi32, #tpu.memory_space<hbm>>
      %dma_wait3A_197 = tpu.memref_squeeze %dma_wait3A_196 : memref<1x200x128xi32, #tpu.memory_space<hbm>> -> memref<200x128xi32, #tpu.memory_space<hbm>>
      %dma_wait3A_198 = arith.constant 0 : i32
      %dma_wait3A_199 = arith.constant 0 : i32
      %dma_wait3A_200 = tpu.memref_slice %arg4[%arg1, %dma_wait3A_198, %dma_wait3A_199] : memref<16x200x128xi32, #tpu.memory_space<hbm>> -> memref<1x200x128xi32, #tpu.memory_space<hbm>>
      %dma_wait3A_201 = tpu.memref_squeeze %dma_wait3A_200 : memref<1x200x128xi32, #tpu.memory_space<hbm>> -> memref<200x128xi32, #tpu.memory_space<hbm>>
      tpu.wait_dma2 semaphore(%run_scoped3A_185 : memref<!tpu.dma_semaphore, #tpu.memory_space<semaphore_mem>>) src(%dma_wait3A_201 : memref<200x128xi32, #tpu.memory_space<hbm>>) dst(%arg13 : memref<200x128xi32, #tpu.memory_space<vmem>>)
      tpu.yield
    }) : () -> ()
    %dma_start3A = arith.constant 0 : i32
    %dma_start3A_16 = arith.constant 0 : i32
    %dma_start3A_17 = tpu.memref_slice %arg12[%dma_start3A, %dma_start3A_16] : memref<200x128xi32, #tpu.memory_space<vmem>> -> memref<1x128xi32, #tpu.memory_space<vmem>>
    %dma_start3A_18 = tpu.memref_squeeze %dma_start3A_17 : memref<1x128xi32, #tpu.memory_space<vmem>> -> memref<128xi32, #tpu.memory_space<vmem>>
    %dma_start3A_19 = arith.constant 0 : i32
    %dma_start3A_20 = arith.constant 0 : i32
    %dma_start3A_21 = tpu.memref_slice %arg2[%dma_start3A_19, %dma_start3A_20] : memref<100000x64xbf16, #tpu.memory_space<hbm>> -> memref<100000x64xbf16, #tpu.memory_space<hbm>>
    tpu.enqueue_indirect_dma source(%dma_start3A_21 : memref<100000x64xbf16, #tpu.memory_space<hbm>>) target(%arg14 : memref<128x64xbf16, #tpu.memory_space<vmem>>) offsets(%dma_start3A_18 : memref<128xi32, #tpu.memory_space<vmem>>) semaphore(%arg18 : memref<!tpu.dma_semaphore, #tpu.memory_space<semaphore_mem>>)
    %dma_start3A_22 = arith.constant 1 : i32
    %dma_start3A_23 = arith.constant 0 : i32
    %dma_start3A_24 = tpu.memref_slice %arg12[%dma_start3A_22, %dma_start3A_23] : memref<200x128xi32, #tpu.memory_space<vmem>> -> memref<1x128xi32, #tpu.memory_space<vmem>>
    %dma_start3A_25 = tpu.memref_squeeze %dma_start3A_24 : memref<1x128xi32, #tpu.memory_space<vmem>> -> memref<128xi32, #tpu.memory_space<vmem>>
    %dma_start3A_26 = arith.constant 0 : i32
    %dma_start3A_27 = arith.constant 0 : i32
    %dma_start3A_28 = tpu.memref_slice %arg2[%dma_start3A_26, %dma_start3A_27] : memref<100000x64xbf16, #tpu.memory_space<hbm>> -> memref<100000x64xbf16, #tpu.memory_space<hbm>>
    tpu.enqueue_indirect_dma source(%dma_start3A_28 : memref<100000x64xbf16, #tpu.memory_space<hbm>>) target(%arg15 : memref<128x64xbf16, #tpu.memory_space<vmem>>) offsets(%dma_start3A_25 : memref<128xi32, #tpu.memory_space<vmem>>) semaphore(%arg19 : memref<!tpu.dma_semaphore, #tpu.memory_space<semaphore_mem>>)
    %dma_start3A_29 = arith.constant 2 : i32
    %dma_start3A_30 = arith.constant 0 : i32
    %dma_start3A_31 = tpu.memref_slice %arg12[%dma_start3A_29, %dma_start3A_30] : memref<200x128xi32, #tpu.memory_space<vmem>> -> memref<1x128xi32, #tpu.memory_space<vmem>>
    %dma_start3A_32 = tpu.memref_squeeze %dma_start3A_31 : memref<1x128xi32, #tpu.memory_space<vmem>> -> memref<128xi32, #tpu.memory_space<vmem>>
    %dma_start3A_33 = arith.constant 0 : i32
    %dma_start3A_34 = arith.constant 0 : i32
    %dma_start3A_35 = tpu.memref_slice %arg2[%dma_start3A_33, %dma_start3A_34] : memref<100000x64xbf16, #tpu.memory_space<hbm>> -> memref<100000x64xbf16, #tpu.memory_space<hbm>>
    tpu.enqueue_indirect_dma source(%dma_start3A_35 : memref<100000x64xbf16, #tpu.memory_space<hbm>>) target(%arg16 : memref<128x64xbf16, #tpu.memory_space<vmem>>) offsets(%dma_start3A_32 : memref<128xi32, #tpu.memory_space<vmem>>) semaphore(%arg20 : memref<!tpu.dma_semaphore, #tpu.memory_space<semaphore_mem>>)
    %dma_start3A_36 = arith.constant 3 : i32
    %dma_start3A_37 = arith.constant 0 : i32
    %dma_start3A_38 = tpu.memref_slice %arg12[%dma_start3A_36, %dma_start3A_37] : memref<200x128xi32, #tpu.memory_space<vmem>> -> memref<1x128xi32, #tpu.memory_space<vmem>>
    %dma_start3A_39 = tpu.memref_squeeze %dma_start3A_38 : memref<1x128xi32, #tpu.memory_space<vmem>> -> memref<128xi32, #tpu.memory_space<vmem>>
    %dma_start3A_40 = arith.constant 0 : i32
    %dma_start3A_41 = arith.constant 0 : i32
    %dma_start3A_42 = tpu.memref_slice %arg2[%dma_start3A_40, %dma_start3A_41] : memref<100000x64xbf16, #tpu.memory_space<hbm>> -> memref<100000x64xbf16, #tpu.memory_space<hbm>>
    tpu.enqueue_indirect_dma source(%dma_start3A_42 : memref<100000x64xbf16, #tpu.memory_space<hbm>>) target(%arg17 : memref<128x64xbf16, #tpu.memory_space<vmem>>) offsets(%dma_start3A_39 : memref<128xi32, #tpu.memory_space<vmem>>) semaphore(%arg21 : memref<!tpu.dma_semaphore, #tpu.memory_space<semaphore_mem>>)
    %scan3A_43 = arith.constant 0 : i32
    %scan3A_44 = arith.constant 0 : i32
    %scan3A_45 = arith.constant 49 : i32
    %scan3A_46 = arith.addi %scan3A_44, %scan3A_45 : i32
    %scan3A_47 = arith.constant 1 : i32
    %scan3A_48 = scf.for %scan3A_185 = %scan3A_44 to %scan3A_46 step %scan3A_47 iter_args(%scan3A_186 = %scan3A_43) -> (i32)  : i32 {
      %mul3A_187 = arith.constant 4 : i32
      %mul3A_188 = arith.muli %mul3A_187, %scan3A_185 : i32
      %add3A_189 = arith.constant 0 : i32
      %add3A_190 = arith.addi %mul3A_188, %add3A_189 : i32
      %dma_wait3A_191 = arith.constant 0 : i32
      %dma_wait3A_192 = tpu.memref_slice %arg12[%add3A_190, %dma_wait3A_191] : memref<200x128xi32, #tpu.memory_space<vmem>> -> memref<1x128xi32, #tpu.memory_space<vmem>>
      %dma_wait3A_193 = tpu.memref_squeeze %dma_wait3A_192 : memref<1x128xi32, #tpu.memory_space<vmem>> -> memref<128xi32, #tpu.memory_space<vmem>>
      %dma_wait3A_194 = arith.constant 0 : i32
      %dma_wait3A_195 = arith.constant 0 : i32
      %dma_wait3A_196 = tpu.memref_slice %arg2[%dma_wait3A_194, %dma_wait3A_195] : memref<100000x64xbf16, #tpu.memory_space<hbm>> -> memref<100000x64xbf16, #tpu.memory_space<hbm>>
      tpu.wait_indirect_dma semaphore(%arg18 : memref<!tpu.dma_semaphore, #tpu.memory_space<semaphore_mem>>) src(%dma_wait3A_196 : memref<100000x64xbf16, #tpu.memory_space<hbm>>) dst(%arg14 : memref<128x64xbf16, #tpu.memory_space<vmem>>)
      "tpu.region"() ({
        %run_scoped3A_260 = tpu.sem_alloc : memref<!tpu.dma_semaphore, #tpu.memory_space<semaphore_mem>>
        %dma_start3A_261 = arith.constant 0 : i32
        %dma_start3A_262 = tpu.memref_slice %arg13[%add3A_190, %dma_start3A_261] : memref<200x128xi32, #tpu.memory_space<vmem>> -> memref<1x128xi32, #tpu.memory_space<vmem>>
        %dma_start3A_263 = tpu.memref_squeeze %dma_start3A_262 : memref<1x128xi32, #tpu.memory_space<vmem>> -> memref<128xi32, #tpu.memory_space<vmem>>
        %dma_start3A_264 = arith.constant 0 : i32
        %dma_start3A_265 = arith.constant 0 : i32
        %dma_start3A_266 = tpu.memref_slice %arg11[%dma_start3A_264, %dma_start3A_265] : memref<25088x64xbf16, #tpu.memory_space<vmem_shared>> -> memref<25088x64xbf16, #tpu.memory_space<vmem_shared>>
        tpu.enqueue_indirect_dma source(%arg14 : memref<128x64xbf16, #tpu.memory_space<vmem>>) target(%dma_start3A_266 : memref<25088x64xbf16, #tpu.memory_space<vmem_shared>>) offsets(%dma_start3A_263 : memref<128xi32, #tpu.memory_space<vmem>>) semaphore(%run_scoped3A_260 : memref<!tpu.dma_semaphore, #tpu.memory_space<semaphore_mem>>) {add = true}
        %dma_wait3A_267 = arith.constant 0 : i32
        %dma_wait3A_268 = tpu.memref_slice %arg13[%add3A_190, %dma_wait3A_267] : memref<200x128xi32, #tpu.memory_space<vmem>> -> memref<1x128xi32, #tpu.memory_space<vmem>>
        %dma_wait3A_269 = tpu.memref_squeeze %dma_wait3A_268 : memref<1x128xi32, #tpu.memory_space<vmem>> -> memref<128xi32, #tpu.memory_space<vmem>>
        %dma_wait3A_270 = arith.constant 0 : i32
        %dma_wait3A_271 = arith.constant 0 : i32
        %dma_wait3A_272 = tpu.memref_slice %arg11[%dma_wait3A_270, %dma_wait3A_271] : memref<25088x64xbf16, #tpu.memory_space<vmem_shared>> -> memref<25088x64xbf16, #tpu.memory_space<vmem_shared>>
        tpu.wait_indirect_dma semaphore(%run_scoped3A_260 : memref<!tpu.dma_semaphore, #tpu.memory_space<semaphore_mem>>) src(%arg14 : memref<128x64xbf16, #tpu.memory_space<vmem>>) dst(%dma_wait3A_272 : memref<25088x64xbf16, #tpu.memory_space<vmem_shared>>)
        tpu.yield
      }) : () -> ()
      %add3A_197 = arith.constant 4 : i32
      %add3A_198 = arith.addi %add3A_190, %add3A_197 : i32
      %dma_start3A_199 = arith.constant 0 : i32
      %dma_start3A_200 = tpu.memref_slice %arg12[%add3A_198, %dma_start3A_199] : memref<200x128xi32, #tpu.memory_space<vmem>> -> memref<1x128xi32, #tpu.memory_space<vmem>>
      %dma_start3A_201 = tpu.memref_squeeze %dma_start3A_200 : memref<1x128xi32, #tpu.memory_space<vmem>> -> memref<128xi32, #tpu.memory_space<vmem>>
      %dma_start3A_202 = arith.constant 0 : i32
      %dma_start3A_203 = arith.constant 0 : i32
      %dma_start3A_204 = tpu.memref_slice %arg2[%dma_start3A_202, %dma_start3A_203] : memref<100000x64xbf16, #tpu.memory_space<hbm>> -> memref<100000x64xbf16, #tpu.memory_space<hbm>>
      tpu.enqueue_indirect_dma source(%dma_start3A_204 : memref<100000x64xbf16, #tpu.memory_space<hbm>>) target(%arg14 : memref<128x64xbf16, #tpu.memory_space<vmem>>) offsets(%dma_start3A_201 : memref<128xi32, #tpu.memory_space<vmem>>) semaphore(%arg18 : memref<!tpu.dma_semaphore, #tpu.memory_space<semaphore_mem>>)
      %mul3A_205 = arith.constant 4 : i32
      %mul3A_206 = arith.muli %mul3A_205, %scan3A_185 : i32
      %add3A_207 = arith.constant 1 : i32
      %add3A_208 = arith.addi %mul3A_206, %add3A_207 : i32
      %dma_wait3A_209 = arith.constant 0 : i32
      %dma_wait3A_210 = tpu.memref_slice %arg12[%add3A_208, %dma_wait3A_209] : memref<200x128xi32, #tpu.memory_space<vmem>> -> memref<1x128xi32, #tpu.memory_space<vmem>>
      %dma_wait3A_211 = tpu.memref_squeeze %dma_wait3A_210 : memref<1x128xi32, #tpu.memory_space<vmem>> -> memref<128xi32, #tpu.memory_space<vmem>>
      %dma_wait3A_212 = arith.constant 0 : i32
      %dma_wait3A_213 = arith.constant 0 : i32
      %dma_wait3A_214 = tpu.memref_slice %arg2[%dma_wait3A_212, %dma_wait3A_213] : memref<100000x64xbf16, #tpu.memory_space<hbm>> -> memref<100000x64xbf16, #tpu.memory_space<hbm>>
      tpu.wait_indirect_dma semaphore(%arg19 : memref<!tpu.dma_semaphore, #tpu.memory_space<semaphore_mem>>) src(%dma_wait3A_214 : memref<100000x64xbf16, #tpu.memory_space<hbm>>) dst(%arg15 : memref<128x64xbf16, #tpu.memory_space<vmem>>)
      "tpu.region"() ({
        %run_scoped3A_260 = tpu.sem_alloc : memref<!tpu.dma_semaphore, #tpu.memory_space<semaphore_mem>>
        %dma_start3A_261 = arith.constant 0 : i32
        %dma_start3A_262 = tpu.memref_slice %arg13[%add3A_208, %dma_start3A_261] : memref<200x128xi32, #tpu.memory_space<vmem>> -> memref<1x128xi32, #tpu.memory_space<vmem>>
        %dma_start3A_263 = tpu.memref_squeeze %dma_start3A_262 : memref<1x128xi32, #tpu.memory_space<vmem>> -> memref<128xi32, #tpu.memory_space<vmem>>
        %dma_start3A_264 = arith.constant 0 : i32
        %dma_start3A_265 = arith.constant 0 : i32
        %dma_start3A_266 = tpu.memref_slice %arg11[%dma_start3A_264, %dma_start3A_265] : memref<25088x64xbf16, #tpu.memory_space<vmem_shared>> -> memref<25088x64xbf16, #tpu.memory_space<vmem_shared>>
        tpu.enqueue_indirect_dma source(%arg15 : memref<128x64xbf16, #tpu.memory_space<vmem>>) target(%dma_start3A_266 : memref<25088x64xbf16, #tpu.memory_space<vmem_shared>>) offsets(%dma_start3A_263 : memref<128xi32, #tpu.memory_space<vmem>>) semaphore(%run_scoped3A_260 : memref<!tpu.dma_semaphore, #tpu.memory_space<semaphore_mem>>) {add = true}
        %dma_wait3A_267 = arith.constant 0 : i32
        %dma_wait3A_268 = tpu.memref_slice %arg13[%add3A_208, %dma_wait3A_267] : memref<200x128xi32, #tpu.memory_space<vmem>> -> memref<1x128xi32, #tpu.memory_space<vmem>>
        %dma_wait3A_269 = tpu.memref_squeeze %dma_wait3A_268 : memref<1x128xi32, #tpu.memory_space<vmem>> -> memref<128xi32, #tpu.memory_space<vmem>>
        %dma_wait3A_270 = arith.constant 0 : i32
        %dma_wait3A_271 = arith.constant 0 : i32
        %dma_wait3A_272 = tpu.memref_slice %arg11[%dma_wait3A_270, %dma_wait3A_271] : memref<25088x64xbf16, #tpu.memory_space<vmem_shared>> -> memref<25088x64xbf16, #tpu.memory_space<vmem_shared>>
        tpu.wait_indirect_dma semaphore(%run_scoped3A_260 : memref<!tpu.dma_semaphore, #tpu.memory_space<semaphore_mem>>) src(%arg15 : memref<128x64xbf16, #tpu.memory_space<vmem>>) dst(%dma_wait3A_272 : memref<25088x64xbf16, #tpu.memory_space<vmem_shared>>)
        tpu.yield
      }) : () -> ()
      %add3A_215 = arith.constant 4 : i32
      %add3A_216 = arith.addi %add3A_208, %add3A_215 : i32
      %dma_start3A_217 = arith.constant 0 : i32
      %dma_start3A_218 = tpu.memref_slice %arg12[%add3A_216, %dma_start3A_217] : memref<200x128xi32, #tpu.memory_space<vmem>> -> memref<1x128xi32, #tpu.memory_space<vmem>>
      %dma_start3A_219 = tpu.memref_squeeze %dma_start3A_218 : memref<1x128xi32, #tpu.memory_space<vmem>> -> memref<128xi32, #tpu.memory_space<vmem>>
      %dma_start3A_220 = arith.constant 0 : i32
      %dma_start3A_221 = arith.constant 0 : i32
      %dma_start3A_222 = tpu.memref_slice %arg2[%dma_start3A_220, %dma_start3A_221] : memref<100000x64xbf16, #tpu.memory_space<hbm>> -> memref<100000x64xbf16, #tpu.memory_space<hbm>>
      tpu.enqueue_indirect_dma source(%dma_start3A_222 : memref<100000x64xbf16, #tpu.memory_space<hbm>>) target(%arg15 : memref<128x64xbf16, #tpu.memory_space<vmem>>) offsets(%dma_start3A_219 : memref<128xi32, #tpu.memory_space<vmem>>) semaphore(%arg19 : memref<!tpu.dma_semaphore, #tpu.memory_space<semaphore_mem>>)
      %mul3A_223 = arith.constant 4 : i32
      %mul3A_224 = arith.muli %mul3A_223, %scan3A_185 : i32
      %add3A_225 = arith.constant 2 : i32
      %add3A_226 = arith.addi %mul3A_224, %add3A_225 : i32
      %dma_wait3A_227 = arith.constant 0 : i32
      %dma_wait3A_228 = tpu.memref_slice %arg12[%add3A_226, %dma_wait3A_227] : memref<200x128xi32, #tpu.memory_space<vmem>> -> memref<1x128xi32, #tpu.memory_space<vmem>>
      %dma_wait3A_229 = tpu.memref_squeeze %dma_wait3A_228 : memref<1x128xi32, #tpu.memory_space<vmem>> -> memref<128xi32, #tpu.memory_space<vmem>>
      %dma_wait3A_230 = arith.constant 0 : i32
      %dma_wait3A_231 = arith.constant 0 : i32
      %dma_wait3A_232 = tpu.memref_slice %arg2[%dma_wait3A_230, %dma_wait3A_231] : memref<100000x64xbf16, #tpu.memory_space<hbm>> -> memref<100000x64xbf16, #tpu.memory_space<hbm>>
      tpu.wait_indirect_dma semaphore(%arg20 : memref<!tpu.dma_semaphore, #tpu.memory_space<semaphore_mem>>) src(%dma_wait3A_232 : memref<100000x64xbf16, #tpu.memory_space<hbm>>) dst(%arg16 : memref<128x64xbf16, #tpu.memory_space<vmem>>)
      "tpu.region"() ({
        %run_scoped3A_260 = tpu.sem_alloc : memref<!tpu.dma_semaphore, #tpu.memory_space<semaphore_mem>>
        %dma_start3A_261 = arith.constant 0 : i32
        %dma_start3A_262 = tpu.memref_slice %arg13[%add3A_226, %dma_start3A_261] : memref<200x128xi32, #tpu.memory_space<vmem>> -> memref<1x128xi32, #tpu.memory_space<vmem>>
        %dma_start3A_263 = tpu.memref_squeeze %dma_start3A_262 : memref<1x128xi32, #tpu.memory_space<vmem>> -> memref<128xi32, #tpu.memory_space<vmem>>
        %dma_start3A_264 = arith.constant 0 : i32
        %dma_start3A_265 = arith.constant 0 : i32
        %dma_start3A_266 = tpu.memref_slice %arg11[%dma_start3A_264, %dma_start3A_265] : memref<25088x64xbf16, #tpu.memory_space<vmem_shared>> -> memref<25088x64xbf16, #tpu.memory_space<vmem_shared>>
        tpu.enqueue_indirect_dma source(%arg16 : memref<128x64xbf16, #tpu.memory_space<vmem>>) target(%dma_start3A_266 : memref<25088x64xbf16, #tpu.memory_space<vmem_shared>>) offsets(%dma_start3A_263 : memref<128xi32, #tpu.memory_space<vmem>>) semaphore(%run_scoped3A_260 : memref<!tpu.dma_semaphore, #tpu.memory_space<semaphore_mem>>) {add = true}
        %dma_wait3A_267 = arith.constant 0 : i32
        %dma_wait3A_268 = tpu.memref_slice %arg13[%add3A_226, %dma_wait3A_267] : memref<200x128xi32, #tpu.memory_space<vmem>> -> memref<1x128xi32, #tpu.memory_space<vmem>>
        %dma_wait3A_269 = tpu.memref_squeeze %dma_wait3A_268 : memref<1x128xi32, #tpu.memory_space<vmem>> -> memref<128xi32, #tpu.memory_space<vmem>>
        %dma_wait3A_270 = arith.constant 0 : i32
        %dma_wait3A_271 = arith.constant 0 : i32
        %dma_wait3A_272 = tpu.memref_slice %arg11[%dma_wait3A_270, %dma_wait3A_271] : memref<25088x64xbf16, #tpu.memory_space<vmem_shared>> -> memref<25088x64xbf16, #tpu.memory_space<vmem_shared>>
        tpu.wait_indirect_dma semaphore(%run_scoped3A_260 : memref<!tpu.dma_semaphore, #tpu.memory_space<semaphore_mem>>) src(%arg16 : memref<128x64xbf16, #tpu.memory_space<vmem>>) dst(%dma_wait3A_272 : memref<25088x64xbf16, #tpu.memory_space<vmem_shared>>)
        tpu.yield
      }) : () -> ()
      %add3A_233 = arith.constant 4 : i32
      %add3A_234 = arith.addi %add3A_226, %add3A_233 : i32
      %dma_start3A_235 = arith.constant 0 : i32
      %dma_start3A_236 = tpu.memref_slice %arg12[%add3A_234, %dma_start3A_235] : memref<200x128xi32, #tpu.memory_space<vmem>> -> memref<1x128xi32, #tpu.memory_space<vmem>>
      %dma_start3A_237 = tpu.memref_squeeze %dma_start3A_236 : memref<1x128xi32, #tpu.memory_space<vmem>> -> memref<128xi32, #tpu.memory_space<vmem>>
      %dma_start3A_238 = arith.constant 0 : i32
      %dma_start3A_239 = arith.constant 0 : i32
      %dma_start3A_240 = tpu.memref_slice %arg2[%dma_start3A_238, %dma_start3A_239] : memref<100000x64xbf16, #tpu.memory_space<hbm>> -> memref<100000x64xbf16, #tpu.memory_space<hbm>>
      tpu.enqueue_indirect_dma source(%dma_start3A_240 : memref<100000x64xbf16, #tpu.memory_space<hbm>>) target(%arg16 : memref<128x64xbf16, #tpu.memory_space<vmem>>) offsets(%dma_start3A_237 : memref<128xi32, #tpu.memory_space<vmem>>) semaphore(%arg20 : memref<!tpu.dma_semaphore, #tpu.memory_space<semaphore_mem>>)
      %mul3A_241 = arith.constant 4 : i32
      %mul3A_242 = arith.muli %mul3A_241, %scan3A_185 : i32
      %add3A_243 = arith.constant 3 : i32
      %add3A_244 = arith.addi %mul3A_242, %add3A_243 : i32
      %dma_wait3A_245 = arith.constant 0 : i32
      %dma_wait3A_246 = tpu.memref_slice %arg12[%add3A_244, %dma_wait3A_245] : memref<200x128xi32, #tpu.memory_space<vmem>> -> memref<1x128xi32, #tpu.memory_space<vmem>>
      %dma_wait3A_247 = tpu.memref_squeeze %dma_wait3A_246 : memref<1x128xi32, #tpu.memory_space<vmem>> -> memref<128xi32, #tpu.memory_space<vmem>>
      %dma_wait3A_248 = arith.constant 0 : i32
      %dma_wait3A_249 = arith.constant 0 : i32
      %dma_wait3A_250 = tpu.memref_slice %arg2[%dma_wait3A_248, %dma_wait3A_249] : memref<100000x64xbf16, #tpu.memory_space<hbm>> -> memref<100000x64xbf16, #tpu.memory_space<hbm>>
      tpu.wait_indirect_dma semaphore(%arg21 : memref<!tpu.dma_semaphore, #tpu.memory_space<semaphore_mem>>) src(%dma_wait3A_250 : memref<100000x64xbf16, #tpu.memory_space<hbm>>) dst(%arg17 : memref<128x64xbf16, #tpu.memory_space<vmem>>)
      "tpu.region"() ({
        %run_scoped3A_260 = tpu.sem_alloc : memref<!tpu.dma_semaphore, #tpu.memory_space<semaphore_mem>>
        %dma_start3A_261 = arith.constant 0 : i32
        %dma_start3A_262 = tpu.memref_slice %arg13[%add3A_244, %dma_start3A_261] : memref<200x128xi32, #tpu.memory_space<vmem>> -> memref<1x128xi32, #tpu.memory_space<vmem>>
        %dma_start3A_263 = tpu.memref_squeeze %dma_start3A_262 : memref<1x128xi32, #tpu.memory_space<vmem>> -> memref<128xi32, #tpu.memory_space<vmem>>
        %dma_start3A_264 = arith.constant 0 : i32
        %dma_start3A_265 = arith.constant 0 : i32
        %dma_start3A_266 = tpu.memref_slice %arg11[%dma_start3A_264, %dma_start3A_265] : memref<25088x64xbf16, #tpu.memory_space<vmem_shared>> -> memref<25088x64xbf16, #tpu.memory_space<vmem_shared>>
        tpu.enqueue_indirect_dma source(%arg17 : memref<128x64xbf16, #tpu.memory_space<vmem>>) target(%dma_start3A_266 : memref<25088x64xbf16, #tpu.memory_space<vmem_shared>>) offsets(%dma_start3A_263 : memref<128xi32, #tpu.memory_space<vmem>>) semaphore(%run_scoped3A_260 : memref<!tpu.dma_semaphore, #tpu.memory_space<semaphore_mem>>) {add = true}
        %dma_wait3A_267 = arith.constant 0 : i32
        %dma_wait3A_268 = tpu.memref_slice %arg13[%add3A_244, %dma_wait3A_267] : memref<200x128xi32, #tpu.memory_space<vmem>> -> memref<1x128xi32, #tpu.memory_space<vmem>>
        %dma_wait3A_269 = tpu.memref_squeeze %dma_wait3A_268 : memref<1x128xi32, #tpu.memory_space<vmem>> -> memref<128xi32, #tpu.memory_space<vmem>>
        %dma_wait3A_270 = arith.constant 0 : i32
        %dma_wait3A_271 = arith.constant 0 : i32
        %dma_wait3A_272 = tpu.memref_slice %arg11[%dma_wait3A_270, %dma_wait3A_271] : memref<25088x64xbf16, #tpu.memory_space<vmem_shared>> -> memref<25088x64xbf16, #tpu.memory_space<vmem_shared>>
        tpu.wait_indirect_dma semaphore(%run_scoped3A_260 : memref<!tpu.dma_semaphore, #tpu.memory_space<semaphore_mem>>) src(%arg17 : memref<128x64xbf16, #tpu.memory_space<vmem>>) dst(%dma_wait3A_272 : memref<25088x64xbf16, #tpu.memory_space<vmem_shared>>)
        tpu.yield
      }) : () -> ()
      %add3A_251 = arith.constant 4 : i32
      %add3A_252 = arith.addi %add3A_244, %add3A_251 : i32
      %dma_start3A_253 = arith.constant 0 : i32
      %dma_start3A_254 = tpu.memref_slice %arg12[%add3A_252, %dma_start3A_253] : memref<200x128xi32, #tpu.memory_space<vmem>> -> memref<1x128xi32, #tpu.memory_space<vmem>>
      %dma_start3A_255 = tpu.memref_squeeze %dma_start3A_254 : memref<1x128xi32, #tpu.memory_space<vmem>> -> memref<128xi32, #tpu.memory_space<vmem>>
      %dma_start3A_256 = arith.constant 0 : i32
      %dma_start3A_257 = arith.constant 0 : i32
      %dma_start3A_258 = tpu.memref_slice %arg2[%dma_start3A_256, %dma_start3A_257] : memref<100000x64xbf16, #tpu.memory_space<hbm>> -> memref<100000x64xbf16, #tpu.memory_space<hbm>>
      tpu.enqueue_indirect_dma source(%dma_start3A_258 : memref<100000x64xbf16, #tpu.memory_space<hbm>>) target(%arg17 : memref<128x64xbf16, #tpu.memory_space<vmem>>) offsets(%dma_start3A_255 : memref<128xi32, #tpu.memory_space<vmem>>) semaphore(%arg21 : memref<!tpu.dma_semaphore, #tpu.memory_space<semaphore_mem>>)
      %scan3A_259 = arith.constant 0 : i32
      scf.yield %scan3A_259 : i32
    }
    %scan3A_49 = arith.constant 49 : i32
    %dma_wait3A = arith.constant 196 : i32
    %dma_wait3A_50 = arith.constant 0 : i32
    %dma_wait3A_51 = tpu.memref_slice %arg12[%dma_wait3A, %dma_wait3A_50] : memref<200x128xi32, #tpu.memory_space<vmem>> -> memref<1x128xi32, #tpu.memory_space<vmem>>
    %dma_wait3A_52 = tpu.memref_squeeze %dma_wait3A_51 : memref<1x128xi32, #tpu.memory_space<vmem>> -> memref<128xi32, #tpu.memory_space<vmem>>
    %dma_wait3A_53 = arith.constant 0 : i32
    %dma_wait3A_54 = arith.constant 0 : i32
    %dma_wait3A_55 = tpu.memref_slice %arg2[%dma_wait3A_53, %dma_wait3A_54] : memref<100000x64xbf16, #tpu.memory_space<hbm>> -> memref<100000x64xbf16, #tpu.memory_space<hbm>>
    tpu.wait_indirect_dma semaphore(%arg18 : memref<!tpu.dma_semaphore, #tpu.memory_space<semaphore_mem>>) src(%dma_wait3A_55 : memref<100000x64xbf16, #tpu.memory_space<hbm>>) dst(%arg14 : memref<128x64xbf16, #tpu.memory_space<vmem>>)
    %run_scoped3A = arith.constant 196 : i32
    "tpu.region"() ({
      %run_scoped3A_185 = tpu.sem_alloc : memref<!tpu.dma_semaphore, #tpu.memory_space<semaphore_mem>>
      %dma_start3A_186 = arith.constant 0 : i32
      %dma_start3A_187 = tpu.memref_slice %arg13[%run_scoped3A, %dma_start3A_186] : memref<200x128xi32, #tpu.memory_space<vmem>> -> memref<1x128xi32, #tpu.memory_space<vmem>>
      %dma_start3A_188 = tpu.memref_squeeze %dma_start3A_187 : memref<1x128xi32, #tpu.memory_space<vmem>> -> memref<128xi32, #tpu.memory_space<vmem>>
      %dma_start3A_189 = arith.constant 0 : i32
      %dma_start3A_190 = arith.constant 0 : i32
      %dma_start3A_191 = tpu.memref_slice %arg11[%dma_start3A_189, %dma_start3A_190] : memref<25088x64xbf16, #tpu.memory_space<vmem_shared>> -> memref<25088x64xbf16, #tpu.memory_space<vmem_shared>>
      tpu.enqueue_indirect_dma source(%arg14 : memref<128x64xbf16, #tpu.memory_space<vmem>>) target(%dma_start3A_191 : memref<25088x64xbf16, #tpu.memory_space<vmem_shared>>) offsets(%dma_start3A_188 : memref<128xi32, #tpu.memory_space<vmem>>) semaphore(%run_scoped3A_185 : memref<!tpu.dma_semaphore, #tpu.memory_space<semaphore_mem>>) {add = true}
      %dma_wait3A_192 = arith.constant 0 : i32
      %dma_wait3A_193 = tpu.memref_slice %arg13[%run_scoped3A, %dma_wait3A_192] : memref<200x128xi32, #tpu.memory_space<vmem>> -> memref<1x128xi32, #tpu.memory_space<vmem>>
      %dma_wait3A_194 = tpu.memref_squeeze %dma_wait3A_193 : memref<1x128xi32, #tpu.memory_space<vmem>> -> memref<128xi32, #tpu.memory_space<vmem>>
      %dma_wait3A_195 = arith.constant 0 : i32
      %dma_wait3A_196 = arith.constant 0 : i32
      %dma_wait3A_197 = tpu.memref_slice %arg11[%dma_wait3A_195, %dma_wait3A_196] : memref<25088x64xbf16, #tpu.memory_space<vmem_shared>> -> memref<25088x64xbf16, #tpu.memory_space<vmem_shared>>
      tpu.wait_indirect_dma semaphore(%run_scoped3A_185 : memref<!tpu.dma_semaphore, #tpu.memory_space<semaphore_mem>>) src(%arg14 : memref<128x64xbf16, #tpu.memory_space<vmem>>) dst(%dma_wait3A_197 : memref<25088x64xbf16, #tpu.memory_space<vmem_shared>>)
      tpu.yield
    }) : () -> ()
    %dma_wait3A_56 = arith.constant 197 : i32
    %dma_wait3A_57 = arith.constant 0 : i32
    %dma_wait3A_58 = tpu.memref_slice %arg12[%dma_wait3A_56, %dma_wait3A_57] : memref<200x128xi32, #tpu.memory_space<vmem>> -> memref<1x128xi32, #tpu.memory_space<vmem>>
    %dma_wait3A_59 = tpu.memref_squeeze %dma_wait3A_58 : memref<1x128xi32, #tpu.memory_space<vmem>> -> memref<128xi32, #tpu.memory_space<vmem>>
    %dma_wait3A_60 = arith.constant 0 : i32
    %dma_wait3A_61 = arith.constant 0 : i32
    %dma_wait3A_62 = tpu.memref_slice %arg2[%dma_wait3A_60, %dma_wait3A_61] : memref<100000x64xbf16, #tpu.memory_space<hbm>> -> memref<100000x64xbf16, #tpu.memory_space<hbm>>
    tpu.wait_indirect_dma semaphore(%arg19 : memref<!tpu.dma_semaphore, #tpu.memory_space<semaphore_mem>>) src(%dma_wait3A_62 : memref<100000x64xbf16, #tpu.memory_space<hbm>>) dst(%arg15 : memref<128x64xbf16, #tpu.memory_space<vmem>>)
    %run_scoped3A_63 = arith.constant 197 : i32
    "tpu.region"() ({
      %run_scoped3A_185 = tpu.sem_alloc : memref<!tpu.dma_semaphore, #tpu.memory_space<semaphore_mem>>
      %dma_start3A_186 = arith.constant 0 : i32
      %dma_start3A_187 = tpu.memref_slice %arg13[%run_scoped3A_63, %dma_start3A_186] : memref<200x128xi32, #tpu.memory_space<vmem>> -> memref<1x128xi32, #tpu.memory_space<vmem>>
      %dma_start3A_188 = tpu.memref_squeeze %dma_start3A_187 : memref<1x128xi32, #tpu.memory_space<vmem>> -> memref<128xi32, #tpu.memory_space<vmem>>
      %dma_start3A_189 = arith.constant 0 : i32
      %dma_start3A_190 = arith.constant 0 : i32
      %dma_start3A_191 = tpu.memref_slice %arg11[%dma_start3A_189, %dma_start3A_190] : memref<25088x64xbf16, #tpu.memory_space<vmem_shared>> -> memref<25088x64xbf16, #tpu.memory_space<vmem_shared>>
      tpu.enqueue_indirect_dma source(%arg15 : memref<128x64xbf16, #tpu.memory_space<vmem>>) target(%dma_start3A_191 : memref<25088x64xbf16, #tpu.memory_space<vmem_shared>>) offsets(%dma_start3A_188 : memref<128xi32, #tpu.memory_space<vmem>>) semaphore(%run_scoped3A_185 : memref<!tpu.dma_semaphore, #tpu.memory_space<semaphore_mem>>) {add = true}
      %dma_wait3A_192 = arith.constant 0 : i32
      %dma_wait3A_193 = tpu.memref_slice %arg13[%run_scoped3A_63, %dma_wait3A_192] : memref<200x128xi32, #tpu.memory_space<vmem>> -> memref<1x128xi32, #tpu.memory_space<vmem>>
      %dma_wait3A_194 = tpu.memref_squeeze %dma_wait3A_193 : memref<1x128xi32, #tpu.memory_space<vmem>> -> memref<128xi32, #tpu.memory_space<vmem>>
      %dma_wait3A_195 = arith.constant 0 : i32
      %dma_wait3A_196 = arith.constant 0 : i32
      %dma_wait3A_197 = tpu.memref_slice %arg11[%dma_wait3A_195, %dma_wait3A_196] : memref<25088x64xbf16, #tpu.memory_space<vmem_shared>> -> memref<25088x64xbf16, #tpu.memory_space<vmem_shared>>
      tpu.wait_indirect_dma semaphore(%run_scoped3A_185 : memref<!tpu.dma_semaphore, #tpu.memory_space<semaphore_mem>>) src(%arg15 : memref<128x64xbf16, #tpu.memory_space<vmem>>) dst(%dma_wait3A_197 : memref<25088x64xbf16, #tpu.memory_space<vmem_shared>>)
      tpu.yield
    }) : () -> ()
    %dma_wait3A_64 = arith.constant 198 : i32
    %dma_wait3A_65 = arith.constant 0 : i32
    %dma_wait3A_66 = tpu.memref_slice %arg12[%dma_wait3A_64, %dma_wait3A_65] : memref<200x128xi32, #tpu.memory_space<vmem>> -> memref<1x128xi32, #tpu.memory_space<vmem>>
    %dma_wait3A_67 = tpu.memref_squeeze %dma_wait3A_66 : memref<1x128xi32, #tpu.memory_space<vmem>> -> memref<128xi32, #tpu.memory_space<vmem>>
    %dma_wait3A_68 = arith.constant 0 : i32
    %dma_wait3A_69 = arith.constant 0 : i32
    %dma_wait3A_70 = tpu.memref_slice %arg2[%dma_wait3A_68, %dma_wait3A_69] : memref<100000x64xbf16, #tpu.memory_space<hbm>> -> memref<100000x64xbf16, #tpu.memory_space<hbm>>
    tpu.wait_indirect_dma semaphore(%arg20 : memref<!tpu.dma_semaphore, #tpu.memory_space<semaphore_mem>>) src(%dma_wait3A_70 : memref<100000x64xbf16, #tpu.memory_space<hbm>>) dst(%arg16 : memref<128x64xbf16, #tpu.memory_space<vmem>>)
    %run_scoped3A_71 = arith.constant 198 : i32
    "tpu.region"() ({
      %run_scoped3A_185 = tpu.sem_alloc : memref<!tpu.dma_semaphore, #tpu.memory_space<semaphore_mem>>
      %dma_start3A_186 = arith.constant 0 : i32
      %dma_start3A_187 = tpu.memref_slice %arg13[%run_scoped3A_71, %dma_start3A_186] : memref<200x128xi32, #tpu.memory_space<vmem>> -> memref<1x128xi32, #tpu.memory_space<vmem>>
      %dma_start3A_188 = tpu.memref_squeeze %dma_start3A_187 : memref<1x128xi32, #tpu.memory_space<vmem>> -> memref<128xi32, #tpu.memory_space<vmem>>
      %dma_start3A_189 = arith.constant 0 : i32
      %dma_start3A_190 = arith.constant 0 : i32
      %dma_start3A_191 = tpu.memref_slice %arg11[%dma_start3A_189, %dma_start3A_190] : memref<25088x64xbf16, #tpu.memory_space<vmem_shared>> -> memref<25088x64xbf16, #tpu.memory_space<vmem_shared>>
      tpu.enqueue_indirect_dma source(%arg16 : memref<128x64xbf16, #tpu.memory_space<vmem>>) target(%dma_start3A_191 : memref<25088x64xbf16, #tpu.memory_space<vmem_shared>>) offsets(%dma_start3A_188 : memref<128xi32, #tpu.memory_space<vmem>>) semaphore(%run_scoped3A_185 : memref<!tpu.dma_semaphore, #tpu.memory_space<semaphore_mem>>) {add = true}
      %dma_wait3A_192 = arith.constant 0 : i32
      %dma_wait3A_193 = tpu.memref_slice %arg13[%run_scoped3A_71, %dma_wait3A_192] : memref<200x128xi32, #tpu.memory_space<vmem>> -> memref<1x128xi32, #tpu.memory_space<vmem>>
      %dma_wait3A_194 = tpu.memref_squeeze %dma_wait3A_193 : memref<1x128xi32, #tpu.memory_space<vmem>> -> memref<128xi32, #tpu.memory_space<vmem>>
      %dma_wait3A_195 = arith.constant 0 : i32
      %dma_wait3A_196 = arith.constant 0 : i32
      %dma_wait3A_197 = tpu.memref_slice %arg11[%dma_wait3A_195, %dma_wait3A_196] : memref<25088x64xbf16, #tpu.memory_space<vmem_shared>> -> memref<25088x64xbf16, #tpu.memory_space<vmem_shared>>
      tpu.wait_indirect_dma semaphore(%run_scoped3A_185 : memref<!tpu.dma_semaphore, #tpu.memory_space<semaphore_mem>>) src(%arg16 : memref<128x64xbf16, #tpu.memory_space<vmem>>) dst(%dma_wait3A_197 : memref<25088x64xbf16, #tpu.memory_space<vmem_shared>>)
      tpu.yield
    }) : () -> ()
    %dma_wait3A_72 = arith.constant 199 : i32
    %dma_wait3A_73 = arith.constant 0 : i32
    %dma_wait3A_74 = tpu.memref_slice %arg12[%dma_wait3A_72, %dma_wait3A_73] : memref<200x128xi32, #tpu.memory_space<vmem>> -> memref<1x128xi32, #tpu.memory_space<vmem>>
    %dma_wait3A_75 = tpu.memref_squeeze %dma_wait3A_74 : memref<1x128xi32, #tpu.memory_space<vmem>> -> memref<128xi32, #tpu.memory_space<vmem>>
    %dma_wait3A_76 = arith.constant 0 : i32
    %dma_wait3A_77 = arith.constant 0 : i32
    %dma_wait3A_78 = tpu.memref_slice %arg2[%dma_wait3A_76, %dma_wait3A_77] : memref<100000x64xbf16, #tpu.memory_space<hbm>> -> memref<100000x64xbf16, #tpu.memory_space<hbm>>
    tpu.wait_indirect_dma semaphore(%arg21 : memref<!tpu.dma_semaphore, #tpu.memory_space<semaphore_mem>>) src(%dma_wait3A_78 : memref<100000x64xbf16, #tpu.memory_space<hbm>>) dst(%arg17 : memref<128x64xbf16, #tpu.memory_space<vmem>>)
    %run_scoped3A_79 = arith.constant 199 : i32
    "tpu.region"() ({
      %run_scoped3A_185 = tpu.sem_alloc : memref<!tpu.dma_semaphore, #tpu.memory_space<semaphore_mem>>
      %dma_start3A_186 = arith.constant 0 : i32
      %dma_start3A_187 = tpu.memref_slice %arg13[%run_scoped3A_79, %dma_start3A_186] : memref<200x128xi32, #tpu.memory_space<vmem>> -> memref<1x128xi32, #tpu.memory_space<vmem>>
      %dma_start3A_188 = tpu.memref_squeeze %dma_start3A_187 : memref<1x128xi32, #tpu.memory_space<vmem>> -> memref<128xi32, #tpu.memory_space<vmem>>
      %dma_start3A_189 = arith.constant 0 : i32
      %dma_start3A_190 = arith.constant 0 : i32
      %dma_start3A_191 = tpu.memref_slice %arg11[%dma_start3A_189, %dma_start3A_190] : memref<25088x64xbf16, #tpu.memory_space<vmem_shared>> -> memref<25088x64xbf16, #tpu.memory_space<vmem_shared>>
      tpu.enqueue_indirect_dma source(%arg17 : memref<128x64xbf16, #tpu.memory_space<vmem>>) target(%dma_start3A_191 : memref<25088x64xbf16, #tpu.memory_space<vmem_shared>>) offsets(%dma_start3A_188 : memref<128xi32, #tpu.memory_space<vmem>>) semaphore(%run_scoped3A_185 : memref<!tpu.dma_semaphore, #tpu.memory_space<semaphore_mem>>) {add = true}
      %dma_wait3A_192 = arith.constant 0 : i32
      %dma_wait3A_193 = tpu.memref_slice %arg13[%run_scoped3A_79, %dma_wait3A_192] : memref<200x128xi32, #tpu.memory_space<vmem>> -> memref<1x128xi32, #tpu.memory_space<vmem>>
      %dma_wait3A_194 = tpu.memref_squeeze %dma_wait3A_193 : memref<1x128xi32, #tpu.memory_space<vmem>> -> memref<128xi32, #tpu.memory_space<vmem>>
      %dma_wait3A_195 = arith.constant 0 : i32
      %dma_wait3A_196 = arith.constant 0 : i32
      %dma_wait3A_197 = tpu.memref_slice %arg11[%dma_wait3A_195, %dma_wait3A_196] : memref<25088x64xbf16, #tpu.memory_space<vmem_shared>> -> memref<25088x64xbf16, #tpu.memory_space<vmem_shared>>
      tpu.wait_indirect_dma semaphore(%run_scoped3A_185 : memref<!tpu.dma_semaphore, #tpu.memory_space<semaphore_mem>>) src(%arg17 : memref<128x64xbf16, #tpu.memory_space<vmem>>) dst(%dma_wait3A_197 : memref<25088x64xbf16, #tpu.memory_space<vmem_shared>>)
      tpu.yield
    }) : () -> ()
    %barrier3A_80 = arith.constant 0 : index
    tpu.barrier barrier_id(%barrier3A_80)
    %eq3A = arith.constant 0 : i32
    %eq3A_81 = arith.cmpi eq, %arg0, %eq3A : i32
    %convert_element_type3A = arith.extui %eq3A_81 : i1 to i32
    %cond3A = arith.constant 0 : i32
    %cond3A_82 = arith.cmpi ne, %convert_element_type3A, %cond3A : i32
    scf.if %cond3A_82 {
      "tpu.region"() ({
        %run_scoped3A_185 = tpu.sem_alloc : memref<!tpu.dma_semaphore, #tpu.memory_space<semaphore_mem>>
        %dma_start3A_186 = arith.constant 0 : i32
        %dma_start3A_187 = tpu.memref_slice %arg7[%mul3A_0, %dma_start3A_186] : memref<25088x64xbf16, #tpu.memory_space<hbm>> -> memref<1568x64xbf16, #tpu.memory_space<hbm>>
        %dma_start3A_188 = arith.constant 0 : i32
        %dma_start3A_189 = tpu.memref_slice %arg11[%mul3A_0, %dma_start3A_188] : memref<25088x64xbf16, #tpu.memory_space<vmem_shared>> -> memref<1568x64xbf16, #tpu.memory_space<vmem_shared>>
        tpu.enqueue_dma source(%dma_start3A_189 : memref<1568x64xbf16, #tpu.memory_space<vmem_shared>>) target(%dma_start3A_187 : memref<1568x64xbf16, #tpu.memory_space<hbm>>) target_semaphore(%run_scoped3A_185 : memref<!tpu.dma_semaphore, #tpu.memory_space<semaphore_mem>>)
        %dma_wait3A_190 = arith.constant 0 : i32
        %dma_wait3A_191 = tpu.memref_slice %arg7[%mul3A_0, %dma_wait3A_190] : memref<25088x64xbf16, #tpu.memory_space<hbm>> -> memref<1568x64xbf16, #tpu.memory_space<hbm>>
        %dma_wait3A_192 = arith.constant 0 : i32
        %dma_wait3A_193 = tpu.memref_slice %arg11[%mul3A_0, %dma_wait3A_192] : memref<25088x64xbf16, #tpu.memory_space<vmem_shared>> -> memref<1568x64xbf16, #tpu.memory_space<vmem_shared>>
        tpu.wait_dma2 semaphore(%run_scoped3A_185 : memref<!tpu.dma_semaphore, #tpu.memory_space<semaphore_mem>>) src(%dma_wait3A_193 : memref<1568x64xbf16, #tpu.memory_space<vmem_shared>>) dst(%dma_wait3A_191 : memref<1568x64xbf16, #tpu.memory_space<hbm>>)
        tpu.yield
      }) : () -> ()
    } else {
    }
    %eq3A_83 = arith.constant 1 : i32
    %eq3A_84 = arith.cmpi eq, %arg0, %eq3A_83 : i32
    %convert_element_type3A_85 = arith.extui %eq3A_84 : i1 to i32
    %cond3A_86 = arith.constant 0 : i32
    %cond3A_87 = arith.cmpi ne, %convert_element_type3A_85, %cond3A_86 : i32
    scf.if %cond3A_87 {
      "tpu.region"() ({
        %run_scoped3A_185 = tpu.sem_alloc : memref<!tpu.dma_semaphore, #tpu.memory_space<semaphore_mem>>
        %dma_start3A_186 = arith.constant 0 : i32
        %dma_start3A_187 = tpu.memref_slice %arg8[%mul3A_0, %dma_start3A_186] : memref<25088x64xbf16, #tpu.memory_space<hbm>> -> memref<1568x64xbf16, #tpu.memory_space<hbm>>
        %dma_start3A_188 = arith.constant 0 : i32
        %dma_start3A_189 = tpu.memref_slice %arg11[%mul3A_0, %dma_start3A_188] : memref<25088x64xbf16, #tpu.memory_space<vmem_shared>> -> memref<1568x64xbf16, #tpu.memory_space<vmem_shared>>
        tpu.enqueue_dma source(%dma_start3A_189 : memref<1568x64xbf16, #tpu.memory_space<vmem_shared>>) target(%dma_start3A_187 : memref<1568x64xbf16, #tpu.memory_space<hbm>>) target_semaphore(%run_scoped3A_185 : memref<!tpu.dma_semaphore, #tpu.memory_space<semaphore_mem>>)
        %dma_wait3A_190 = arith.constant 0 : i32
        %dma_wait3A_191 = tpu.memref_slice %arg8[%mul3A_0, %dma_wait3A_190] : memref<25088x64xbf16, #tpu.memory_space<hbm>> -> memref<1568x64xbf16, #tpu.memory_space<hbm>>
        %dma_wait3A_192 = arith.constant 0 : i32
        %dma_wait3A_193 = tpu.memref_slice %arg11[%mul3A_0, %dma_wait3A_192] : memref<25088x64xbf16, #tpu.memory_space<vmem_shared>> -> memref<1568x64xbf16, #tpu.memory_space<vmem_shared>>
        tpu.wait_dma2 semaphore(%run_scoped3A_185 : memref<!tpu.dma_semaphore, #tpu.memory_space<semaphore_mem>>) src(%dma_wait3A_193 : memref<1568x64xbf16, #tpu.memory_space<vmem_shared>>) dst(%dma_wait3A_191 : memref<1568x64xbf16, #tpu.memory_space<hbm>>)
        tpu.yield
      }) : () -> ()
    } else {
    }
    %barrier3A_88 = arith.constant 0 : index
    tpu.barrier barrier_id(%barrier3A_88)
    %scan3A_89 = arith.constant 0 : i32
    %scan3A_90 = arith.constant 0 : i32
    %scan3A_91 = arith.constant 256 : i32
    %scan3A_92 = arith.addi %scan3A_90, %scan3A_91 : i32
    %scan3A_93 = arith.constant 1 : i32
    %scan3A_94 = scf.for %scan3A_185 = %scan3A_90 to %scan3A_92 step %scan3A_93 iter_args(%scan3A_186 = %scan3A_89) -> (i32)  : i32 {
      %jit3A = arith.constant 2 : i32
      %div3A = arith.divsi %scan3A_185, %jit3A : i32
      %sign3A = arith.constant 0 : i32
      %sign3A_187 = arith.cmpi sgt, %scan3A_185, %sign3A : i32
      %sign3A_188 = arith.extui %sign3A_187 : i1 to i32
      %sign3A_189 = arith.constant 0 : i32
      %sign3A_190 = arith.cmpi slt, %scan3A_185, %sign3A_189 : i32
      %sign3A_191 = arith.extui %sign3A_190 : i1 to i32
      %sign3A_192 = arith.subi %sign3A_188, %sign3A_191 : i32
      %sign3A_193 = arith.constant 0 : i32
      %sign3A_194 = arith.cmpi sgt, %jit3A, %sign3A_193 : i32
      %sign3A_195 = arith.extui %sign3A_194 : i1 to i32
      %sign3A_196 = arith.constant 0 : i32
      %sign3A_197 = arith.cmpi slt, %jit3A, %sign3A_196 : i32
      %sign3A_198 = arith.extui %sign3A_197 : i1 to i32
      %sign3A_199 = arith.subi %sign3A_195, %sign3A_198 : i32
      %ne3A = arith.cmpi ne, %sign3A_192, %sign3A_199 : i32
      %rem3A = arith.remsi %scan3A_185, %jit3A : i32
      %ne3A_200 = arith.constant 0 : i32
      %ne3A_201 = arith.cmpi ne, %rem3A, %ne3A_200 : i32
      %and3A = arith.andi %ne3A, %ne3A_201 : i1
      %sub3A = arith.constant 1 : i32
      %sub3A_202 = arith.subi %div3A, %sub3A : i32
      %select_n3A = arith.select %and3A, %sub3A_202, %div3A : i32
      %jit3A_203 = arith.constant 2 : i32
      %eq3A_204 = arith.constant 0 : i32
      %eq3A_205 = arith.cmpi eq, %jit3A_203, %eq3A_204 : i32
      %jit3A_206 = arith.constant 1 : i32
      %select_n3A_207 = arith.select %eq3A_205, %jit3A_206, %jit3A_203 : i32
      %rem3A_208 = arith.remsi %scan3A_185, %select_n3A_207 : i32
      %ne3A_209 = arith.constant 0 : i32
      %ne3A_210 = arith.cmpi ne, %rem3A_208, %ne3A_209 : i32
      %lt3A = arith.constant 0 : i32
      %lt3A_211 = arith.cmpi slt, %rem3A_208, %lt3A : i32
      %lt3A_212 = arith.constant 0 : i32
      %lt3A_213 = arith.cmpi slt, %select_n3A_207, %lt3A_212 : i32
      %ne3A_214 = arith.xori %lt3A_211, %lt3A_213 : i1
      %and3A_215 = arith.andi %ne3A_214, %ne3A_210 : i1
      %add3A_216 = arith.addi %rem3A_208, %select_n3A_207 : i32
      %select_n3A_217 = arith.select %and3A_215, %add3A_216, %rem3A_208 : i32
      %mul3A_218 = arith.constant 2 : i32
      %mul3A_219 = arith.muli %select_n3A_217, %mul3A_218 : i32
      %mul3A_220 = arith.constant 16 : i32
      %mul3A_221 = arith.muli %mul3A_219, %mul3A_220 : i32
      %swap3A = arith.index_cast %select_n3A : i32 to index
      %swap3A_222 = arith.index_cast %mul3A_221 : i32 to index
      %swap3A_223 = tpu.vector_load %arg14[%swap3A, %swap3A_222] {strides = array<i32>} : memref<128x64xbf16, #tpu.memory_space<vmem>>, vector<1x32xbf16>,
      %swap3A_224 = vector.shape_cast %swap3A_223 : vector<1x32xbf16> to vector<32xbf16>
      %swap3A_225 = vector.shape_cast %broadcast_in_dim3A_1 : vector<32xbf16> to vector<1x32xbf16>
      tpu.vector_store %arg14[%swap3A, %swap3A_222], %swap3A_225 {strides = array<i32>} : memref<128x64xbf16, #tpu.memory_space<vmem>>, vector<1x32xbf16>,
      %scan3A_226 = arith.constant 0 : i32
      scf.yield %scan3A_226 : i32
    }
    %scan3A_95 = arith.constant 256 : i32
    %scan3A_96 = arith.constant 0 : i32
    %scan3A_97 = arith.constant 0 : i32
    %scan3A_98 = arith.constant 12 : i32
    %scan3A_99 = arith.addi %scan3A_97, %scan3A_98 : i32
    %scan3A_100 = arith.constant 1 : i32
    %scan3A_101 = scf.for %scan3A_185 = %scan3A_97 to %scan3A_99 step %scan3A_100 iter_args(%scan3A_186 = %scan3A_96) -> (i32)  : i32 {
      %mul3A_187 = arith.constant 128 : i32
      %mul3A_188 = arith.muli %scan3A_185, %mul3A_187 : i32
      %add3A_189 = arith.addi %mul3A_0, %mul3A_188 : i32
      "tpu.region"() ({
        %run_scoped3A_191 = tpu.sem_alloc : memref<!tpu.dma_semaphore, #tpu.memory_space<semaphore_mem>>
        %dma_start3A_192 = arith.constant 0 : i32
        %dma_start3A_193 = tpu.memref_slice %arg11[%add3A_189, %dma_start3A_192] : memref<25088x64xbf16, #tpu.memory_space<vmem_shared>> -> memref<128x64xbf16, #tpu.memory_space<vmem_shared>>
        %dma_start3A_194 = arith.constant 0 : i32
        %dma_start3A_195 = tpu.memref_slice %arg11[%add3A_189, %dma_start3A_194] : memref<25088x64xbf16, #tpu.memory_space<vmem_shared>> -> memref<128x64xbf16, #tpu.memory_space<vmem_shared>>
        tpu.enqueue_dma source(%arg14 : memref<128x64xbf16, #tpu.memory_space<vmem>>) target(%dma_start3A_195 : memref<128x64xbf16, #tpu.memory_space<vmem_shared>>) target_semaphore(%run_scoped3A_191 : memref<!tpu.dma_semaphore, #tpu.memory_space<semaphore_mem>>)
        %dma_wait3A_196 = arith.constant 0 : i32
        %dma_wait3A_197 = tpu.memref_slice %arg11[%add3A_189, %dma_wait3A_196] : memref<25088x64xbf16, #tpu.memory_space<vmem_shared>> -> memref<128x64xbf16, #tpu.memory_space<vmem_shared>>
        %dma_wait3A_198 = arith.constant 0 : i32
        %dma_wait3A_199 = tpu.memref_slice %arg11[%add3A_189, %dma_wait3A_198] : memref<25088x64xbf16, #tpu.memory_space<vmem_shared>> -> memref<128x64xbf16, #tpu.memory_space<vmem_shared>>
        tpu.wait_dma2 semaphore(%run_scoped3A_191 : memref<!tpu.dma_semaphore, #tpu.memory_space<semaphore_mem>>) src(%arg14 : memref<128x64xbf16, #tpu.memory_space<vmem>>) dst(%dma_wait3A_199 : memref<128x64xbf16, #tpu.memory_space<vmem_shared>>)
        tpu.yield
      }) : () -> ()
      %scan3A_190 = arith.constant 0 : i32
      scf.yield %scan3A_190 : i32
    }
    %scan3A_102 = arith.constant 12 : i32
    %add3A_103 = arith.constant 1536 : i32
    %add3A_104 = arith.addi %mul3A_0, %add3A_103 : i32
    "tpu.region"() ({
      %run_scoped3A_185 = tpu.sem_alloc : memref<!tpu.dma_semaphore, #tpu.memory_space<semaphore_mem>>
      %dma_start3A_186 = arith.constant 0 : i32
      %dma_start3A_187 = arith.constant 0 : i32
      %dma_start3A_188 = tpu.memref_slice %arg14[%dma_start3A_186, %dma_start3A_187] : memref<128x64xbf16, #tpu.memory_space<vmem>> -> memref<32x64xbf16, #tpu.memory_space<vmem>>
      %dma_start3A_189 = arith.constant 0 : i32
      %dma_start3A_190 = tpu.memref_slice %arg11[%add3A_104, %dma_start3A_189] : memref<25088x64xbf16, #tpu.memory_space<vmem_shared>> -> memref<32x64xbf16, #tpu.memory_space<vmem_shared>>
      %dma_start3A_191 = arith.constant 0 : i32
      %dma_start3A_192 = tpu.memref_slice %arg11[%add3A_104, %dma_start3A_191] : memref<25088x64xbf16, #tpu.memory_space<vmem_shared>> -> memref<32x64xbf16, #tpu.memory_space<vmem_shared>>
      %dma_start3A_193 = arith.constant 0 : i32
      %dma_start3A_194 = arith.constant 0 : i32
      %dma_start3A_195 = tpu.memref_slice %arg14[%dma_start3A_193, %dma_start3A_194] : memref<128x64xbf16, #tpu.memory_space<vmem>> -> memref<32x64xbf16, #tpu.memory_space<vmem>>
      tpu.enqueue_dma source(%dma_start3A_195 : memref<32x64xbf16, #tpu.memory_space<vmem>>) target(%dma_start3A_192 : memref<32x64xbf16, #tpu.memory_space<vmem_shared>>) target_semaphore(%run_scoped3A_185 : memref<!tpu.dma_semaphore, #tpu.memory_space<semaphore_mem>>)
      %dma_wait3A_196 = arith.constant 0 : i32
      %dma_wait3A_197 = arith.constant 0 : i32
      %dma_wait3A_198 = tpu.memref_slice %arg14[%dma_wait3A_196, %dma_wait3A_197] : memref<128x64xbf16, #tpu.memory_space<vmem>> -> memref<32x64xbf16, #tpu.memory_space<vmem>>
      %dma_wait3A_199 = arith.constant 0 : i32
      %dma_wait3A_200 = tpu.memref_slice %arg11[%add3A_104, %dma_wait3A_199] : memref<25088x64xbf16, #tpu.memory_space<vmem_shared>> -> memref<32x64xbf16, #tpu.memory_space<vmem_shared>>
      %dma_wait3A_201 = arith.constant 0 : i32
      %dma_wait3A_202 = tpu.memref_slice %arg11[%add3A_104, %dma_wait3A_201] : memref<25088x64xbf16, #tpu.memory_space<vmem_shared>> -> memref<32x64xbf16, #tpu.memory_space<vmem_shared>>
      %dma_wait3A_203 = arith.constant 0 : i32
      %dma_wait3A_204 = arith.constant 0 : i32
      %dma_wait3A_205 = tpu.memref_slice %arg14[%dma_wait3A_203, %dma_wait3A_204] : memref<128x64xbf16, #tpu.memory_space<vmem>> -> memref<32x64xbf16, #tpu.memory_space<vmem>>
      tpu.wait_dma2 semaphore(%run_scoped3A_185 : memref<!tpu.dma_semaphore, #tpu.memory_space<semaphore_mem>>) src(%dma_wait3A_205 : memref<32x64xbf16, #tpu.memory_space<vmem>>) dst(%dma_wait3A_202 : memref<32x64xbf16, #tpu.memory_space<vmem_shared>>)
      tpu.yield
    }) : () -> ()
    %barrier3A_105 = arith.constant 0 : index
    tpu.barrier barrier_id(%barrier3A_105)
    "tpu.region"() ({
      %run_scoped3A_185 = tpu.sem_alloc : memref<!tpu.dma_semaphore, #tpu.memory_space<semaphore_mem>>
      %dma_start3A_186 = arith.constant 0 : i32
      %dma_start3A_187 = arith.constant 0 : i32
      %dma_start3A_188 = arith.constant 0 : i32
      %dma_start3A_189 = tpu.memref_slice %arg5[%arg0, %dma_start3A_186, %dma_start3A_187, %dma_start3A_188] : memref<2x16x200x128xi32, #tpu.memory_space<hbm>> -> memref<1x16x200x128xi32, #tpu.memory_space<hbm>>
      %dma_start3A_190 = tpu.memref_squeeze %dma_start3A_189 : memref<1x16x200x128xi32, #tpu.memory_space<hbm>> -> memref<16x200x128xi32, #tpu.memory_space<hbm>>
      %dma_start3A_191 = arith.constant 0 : i32
      %dma_start3A_192 = arith.constant 0 : i32
      %dma_start3A_193 = tpu.memref_slice %dma_start3A_190[%arg1, %dma_start3A_191, %dma_start3A_192] : memref<16x200x128xi32, #tpu.memory_space<hbm>> -> memref<1x200x128xi32, #tpu.memory_space<hbm>>
      %dma_start3A_194 = tpu.memref_squeeze %dma_start3A_193 : memref<1x200x128xi32, #tpu.memory_space<hbm>> -> memref<200x128xi32, #tpu.memory_space<hbm>>
      %dma_start3A_195 = arith.constant 0 : i32
      %dma_start3A_196 = arith.constant 0 : i32
      %dma_start3A_197 = arith.constant 0 : i32
      %dma_start3A_198 = tpu.memref_slice %arg5[%arg0, %dma_start3A_195, %dma_start3A_196, %dma_start3A_197] : memref<2x16x200x128xi32, #tpu.memory_space<hbm>> -> memref<1x16x200x128xi32, #tpu.memory_space<hbm>>
      %dma_start3A_199 = tpu.memref_squeeze %dma_start3A_198 : memref<1x16x200x128xi32, #tpu.memory_space<hbm>> -> memref<16x200x128xi32, #tpu.memory_space<hbm>>
      %dma_start3A_200 = arith.constant 0 : i32
      %dma_start3A_201 = arith.constant 0 : i32
      %dma_start3A_202 = tpu.memref_slice %dma_start3A_199[%arg1, %dma_start3A_200, %dma_start3A_201] : memref<16x200x128xi32, #tpu.memory_space<hbm>> -> memref<1x200x128xi32, #tpu.memory_space<hbm>>
      %dma_start3A_203 = tpu.memref_squeeze %dma_start3A_202 : memref<1x200x128xi32, #tpu.memory_space<hbm>> -> memref<200x128xi32, #tpu.memory_space<hbm>>
      tpu.enqueue_dma source(%dma_start3A_203 : memref<200x128xi32, #tpu.memory_space<hbm>>) target(%arg12 : memref<200x128xi32, #tpu.memory_space<vmem>>) target_semaphore(%run_scoped3A_185 : memref<!tpu.dma_semaphore, #tpu.memory_space<semaphore_mem>>)
      %dma_wait3A_204 = arith.constant 0 : i32
      %dma_wait3A_205 = arith.constant 0 : i32
      %dma_wait3A_206 = arith.constant 0 : i32
      %dma_wait3A_207 = tpu.memref_slice %arg5[%arg0, %dma_wait3A_204, %dma_wait3A_205, %dma_wait3A_206] : memref<2x16x200x128xi32, #tpu.memory_space<hbm>> -> memref<1x16x200x128xi32, #tpu.memory_space<hbm>>
      %dma_wait3A_208 = tpu.memref_squeeze %dma_wait3A_207 : memref<1x16x200x128xi32, #tpu.memory_space<hbm>> -> memref<16x200x128xi32, #tpu.memory_space<hbm>>
      %dma_wait3A_209 = arith.constant 0 : i32
      %dma_wait3A_210 = arith.constant 0 : i32
      %dma_wait3A_211 = tpu.memref_slice %dma_wait3A_208[%arg1, %dma_wait3A_209, %dma_wait3A_210] : memref<16x200x128xi32, #tpu.memory_space<hbm>> -> memref<1x200x128xi32, #tpu.memory_space<hbm>>
      %dma_wait3A_212 = tpu.memref_squeeze %dma_wait3A_211 : memref<1x200x128xi32, #tpu.memory_space<hbm>> -> memref<200x128xi32, #tpu.memory_space<hbm>>
      %dma_wait3A_213 = arith.constant 0 : i32
      %dma_wait3A_214 = arith.constant 0 : i32
      %dma_wait3A_215 = arith.constant 0 : i32
      %dma_wait3A_216 = tpu.memref_slice %arg5[%arg0, %dma_wait3A_213, %dma_wait3A_214, %dma_wait3A_215] : memref<2x16x200x128xi32, #tpu.memory_space<hbm>> -> memref<1x16x200x128xi32, #tpu.memory_space<hbm>>
      %dma_wait3A_217 = tpu.memref_squeeze %dma_wait3A_216 : memref<1x16x200x128xi32, #tpu.memory_space<hbm>> -> memref<16x200x128xi32, #tpu.memory_space<hbm>>
      %dma_wait3A_218 = arith.constant 0 : i32
      %dma_wait3A_219 = arith.constant 0 : i32
      %dma_wait3A_220 = tpu.memref_slice %dma_wait3A_217[%arg1, %dma_wait3A_218, %dma_wait3A_219] : memref<16x200x128xi32, #tpu.memory_space<hbm>> -> memref<1x200x128xi32, #tpu.memory_space<hbm>>
      %dma_wait3A_221 = tpu.memref_squeeze %dma_wait3A_220 : memref<1x200x128xi32, #tpu.memory_space<hbm>> -> memref<200x128xi32, #tpu.memory_space<hbm>>
      tpu.wait_dma2 semaphore(%run_scoped3A_185 : memref<!tpu.dma_semaphore, #tpu.memory_space<semaphore_mem>>) src(%dma_wait3A_221 : memref<200x128xi32, #tpu.memory_space<hbm>>) dst(%arg12 : memref<200x128xi32, #tpu.memory_space<vmem>>)
      tpu.yield
    }) : () -> ()
    "tpu.region"() ({
      %run_scoped3A_185 = tpu.sem_alloc : memref<!tpu.dma_semaphore, #tpu.memory_space<semaphore_mem>>
      %dma_start3A_186 = arith.constant 0 : i32
      %dma_start3A_187 = arith.constant 0 : i32
      %dma_start3A_188 = tpu.memref_slice %arg6[%arg1, %dma_start3A_186, %dma_start3A_187] : memref<16x200x128xi32, #tpu.memory_space<hbm>> -> memref<1x200x128xi32, #tpu.memory_space<hbm>>
      %dma_start3A_189 = tpu.memref_squeeze %dma_start3A_188 : memref<1x200x128xi32, #tpu.memory_space<hbm>> -> memref<200x128xi32, #tpu.memory_space<hbm>>
      %dma_start3A_190 = arith.constant 0 : i32
      %dma_start3A_191 = arith.constant 0 : i32
      %dma_start3A_192 = tpu.memref_slice %arg6[%arg1, %dma_start3A_190, %dma_start3A_191] : memref<16x200x128xi32, #tpu.memory_space<hbm>> -> memref<1x200x128xi32, #tpu.memory_space<hbm>>
      %dma_start3A_193 = tpu.memref_squeeze %dma_start3A_192 : memref<1x200x128xi32, #tpu.memory_space<hbm>> -> memref<200x128xi32, #tpu.memory_space<hbm>>
      tpu.enqueue_dma source(%dma_start3A_193 : memref<200x128xi32, #tpu.memory_space<hbm>>) target(%arg13 : memref<200x128xi32, #tpu.memory_space<vmem>>) target_semaphore(%run_scoped3A_185 : memref<!tpu.dma_semaphore, #tpu.memory_space<semaphore_mem>>)
      %dma_wait3A_194 = arith.constant 0 : i32
      %dma_wait3A_195 = arith.constant 0 : i32
      %dma_wait3A_196 = tpu.memref_slice %arg6[%arg1, %dma_wait3A_194, %dma_wait3A_195] : memref<16x200x128xi32, #tpu.memory_space<hbm>> -> memref<1x200x128xi32, #tpu.memory_space<hbm>>
      %dma_wait3A_197 = tpu.memref_squeeze %dma_wait3A_196 : memref<1x200x128xi32, #tpu.memory_space<hbm>> -> memref<200x128xi32, #tpu.memory_space<hbm>>
      %dma_wait3A_198 = arith.constant 0 : i32
      %dma_wait3A_199 = arith.constant 0 : i32
      %dma_wait3A_200 = tpu.memref_slice %arg6[%arg1, %dma_wait3A_198, %dma_wait3A_199] : memref<16x200x128xi32, #tpu.memory_space<hbm>> -> memref<1x200x128xi32, #tpu.memory_space<hbm>>
      %dma_wait3A_201 = tpu.memref_squeeze %dma_wait3A_200 : memref<1x200x128xi32, #tpu.memory_space<hbm>> -> memref<200x128xi32, #tpu.memory_space<hbm>>
      tpu.wait_dma2 semaphore(%run_scoped3A_185 : memref<!tpu.dma_semaphore, #tpu.memory_space<semaphore_mem>>) src(%dma_wait3A_201 : memref<200x128xi32, #tpu.memory_space<hbm>>) dst(%arg13 : memref<200x128xi32, #tpu.memory_space<vmem>>)
      tpu.yield
    }) : () -> ()
    %dma_start3A_106 = arith.constant 0 : i32
    %dma_start3A_107 = arith.constant 0 : i32
    %dma_start3A_108 = tpu.memref_slice %arg12[%dma_start3A_106, %dma_start3A_107] : memref<200x128xi32, #tpu.memory_space<vmem>> -> memref<1x128xi32, #tpu.memory_space<vmem>>
    %dma_start3A_109 = tpu.memref_squeeze %dma_start3A_108 : memref<1x128xi32, #tpu.memory_space<vmem>> -> memref<128xi32, #tpu.memory_space<vmem>>
    %dma_start3A_110 = arith.constant 0 : i32
    %dma_start3A_111 = arith.constant 0 : i32
    %dma_start3A_112 = tpu.memref_slice %arg2[%dma_start3A_110, %dma_start3A_111] : memref<100000x64xbf16, #tpu.memory_space<hbm>> -> memref<100000x64xbf16, #tpu.memory_space<hbm>>
    tpu.enqueue_indirect_dma source(%dma_start3A_112 : memref<100000x64xbf16, #tpu.memory_space<hbm>>) target(%arg14 : memref<128x64xbf16, #tpu.memory_space<vmem>>) offsets(%dma_start3A_109 : memref<128xi32, #tpu.memory_space<vmem>>) semaphore(%arg18 : memref<!tpu.dma_semaphore, #tpu.memory_space<semaphore_mem>>)
    %dma_start3A_113 = arith.constant 1 : i32
    %dma_start3A_114 = arith.constant 0 : i32
    %dma_start3A_115 = tpu.memref_slice %arg12[%dma_start3A_113, %dma_start3A_114] : memref<200x128xi32, #tpu.memory_space<vmem>> -> memref<1x128xi32, #tpu.memory_space<vmem>>
    %dma_start3A_116 = tpu.memref_squeeze %dma_start3A_115 : memref<1x128xi32, #tpu.memory_space<vmem>> -> memref<128xi32, #tpu.memory_space<vmem>>
    %dma_start3A_117 = arith.constant 0 : i32
    %dma_start3A_118 = arith.constant 0 : i32
    %dma_start3A_119 = tpu.memref_slice %arg2[%dma_start3A_117, %dma_start3A_118] : memref<100000x64xbf16, #tpu.memory_space<hbm>> -> memref<100000x64xbf16, #tpu.memory_space<hbm>>
    tpu.enqueue_indirect_dma source(%dma_start3A_119 : memref<100000x64xbf16, #tpu.memory_space<hbm>>) target(%arg15 : memref<128x64xbf16, #tpu.memory_space<vmem>>) offsets(%dma_start3A_116 : memref<128xi32, #tpu.memory_space<vmem>>) semaphore(%arg19 : memref<!tpu.dma_semaphore, #tpu.memory_space<semaphore_mem>>)
    %dma_start3A_120 = arith.constant 2 : i32
    %dma_start3A_121 = arith.constant 0 : i32
    %dma_start3A_122 = tpu.memref_slice %arg12[%dma_start3A_120, %dma_start3A_121] : memref<200x128xi32, #tpu.memory_space<vmem>> -> memref<1x128xi32, #tpu.memory_space<vmem>>
    %dma_start3A_123 = tpu.memref_squeeze %dma_start3A_122 : memref<1x128xi32, #tpu.memory_space<vmem>> -> memref<128xi32, #tpu.memory_space<vmem>>
    %dma_start3A_124 = arith.constant 0 : i32
    %dma_start3A_125 = arith.constant 0 : i32
    %dma_start3A_126 = tpu.memref_slice %arg2[%dma_start3A_124, %dma_start3A_125] : memref<100000x64xbf16, #tpu.memory_space<hbm>> -> memref<100000x64xbf16, #tpu.memory_space<hbm>>
    tpu.enqueue_indirect_dma source(%dma_start3A_126 : memref<100000x64xbf16, #tpu.memory_space<hbm>>) target(%arg16 : memref<128x64xbf16, #tpu.memory_space<vmem>>) offsets(%dma_start3A_123 : memref<128xi32, #tpu.memory_space<vmem>>) semaphore(%arg20 : memref<!tpu.dma_semaphore, #tpu.memory_space<semaphore_mem>>)
    %dma_start3A_127 = arith.constant 3 : i32
    %dma_start3A_128 = arith.constant 0 : i32
    %dma_start3A_129 = tpu.memref_slice %arg12[%dma_start3A_127, %dma_start3A_128] : memref<200x128xi32, #tpu.memory_space<vmem>> -> memref<1x128xi32, #tpu.memory_space<vmem>>
    %dma_start3A_130 = tpu.memref_squeeze %dma_start3A_129 : memref<1x128xi32, #tpu.memory_space<vmem>> -> memref<128xi32, #tpu.memory_space<vmem>>
    %dma_start3A_131 = arith.constant 0 : i32
    %dma_start3A_132 = arith.constant 0 : i32
    %dma_start3A_133 = tpu.memref_slice %arg2[%dma_start3A_131, %dma_start3A_132] : memref<100000x64xbf16, #tpu.memory_space<hbm>> -> memref<100000x64xbf16, #tpu.memory_space<hbm>>
    tpu.enqueue_indirect_dma source(%dma_start3A_133 : memref<100000x64xbf16, #tpu.memory_space<hbm>>) target(%arg17 : memref<128x64xbf16, #tpu.memory_space<vmem>>) offsets(%dma_start3A_130 : memref<128xi32, #tpu.memory_space<vmem>>) semaphore(%arg21 : memref<!tpu.dma_semaphore, #tpu.memory_space<semaphore_mem>>)
    %scan3A_134 = arith.constant 0 : i32
    %scan3A_135 = arith.constant 0 : i32
    %scan3A_136 = arith.constant 49 : i32
    %scan3A_137 = arith.addi %scan3A_135, %scan3A_136 : i32
    %scan3A_138 = arith.constant 1 : i32
    %scan3A_139 = scf.for %scan3A_185 = %scan3A_135 to %scan3A_137 step %scan3A_138 iter_args(%scan3A_186 = %scan3A_134) -> (i32)  : i32 {
      %mul3A_187 = arith.constant 4 : i32
      %mul3A_188 = arith.muli %mul3A_187, %scan3A_185 : i32
      %add3A_189 = arith.constant 0 : i32
      %add3A_190 = arith.addi %mul3A_188, %add3A_189 : i32
      %dma_wait3A_191 = arith.constant 0 : i32
      %dma_wait3A_192 = tpu.memref_slice %arg12[%add3A_190, %dma_wait3A_191] : memref<200x128xi32, #tpu.memory_space<vmem>> -> memref<1x128xi32, #tpu.memory_space<vmem>>
      %dma_wait3A_193 = tpu.memref_squeeze %dma_wait3A_192 : memref<1x128xi32, #tpu.memory_space<vmem>> -> memref<128xi32, #tpu.memory_space<vmem>>
      %dma_wait3A_194 = arith.constant 0 : i32
      %dma_wait3A_195 = arith.constant 0 : i32
      %dma_wait3A_196 = tpu.memref_slice %arg2[%dma_wait3A_194, %dma_wait3A_195] : memref<100000x64xbf16, #tpu.memory_space<hbm>> -> memref<100000x64xbf16, #tpu.memory_space<hbm>>
      tpu.wait_indirect_dma semaphore(%arg18 : memref<!tpu.dma_semaphore, #tpu.memory_space<semaphore_mem>>) src(%dma_wait3A_196 : memref<100000x64xbf16, #tpu.memory_space<hbm>>) dst(%arg14 : memref<128x64xbf16, #tpu.memory_space<vmem>>)
      "tpu.region"() ({
        %run_scoped3A_260 = tpu.sem_alloc : memref<!tpu.dma_semaphore, #tpu.memory_space<semaphore_mem>>
        %dma_start3A_261 = arith.constant 0 : i32
        %dma_start3A_262 = tpu.memref_slice %arg13[%add3A_190, %dma_start3A_261] : memref<200x128xi32, #tpu.memory_space<vmem>> -> memref<1x128xi32, #tpu.memory_space<vmem>>
        %dma_start3A_263 = tpu.memref_squeeze %dma_start3A_262 : memref<1x128xi32, #tpu.memory_space<vmem>> -> memref<128xi32, #tpu.memory_space<vmem>>
        %dma_start3A_264 = arith.constant 0 : i32
        %dma_start3A_265 = arith.constant 0 : i32
        %dma_start3A_266 = tpu.memref_slice %arg11[%dma_start3A_264, %dma_start3A_265] : memref<25088x64xbf16, #tpu.memory_space<vmem_shared>> -> memref<25088x64xbf16, #tpu.memory_space<vmem_shared>>
        tpu.enqueue_indirect_dma source(%arg14 : memref<128x64xbf16, #tpu.memory_space<vmem>>) target(%dma_start3A_266 : memref<25088x64xbf16, #tpu.memory_space<vmem_shared>>) offsets(%dma_start3A_263 : memref<128xi32, #tpu.memory_space<vmem>>) semaphore(%run_scoped3A_260 : memref<!tpu.dma_semaphore, #tpu.memory_space<semaphore_mem>>) {add = true}
        %dma_wait3A_267 = arith.constant 0 : i32
        %dma_wait3A_268 = tpu.memref_slice %arg13[%add3A_190, %dma_wait3A_267] : memref<200x128xi32, #tpu.memory_space<vmem>> -> memref<1x128xi32, #tpu.memory_space<vmem>>
        %dma_wait3A_269 = tpu.memref_squeeze %dma_wait3A_268 : memref<1x128xi32, #tpu.memory_space<vmem>> -> memref<128xi32, #tpu.memory_space<vmem>>
        %dma_wait3A_270 = arith.constant 0 : i32
        %dma_wait3A_271 = arith.constant 0 : i32
        %dma_wait3A_272 = tpu.memref_slice %arg11[%dma_wait3A_270, %dma_wait3A_271] : memref<25088x64xbf16, #tpu.memory_space<vmem_shared>> -> memref<25088x64xbf16, #tpu.memory_space<vmem_shared>>
        tpu.wait_indirect_dma semaphore(%run_scoped3A_260 : memref<!tpu.dma_semaphore, #tpu.memory_space<semaphore_mem>>) src(%arg14 : memref<128x64xbf16, #tpu.memory_space<vmem>>) dst(%dma_wait3A_272 : memref<25088x64xbf16, #tpu.memory_space<vmem_shared>>)
        tpu.yield
      }) : () -> ()
      %add3A_197 = arith.constant 4 : i32
      %add3A_198 = arith.addi %add3A_190, %add3A_197 : i32
      %dma_start3A_199 = arith.constant 0 : i32
      %dma_start3A_200 = tpu.memref_slice %arg12[%add3A_198, %dma_start3A_199] : memref<200x128xi32, #tpu.memory_space<vmem>> -> memref<1x128xi32, #tpu.memory_space<vmem>>
      %dma_start3A_201 = tpu.memref_squeeze %dma_start3A_200 : memref<1x128xi32, #tpu.memory_space<vmem>> -> memref<128xi32, #tpu.memory_space<vmem>>
      %dma_start3A_202 = arith.constant 0 : i32
      %dma_start3A_203 = arith.constant 0 : i32
      %dma_start3A_204 = tpu.memref_slice %arg2[%dma_start3A_202, %dma_start3A_203] : memref<100000x64xbf16, #tpu.memory_space<hbm>> -> memref<100000x64xbf16, #tpu.memory_space<hbm>>
      tpu.enqueue_indirect_dma source(%dma_start3A_204 : memref<100000x64xbf16, #tpu.memory_space<hbm>>) target(%arg14 : memref<128x64xbf16, #tpu.memory_space<vmem>>) offsets(%dma_start3A_201 : memref<128xi32, #tpu.memory_space<vmem>>) semaphore(%arg18 : memref<!tpu.dma_semaphore, #tpu.memory_space<semaphore_mem>>)
      %mul3A_205 = arith.constant 4 : i32
      %mul3A_206 = arith.muli %mul3A_205, %scan3A_185 : i32
      %add3A_207 = arith.constant 1 : i32
      %add3A_208 = arith.addi %mul3A_206, %add3A_207 : i32
      %dma_wait3A_209 = arith.constant 0 : i32
      %dma_wait3A_210 = tpu.memref_slice %arg12[%add3A_208, %dma_wait3A_209] : memref<200x128xi32, #tpu.memory_space<vmem>> -> memref<1x128xi32, #tpu.memory_space<vmem>>
      %dma_wait3A_211 = tpu.memref_squeeze %dma_wait3A_210 : memref<1x128xi32, #tpu.memory_space<vmem>> -> memref<128xi32, #tpu.memory_space<vmem>>
      %dma_wait3A_212 = arith.constant 0 : i32
      %dma_wait3A_213 = arith.constant 0 : i32
      %dma_wait3A_214 = tpu.memref_slice %arg2[%dma_wait3A_212, %dma_wait3A_213] : memref<100000x64xbf16, #tpu.memory_space<hbm>> -> memref<100000x64xbf16, #tpu.memory_space<hbm>>
      tpu.wait_indirect_dma semaphore(%arg19 : memref<!tpu.dma_semaphore, #tpu.memory_space<semaphore_mem>>) src(%dma_wait3A_214 : memref<100000x64xbf16, #tpu.memory_space<hbm>>) dst(%arg15 : memref<128x64xbf16, #tpu.memory_space<vmem>>)
      "tpu.region"() ({
        %run_scoped3A_260 = tpu.sem_alloc : memref<!tpu.dma_semaphore, #tpu.memory_space<semaphore_mem>>
        %dma_start3A_261 = arith.constant 0 : i32
        %dma_start3A_262 = tpu.memref_slice %arg13[%add3A_208, %dma_start3A_261] : memref<200x128xi32, #tpu.memory_space<vmem>> -> memref<1x128xi32, #tpu.memory_space<vmem>>
        %dma_start3A_263 = tpu.memref_squeeze %dma_start3A_262 : memref<1x128xi32, #tpu.memory_space<vmem>> -> memref<128xi32, #tpu.memory_space<vmem>>
        %dma_start3A_264 = arith.constant 0 : i32
        %dma_start3A_265 = arith.constant 0 : i32
        %dma_start3A_266 = tpu.memref_slice %arg11[%dma_start3A_264, %dma_start3A_265] : memref<25088x64xbf16, #tpu.memory_space<vmem_shared>> -> memref<25088x64xbf16, #tpu.memory_space<vmem_shared>>
        tpu.enqueue_indirect_dma source(%arg15 : memref<128x64xbf16, #tpu.memory_space<vmem>>) target(%dma_start3A_266 : memref<25088x64xbf16, #tpu.memory_space<vmem_shared>>) offsets(%dma_start3A_263 : memref<128xi32, #tpu.memory_space<vmem>>) semaphore(%run_scoped3A_260 : memref<!tpu.dma_semaphore, #tpu.memory_space<semaphore_mem>>) {add = true}
        %dma_wait3A_267 = arith.constant 0 : i32
        %dma_wait3A_268 = tpu.memref_slice %arg13[%add3A_208, %dma_wait3A_267] : memref<200x128xi32, #tpu.memory_space<vmem>> -> memref<1x128xi32, #tpu.memory_space<vmem>>
        %dma_wait3A_269 = tpu.memref_squeeze %dma_wait3A_268 : memref<1x128xi32, #tpu.memory_space<vmem>> -> memref<128xi32, #tpu.memory_space<vmem>>
        %dma_wait3A_270 = arith.constant 0 : i32
        %dma_wait3A_271 = arith.constant 0 : i32
        %dma_wait3A_272 = tpu.memref_slice %arg11[%dma_wait3A_270, %dma_wait3A_271] : memref<25088x64xbf16, #tpu.memory_space<vmem_shared>> -> memref<25088x64xbf16, #tpu.memory_space<vmem_shared>>
        tpu.wait_indirect_dma semaphore(%run_scoped3A_260 : memref<!tpu.dma_semaphore, #tpu.memory_space<semaphore_mem>>) src(%arg15 : memref<128x64xbf16, #tpu.memory_space<vmem>>) dst(%dma_wait3A_272 : memref<25088x64xbf16, #tpu.memory_space<vmem_shared>>)
        tpu.yield
      }) : () -> ()
      %add3A_215 = arith.constant 4 : i32
      %add3A_216 = arith.addi %add3A_208, %add3A_215 : i32
      %dma_start3A_217 = arith.constant 0 : i32
      %dma_start3A_218 = tpu.memref_slice %arg12[%add3A_216, %dma_start3A_217] : memref<200x128xi32, #tpu.memory_space<vmem>> -> memref<1x128xi32, #tpu.memory_space<vmem>>
      %dma_start3A_219 = tpu.memref_squeeze %dma_start3A_218 : memref<1x128xi32, #tpu.memory_space<vmem>> -> memref<128xi32, #tpu.memory_space<vmem>>
      %dma_start3A_220 = arith.constant 0 : i32
      %dma_start3A_221 = arith.constant 0 : i32
      %dma_start3A_222 = tpu.memref_slice %arg2[%dma_start3A_220, %dma_start3A_221] : memref<100000x64xbf16, #tpu.memory_space<hbm>> -> memref<100000x64xbf16, #tpu.memory_space<hbm>>
      tpu.enqueue_indirect_dma source(%dma_start3A_222 : memref<100000x64xbf16, #tpu.memory_space<hbm>>) target(%arg15 : memref<128x64xbf16, #tpu.memory_space<vmem>>) offsets(%dma_start3A_219 : memref<128xi32, #tpu.memory_space<vmem>>) semaphore(%arg19 : memref<!tpu.dma_semaphore, #tpu.memory_space<semaphore_mem>>)
      %mul3A_223 = arith.constant 4 : i32
      %mul3A_224 = arith.muli %mul3A_223, %scan3A_185 : i32
      %add3A_225 = arith.constant 2 : i32
      %add3A_226 = arith.addi %mul3A_224, %add3A_225 : i32
      %dma_wait3A_227 = arith.constant 0 : i32
      %dma_wait3A_228 = tpu.memref_slice %arg12[%add3A_226, %dma_wait3A_227] : memref<200x128xi32, #tpu.memory_space<vmem>> -> memref<1x128xi32, #tpu.memory_space<vmem>>
      %dma_wait3A_229 = tpu.memref_squeeze %dma_wait3A_228 : memref<1x128xi32, #tpu.memory_space<vmem>> -> memref<128xi32, #tpu.memory_space<vmem>>
      %dma_wait3A_230 = arith.constant 0 : i32
      %dma_wait3A_231 = arith.constant 0 : i32
      %dma_wait3A_232 = tpu.memref_slice %arg2[%dma_wait3A_230, %dma_wait3A_231] : memref<100000x64xbf16, #tpu.memory_space<hbm>> -> memref<100000x64xbf16, #tpu.memory_space<hbm>>
      tpu.wait_indirect_dma semaphore(%arg20 : memref<!tpu.dma_semaphore, #tpu.memory_space<semaphore_mem>>) src(%dma_wait3A_232 : memref<100000x64xbf16, #tpu.memory_space<hbm>>) dst(%arg16 : memref<128x64xbf16, #tpu.memory_space<vmem>>)
      "tpu.region"() ({
        %run_scoped3A_260 = tpu.sem_alloc : memref<!tpu.dma_semaphore, #tpu.memory_space<semaphore_mem>>
        %dma_start3A_261 = arith.constant 0 : i32
        %dma_start3A_262 = tpu.memref_slice %arg13[%add3A_226, %dma_start3A_261] : memref<200x128xi32, #tpu.memory_space<vmem>> -> memref<1x128xi32, #tpu.memory_space<vmem>>
        %dma_start3A_263 = tpu.memref_squeeze %dma_start3A_262 : memref<1x128xi32, #tpu.memory_space<vmem>> -> memref<128xi32, #tpu.memory_space<vmem>>
        %dma_start3A_264 = arith.constant 0 : i32
        %dma_start3A_265 = arith.constant 0 : i32
        %dma_start3A_266 = tpu.memref_slice %arg11[%dma_start3A_264, %dma_start3A_265] : memref<25088x64xbf16, #tpu.memory_space<vmem_shared>> -> memref<25088x64xbf16, #tpu.memory_space<vmem_shared>>
        tpu.enqueue_indirect_dma source(%arg16 : memref<128x64xbf16, #tpu.memory_space<vmem>>) target(%dma_start3A_266 : memref<25088x64xbf16, #tpu.memory_space<vmem_shared>>) offsets(%dma_start3A_263 : memref<128xi32, #tpu.memory_space<vmem>>) semaphore(%run_scoped3A_260 : memref<!tpu.dma_semaphore, #tpu.memory_space<semaphore_mem>>) {add = true}
        %dma_wait3A_267 = arith.constant 0 : i32
        %dma_wait3A_268 = tpu.memref_slice %arg13[%add3A_226, %dma_wait3A_267] : memref<200x128xi32, #tpu.memory_space<vmem>> -> memref<1x128xi32, #tpu.memory_space<vmem>>
        %dma_wait3A_269 = tpu.memref_squeeze %dma_wait3A_268 : memref<1x128xi32, #tpu.memory_space<vmem>> -> memref<128xi32, #tpu.memory_space<vmem>>
        %dma_wait3A_270 = arith.constant 0 : i32
        %dma_wait3A_271 = arith.constant 0 : i32
        %dma_wait3A_272 = tpu.memref_slice %arg11[%dma_wait3A_270, %dma_wait3A_271] : memref<25088x64xbf16, #tpu.memory_space<vmem_shared>> -> memref<25088x64xbf16, #tpu.memory_space<vmem_shared>>
        tpu.wait_indirect_dma semaphore(%run_scoped3A_260 : memref<!tpu.dma_semaphore, #tpu.memory_space<semaphore_mem>>) src(%arg16 : memref<128x64xbf16, #tpu.memory_space<vmem>>) dst(%dma_wait3A_272 : memref<25088x64xbf16, #tpu.memory_space<vmem_shared>>)
        tpu.yield
      }) : () -> ()
      %add3A_233 = arith.constant 4 : i32
      %add3A_234 = arith.addi %add3A_226, %add3A_233 : i32
      %dma_start3A_235 = arith.constant 0 : i32
      %dma_start3A_236 = tpu.memref_slice %arg12[%add3A_234, %dma_start3A_235] : memref<200x128xi32, #tpu.memory_space<vmem>> -> memref<1x128xi32, #tpu.memory_space<vmem>>
      %dma_start3A_237 = tpu.memref_squeeze %dma_start3A_236 : memref<1x128xi32, #tpu.memory_space<vmem>> -> memref<128xi32, #tpu.memory_space<vmem>>
      %dma_start3A_238 = arith.constant 0 : i32
      %dma_start3A_239 = arith.constant 0 : i32
      %dma_start3A_240 = tpu.memref_slice %arg2[%dma_start3A_238, %dma_start3A_239] : memref<100000x64xbf16, #tpu.memory_space<hbm>> -> memref<100000x64xbf16, #tpu.memory_space<hbm>>
      tpu.enqueue_indirect_dma source(%dma_start3A_240 : memref<100000x64xbf16, #tpu.memory_space<hbm>>) target(%arg16 : memref<128x64xbf16, #tpu.memory_space<vmem>>) offsets(%dma_start3A_237 : memref<128xi32, #tpu.memory_space<vmem>>) semaphore(%arg20 : memref<!tpu.dma_semaphore, #tpu.memory_space<semaphore_mem>>)
      %mul3A_241 = arith.constant 4 : i32
      %mul3A_242 = arith.muli %mul3A_241, %scan3A_185 : i32
      %add3A_243 = arith.constant 3 : i32
      %add3A_244 = arith.addi %mul3A_242, %add3A_243 : i32
      %dma_wait3A_245 = arith.constant 0 : i32
      %dma_wait3A_246 = tpu.memref_slice %arg12[%add3A_244, %dma_wait3A_245] : memref<200x128xi32, #tpu.memory_space<vmem>> -> memref<1x128xi32, #tpu.memory_space<vmem>>
      %dma_wait3A_247 = tpu.memref_squeeze %dma_wait3A_246 : memref<1x128xi32, #tpu.memory_space<vmem>> -> memref<128xi32, #tpu.memory_space<vmem>>
      %dma_wait3A_248 = arith.constant 0 : i32
      %dma_wait3A_249 = arith.constant 0 : i32
      %dma_wait3A_250 = tpu.memref_slice %arg2[%dma_wait3A_248, %dma_wait3A_249] : memref<100000x64xbf16, #tpu.memory_space<hbm>> -> memref<100000x64xbf16, #tpu.memory_space<hbm>>
      tpu.wait_indirect_dma semaphore(%arg21 : memref<!tpu.dma_semaphore, #tpu.memory_space<semaphore_mem>>) src(%dma_wait3A_250 : memref<100000x64xbf16, #tpu.memory_space<hbm>>) dst(%arg17 : memref<128x64xbf16, #tpu.memory_space<vmem>>)
      "tpu.region"() ({
        %run_scoped3A_260 = tpu.sem_alloc : memref<!tpu.dma_semaphore, #tpu.memory_space<semaphore_mem>>
        %dma_start3A_261 = arith.constant 0 : i32
        %dma_start3A_262 = tpu.memref_slice %arg13[%add3A_244, %dma_start3A_261] : memref<200x128xi32, #tpu.memory_space<vmem>> -> memref<1x128xi32, #tpu.memory_space<vmem>>
        %dma_start3A_263 = tpu.memref_squeeze %dma_start3A_262 : memref<1x128xi32, #tpu.memory_space<vmem>> -> memref<128xi32, #tpu.memory_space<vmem>>
        %dma_start3A_264 = arith.constant 0 : i32
        %dma_start3A_265 = arith.constant 0 : i32
        %dma_start3A_266 = tpu.memref_slice %arg11[%dma_start3A_264, %dma_start3A_265] : memref<25088x64xbf16, #tpu.memory_space<vmem_shared>> -> memref<25088x64xbf16, #tpu.memory_space<vmem_shared>>
        tpu.enqueue_indirect_dma source(%arg17 : memref<128x64xbf16, #tpu.memory_space<vmem>>) target(%dma_start3A_266 : memref<25088x64xbf16, #tpu.memory_space<vmem_shared>>) offsets(%dma_start3A_263 : memref<128xi32, #tpu.memory_space<vmem>>) semaphore(%run_scoped3A_260 : memref<!tpu.dma_semaphore, #tpu.memory_space<semaphore_mem>>) {add = true}
        %dma_wait3A_267 = arith.constant 0 : i32
        %dma_wait3A_268 = tpu.memref_slice %arg13[%add3A_244, %dma_wait3A_267] : memref<200x128xi32, #tpu.memory_space<vmem>> -> memref<1x128xi32, #tpu.memory_space<vmem>>
        %dma_wait3A_269 = tpu.memref_squeeze %dma_wait3A_268 : memref<1x128xi32, #tpu.memory_space<vmem>> -> memref<128xi32, #tpu.memory_space<vmem>>
        %dma_wait3A_270 = arith.constant 0 : i32
        %dma_wait3A_271 = arith.constant 0 : i32
        %dma_wait3A_272 = tpu.memref_slice %arg11[%dma_wait3A_270, %dma_wait3A_271] : memref<25088x64xbf16, #tpu.memory_space<vmem_shared>> -> memref<25088x64xbf16, #tpu.memory_space<vmem_shared>>
        tpu.wait_indirect_dma semaphore(%run_scoped3A_260 : memref<!tpu.dma_semaphore, #tpu.memory_space<semaphore_mem>>) src(%arg17 : memref<128x64xbf16, #tpu.memory_space<vmem>>) dst(%dma_wait3A_272 : memref<25088x64xbf16, #tpu.memory_space<vmem_shared>>)
        tpu.yield
      }) : () -> ()
      %add3A_251 = arith.constant 4 : i32
      %add3A_252 = arith.addi %add3A_244, %add3A_251 : i32
      %dma_start3A_253 = arith.constant 0 : i32
      %dma_start3A_254 = tpu.memref_slice %arg12[%add3A_252, %dma_start3A_253] : memref<200x128xi32, #tpu.memory_space<vmem>> -> memref<1x128xi32, #tpu.memory_space<vmem>>
      %dma_start3A_255 = tpu.memref_squeeze %dma_start3A_254 : memref<1x128xi32, #tpu.memory_space<vmem>> -> memref<128xi32, #tpu.memory_space<vmem>>
      %dma_start3A_256 = arith.constant 0 : i32
      %dma_start3A_257 = arith.constant 0 : i32
      %dma_start3A_258 = tpu.memref_slice %arg2[%dma_start3A_256, %dma_start3A_257] : memref<100000x64xbf16, #tpu.memory_space<hbm>> -> memref<100000x64xbf16, #tpu.memory_space<hbm>>
      tpu.enqueue_indirect_dma source(%dma_start3A_258 : memref<100000x64xbf16, #tpu.memory_space<hbm>>) target(%arg17 : memref<128x64xbf16, #tpu.memory_space<vmem>>) offsets(%dma_start3A_255 : memref<128xi32, #tpu.memory_space<vmem>>) semaphore(%arg21 : memref<!tpu.dma_semaphore, #tpu.memory_space<semaphore_mem>>)
      %scan3A_259 = arith.constant 0 : i32
      scf.yield %scan3A_259 : i32
    }
    %scan3A_140 = arith.constant 49 : i32
    %dma_wait3A_141 = arith.constant 196 : i32
    %dma_wait3A_142 = arith.constant 0 : i32
    %dma_wait3A_143 = tpu.memref_slice %arg12[%dma_wait3A_141, %dma_wait3A_142] : memref<200x128xi32, #tpu.memory_space<vmem>> -> memref<1x128xi32, #tpu.memory_space<vmem>>
    %dma_wait3A_144 = tpu.memref_squeeze %dma_wait3A_143 : memref<1x128xi32, #tpu.memory_space<vmem>> -> memref<128xi32, #tpu.memory_space<vmem>>
    %dma_wait3A_145 = arith.constant 0 : i32
    %dma_wait3A_146 = arith.constant 0 : i32
    %dma_wait3A_147 = tpu.memref_slice %arg2[%dma_wait3A_145, %dma_wait3A_146] : memref<100000x64xbf16, #tpu.memory_space<hbm>> -> memref<100000x64xbf16, #tpu.memory_space<hbm>>
    tpu.wait_indirect_dma semaphore(%arg18 : memref<!tpu.dma_semaphore, #tpu.memory_space<semaphore_mem>>) src(%dma_wait3A_147 : memref<100000x64xbf16, #tpu.memory_space<hbm>>) dst(%arg14 : memref<128x64xbf16, #tpu.memory_space<vmem>>)
    %run_scoped3A_148 = arith.constant 196 : i32
    "tpu.region"() ({
      %run_scoped3A_185 = tpu.sem_alloc : memref<!tpu.dma_semaphore, #tpu.memory_space<semaphore_mem>>
      %dma_start3A_186 = arith.constant 0 : i32
      %dma_start3A_187 = tpu.memref_slice %arg13[%run_scoped3A_148, %dma_start3A_186] : memref<200x128xi32, #tpu.memory_space<vmem>> -> memref<1x128xi32, #tpu.memory_space<vmem>>
      %dma_start3A_188 = tpu.memref_squeeze %dma_start3A_187 : memref<1x128xi32, #tpu.memory_space<vmem>> -> memref<128xi32, #tpu.memory_space<vmem>>
      %dma_start3A_189 = arith.constant 0 : i32
      %dma_start3A_190 = arith.constant 0 : i32
      %dma_start3A_191 = tpu.memref_slice %arg11[%dma_start3A_189, %dma_start3A_190] : memref<25088x64xbf16, #tpu.memory_space<vmem_shared>> -> memref<25088x64xbf16, #tpu.memory_space<vmem_shared>>
      tpu.enqueue_indirect_dma source(%arg14 : memref<128x64xbf16, #tpu.memory_space<vmem>>) target(%dma_start3A_191 : memref<25088x64xbf16, #tpu.memory_space<vmem_shared>>) offsets(%dma_start3A_188 : memref<128xi32, #tpu.memory_space<vmem>>) semaphore(%run_scoped3A_185 : memref<!tpu.dma_semaphore, #tpu.memory_space<semaphore_mem>>) {add = true}
      %dma_wait3A_192 = arith.constant 0 : i32
      %dma_wait3A_193 = tpu.memref_slice %arg13[%run_scoped3A_148, %dma_wait3A_192] : memref<200x128xi32, #tpu.memory_space<vmem>> -> memref<1x128xi32, #tpu.memory_space<vmem>>
      %dma_wait3A_194 = tpu.memref_squeeze %dma_wait3A_193 : memref<1x128xi32, #tpu.memory_space<vmem>> -> memref<128xi32, #tpu.memory_space<vmem>>
      %dma_wait3A_195 = arith.constant 0 : i32
      %dma_wait3A_196 = arith.constant 0 : i32
      %dma_wait3A_197 = tpu.memref_slice %arg11[%dma_wait3A_195, %dma_wait3A_196] : memref<25088x64xbf16, #tpu.memory_space<vmem_shared>> -> memref<25088x64xbf16, #tpu.memory_space<vmem_shared>>
      tpu.wait_indirect_dma semaphore(%run_scoped3A_185 : memref<!tpu.dma_semaphore, #tpu.memory_space<semaphore_mem>>) src(%arg14 : memref<128x64xbf16, #tpu.memory_space<vmem>>) dst(%dma_wait3A_197 : memref<25088x64xbf16, #tpu.memory_space<vmem_shared>>)
      tpu.yield
    }) : () -> ()
    %dma_wait3A_149 = arith.constant 197 : i32
    %dma_wait3A_150 = arith.constant 0 : i32
    %dma_wait3A_151 = tpu.memref_slice %arg12[%dma_wait3A_149, %dma_wait3A_150] : memref<200x128xi32, #tpu.memory_space<vmem>> -> memref<1x128xi32, #tpu.memory_space<vmem>>
    %dma_wait3A_152 = tpu.memref_squeeze %dma_wait3A_151 : memref<1x128xi32, #tpu.memory_space<vmem>> -> memref<128xi32, #tpu.memory_space<vmem>>
    %dma_wait3A_153 = arith.constant 0 : i32
    %dma_wait3A_154 = arith.constant 0 : i32
    %dma_wait3A_155 = tpu.memref_slice %arg2[%dma_wait3A_153, %dma_wait3A_154] : memref<100000x64xbf16, #tpu.memory_space<hbm>> -> memref<100000x64xbf16, #tpu.memory_space<hbm>>
    tpu.wait_indirect_dma semaphore(%arg19 : memref<!tpu.dma_semaphore, #tpu.memory_space<semaphore_mem>>) src(%dma_wait3A_155 : memref<100000x64xbf16, #tpu.memory_space<hbm>>) dst(%arg15 : memref<128x64xbf16, #tpu.memory_space<vmem>>)
    %run_scoped3A_156 = arith.constant 197 : i32
    "tpu.region"() ({
      %run_scoped3A_185 = tpu.sem_alloc : memref<!tpu.dma_semaphore, #tpu.memory_space<semaphore_mem>>
      %dma_start3A_186 = arith.constant 0 : i32
      %dma_start3A_187 = tpu.memref_slice %arg13[%run_scoped3A_156, %dma_start3A_186] : memref<200x128xi32, #tpu.memory_space<vmem>> -> memref<1x128xi32, #tpu.memory_space<vmem>>
      %dma_start3A_188 = tpu.memref_squeeze %dma_start3A_187 : memref<1x128xi32, #tpu.memory_space<vmem>> -> memref<128xi32, #tpu.memory_space<vmem>>
      %dma_start3A_189 = arith.constant 0 : i32
      %dma_start3A_190 = arith.constant 0 : i32
      %dma_start3A_191 = tpu.memref_slice %arg11[%dma_start3A_189, %dma_start3A_190] : memref<25088x64xbf16, #tpu.memory_space<vmem_shared>> -> memref<25088x64xbf16, #tpu.memory_space<vmem_shared>>
      tpu.enqueue_indirect_dma source(%arg15 : memref<128x64xbf16, #tpu.memory_space<vmem>>) target(%dma_start3A_191 : memref<25088x64xbf16, #tpu.memory_space<vmem_shared>>) offsets(%dma_start3A_188 : memref<128xi32, #tpu.memory_space<vmem>>) semaphore(%run_scoped3A_185 : memref<!tpu.dma_semaphore, #tpu.memory_space<semaphore_mem>>) {add = true}
      %dma_wait3A_192 = arith.constant 0 : i32
      %dma_wait3A_193 = tpu.memref_slice %arg13[%run_scoped3A_156, %dma_wait3A_192] : memref<200x128xi32, #tpu.memory_space<vmem>> -> memref<1x128xi32, #tpu.memory_space<vmem>>
      %dma_wait3A_194 = tpu.memref_squeeze %dma_wait3A_193 : memref<1x128xi32, #tpu.memory_space<vmem>> -> memref<128xi32, #tpu.memory_space<vmem>>
      %dma_wait3A_195 = arith.constant 0 : i32
      %dma_wait3A_196 = arith.constant 0 : i32
      %dma_wait3A_197 = tpu.memref_slice %arg11[%dma_wait3A_195, %dma_wait3A_196] : memref<25088x64xbf16, #tpu.memory_space<vmem_shared>> -> memref<25088x64xbf16, #tpu.memory_space<vmem_shared>>
      tpu.wait_indirect_dma semaphore(%run_scoped3A_185 : memref<!tpu.dma_semaphore, #tpu.memory_space<semaphore_mem>>) src(%arg15 : memref<128x64xbf16, #tpu.memory_space<vmem>>) dst(%dma_wait3A_197 : memref<25088x64xbf16, #tpu.memory_space<vmem_shared>>)
      tpu.yield
    }) : () -> ()
    %dma_wait3A_157 = arith.constant 198 : i32
    %dma_wait3A_158 = arith.constant 0 : i32
    %dma_wait3A_159 = tpu.memref_slice %arg12[%dma_wait3A_157, %dma_wait3A_158] : memref<200x128xi32, #tpu.memory_space<vmem>> -> memref<1x128xi32, #tpu.memory_space<vmem>>
    %dma_wait3A_160 = tpu.memref_squeeze %dma_wait3A_159 : memref<1x128xi32, #tpu.memory_space<vmem>> -> memref<128xi32, #tpu.memory_space<vmem>>
    %dma_wait3A_161 = arith.constant 0 : i32
    %dma_wait3A_162 = arith.constant 0 : i32
    %dma_wait3A_163 = tpu.memref_slice %arg2[%dma_wait3A_161, %dma_wait3A_162] : memref<100000x64xbf16, #tpu.memory_space<hbm>> -> memref<100000x64xbf16, #tpu.memory_space<hbm>>
    tpu.wait_indirect_dma semaphore(%arg20 : memref<!tpu.dma_semaphore, #tpu.memory_space<semaphore_mem>>) src(%dma_wait3A_163 : memref<100000x64xbf16, #tpu.memory_space<hbm>>) dst(%arg16 : memref<128x64xbf16, #tpu.memory_space<vmem>>)
    %run_scoped3A_164 = arith.constant 198 : i32
    "tpu.region"() ({
      %run_scoped3A_185 = tpu.sem_alloc : memref<!tpu.dma_semaphore, #tpu.memory_space<semaphore_mem>>
      %dma_start3A_186 = arith.constant 0 : i32
      %dma_start3A_187 = tpu.memref_slice %arg13[%run_scoped3A_164, %dma_start3A_186] : memref<200x128xi32, #tpu.memory_space<vmem>> -> memref<1x128xi32, #tpu.memory_space<vmem>>
      %dma_start3A_188 = tpu.memref_squeeze %dma_start3A_187 : memref<1x128xi32, #tpu.memory_space<vmem>> -> memref<128xi32, #tpu.memory_space<vmem>>
      %dma_start3A_189 = arith.constant 0 : i32
      %dma_start3A_190 = arith.constant 0 : i32
      %dma_start3A_191 = tpu.memref_slice %arg11[%dma_start3A_189, %dma_start3A_190] : memref<25088x64xbf16, #tpu.memory_space<vmem_shared>> -> memref<25088x64xbf16, #tpu.memory_space<vmem_shared>>
      tpu.enqueue_indirect_dma source(%arg16 : memref<128x64xbf16, #tpu.memory_space<vmem>>) target(%dma_start3A_191 : memref<25088x64xbf16, #tpu.memory_space<vmem_shared>>) offsets(%dma_start3A_188 : memref<128xi32, #tpu.memory_space<vmem>>) semaphore(%run_scoped3A_185 : memref<!tpu.dma_semaphore, #tpu.memory_space<semaphore_mem>>) {add = true}
      %dma_wait3A_192 = arith.constant 0 : i32
      %dma_wait3A_193 = tpu.memref_slice %arg13[%run_scoped3A_164, %dma_wait3A_192] : memref<200x128xi32, #tpu.memory_space<vmem>> -> memref<1x128xi32, #tpu.memory_space<vmem>>
      %dma_wait3A_194 = tpu.memref_squeeze %dma_wait3A_193 : memref<1x128xi32, #tpu.memory_space<vmem>> -> memref<128xi32, #tpu.memory_space<vmem>>
      %dma_wait3A_195 = arith.constant 0 : i32
      %dma_wait3A_196 = arith.constant 0 : i32
      %dma_wait3A_197 = tpu.memref_slice %arg11[%dma_wait3A_195, %dma_wait3A_196] : memref<25088x64xbf16, #tpu.memory_space<vmem_shared>> -> memref<25088x64xbf16, #tpu.memory_space<vmem_shared>>
      tpu.wait_indirect_dma semaphore(%run_scoped3A_185 : memref<!tpu.dma_semaphore, #tpu.memory_space<semaphore_mem>>) src(%arg16 : memref<128x64xbf16, #tpu.memory_space<vmem>>) dst(%dma_wait3A_197 : memref<25088x64xbf16, #tpu.memory_space<vmem_shared>>)
      tpu.yield
    }) : () -> ()
    %dma_wait3A_165 = arith.constant 199 : i32
    %dma_wait3A_166 = arith.constant 0 : i32
    %dma_wait3A_167 = tpu.memref_slice %arg12[%dma_wait3A_165, %dma_wait3A_166] : memref<200x128xi32, #tpu.memory_space<vmem>> -> memref<1x128xi32, #tpu.memory_space<vmem>>
    %dma_wait3A_168 = tpu.memref_squeeze %dma_wait3A_167 : memref<1x128xi32, #tpu.memory_space<vmem>> -> memref<128xi32, #tpu.memory_space<vmem>>
    %dma_wait3A_169 = arith.constant 0 : i32
    %dma_wait3A_170 = arith.constant 0 : i32
    %dma_wait3A_171 = tpu.memref_slice %arg2[%dma_wait3A_169, %dma_wait3A_170] : memref<100000x64xbf16, #tpu.memory_space<hbm>> -> memref<100000x64xbf16, #tpu.memory_space<hbm>>
    tpu.wait_indirect_dma semaphore(%arg21 : memref<!tpu.dma_semaphore, #tpu.memory_space<semaphore_mem>>) src(%dma_wait3A_171 : memref<100000x64xbf16, #tpu.memory_space<hbm>>) dst(%arg17 : memref<128x64xbf16, #tpu.memory_space<vmem>>)
    %run_scoped3A_172 = arith.constant 199 : i32
    "tpu.region"() ({
      %run_scoped3A_185 = tpu.sem_alloc : memref<!tpu.dma_semaphore, #tpu.memory_space<semaphore_mem>>
      %dma_start3A_186 = arith.constant 0 : i32
      %dma_start3A_187 = tpu.memref_slice %arg13[%run_scoped3A_172, %dma_start3A_186] : memref<200x128xi32, #tpu.memory_space<vmem>> -> memref<1x128xi32, #tpu.memory_space<vmem>>
      %dma_start3A_188 = tpu.memref_squeeze %dma_start3A_187 : memref<1x128xi32, #tpu.memory_space<vmem>> -> memref<128xi32, #tpu.memory_space<vmem>>
      %dma_start3A_189 = arith.constant 0 : i32
      %dma_start3A_190 = arith.constant 0 : i32
      %dma_start3A_191 = tpu.memref_slice %arg11[%dma_start3A_189, %dma_start3A_190] : memref<25088x64xbf16, #tpu.memory_space<vmem_shared>> -> memref<25088x64xbf16, #tpu.memory_space<vmem_shared>>
      tpu.enqueue_indirect_dma source(%arg17 : memref<128x64xbf16, #tpu.memory_space<vmem>>) target(%dma_start3A_191 : memref<25088x64xbf16, #tpu.memory_space<vmem_shared>>) offsets(%dma_start3A_188 : memref<128xi32, #tpu.memory_space<vmem>>) semaphore(%run_scoped3A_185 : memref<!tpu.dma_semaphore, #tpu.memory_space<semaphore_mem>>) {add = true}
      %dma_wait3A_192 = arith.constant 0 : i32
      %dma_wait3A_193 = tpu.memref_slice %arg13[%run_scoped3A_172, %dma_wait3A_192] : memref<200x128xi32, #tpu.memory_space<vmem>> -> memref<1x128xi32, #tpu.memory_space<vmem>>
      %dma_wait3A_194 = tpu.memref_squeeze %dma_wait3A_193 : memref<1x128xi32, #tpu.memory_space<vmem>> -> memref<128xi32, #tpu.memory_space<vmem>>
      %dma_wait3A_195 = arith.constant 0 : i32
      %dma_wait3A_196 = arith.constant 0 : i32
      %dma_wait3A_197 = tpu.memref_slice %arg11[%dma_wait3A_195, %dma_wait3A_196] : memref<25088x64xbf16, #tpu.memory_space<vmem_shared>> -> memref<25088x64xbf16, #tpu.memory_space<vmem_shared>>
      tpu.wait_indirect_dma semaphore(%run_scoped3A_185 : memref<!tpu.dma_semaphore, #tpu.memory_space<semaphore_mem>>) src(%arg17 : memref<128x64xbf16, #tpu.memory_space<vmem>>) dst(%dma_wait3A_197 : memref<25088x64xbf16, #tpu.memory_space<vmem_shared>>)
      tpu.yield
    }) : () -> ()
    %barrier3A_173 = arith.constant 0 : index
    tpu.barrier barrier_id(%barrier3A_173)
    %eq3A_174 = arith.constant 0 : i32
    %eq3A_175 = arith.cmpi eq, %arg0, %eq3A_174 : i32
    %convert_element_type3A_176 = arith.extui %eq3A_175 : i1 to i32
    %cond3A_177 = arith.constant 0 : i32
    %cond3A_178 = arith.cmpi ne, %convert_element_type3A_176, %cond3A_177 : i32
    scf.if %cond3A_178 {
      "tpu.region"() ({
        %run_scoped3A_185 = tpu.sem_alloc : memref<!tpu.dma_semaphore, #tpu.memory_space<semaphore_mem>>
        %dma_start3A_186 = arith.constant 0 : i32
        %dma_start3A_187 = tpu.memref_slice %arg9[%mul3A_0, %dma_start3A_186] : memref<25088x64xbf16, #tpu.memory_space<hbm>> -> memref<1568x64xbf16, #tpu.memory_space<hbm>>
        %dma_start3A_188 = arith.constant 0 : i32
        %dma_start3A_189 = tpu.memref_slice %arg11[%mul3A_0, %dma_start3A_188] : memref<25088x64xbf16, #tpu.memory_space<vmem_shared>> -> memref<1568x64xbf16, #tpu.memory_space<vmem_shared>>
        tpu.enqueue_dma source(%dma_start3A_189 : memref<1568x64xbf16, #tpu.memory_space<vmem_shared>>) target(%dma_start3A_187 : memref<1568x64xbf16, #tpu.memory_space<hbm>>) target_semaphore(%run_scoped3A_185 : memref<!tpu.dma_semaphore, #tpu.memory_space<semaphore_mem>>)
        %dma_wait3A_190 = arith.constant 0 : i32
        %dma_wait3A_191 = tpu.memref_slice %arg9[%mul3A_0, %dma_wait3A_190] : memref<25088x64xbf16, #tpu.memory_space<hbm>> -> memref<1568x64xbf16, #tpu.memory_space<hbm>>
        %dma_wait3A_192 = arith.constant 0 : i32
        %dma_wait3A_193 = tpu.memref_slice %arg11[%mul3A_0, %dma_wait3A_192] : memref<25088x64xbf16, #tpu.memory_space<vmem_shared>> -> memref<1568x64xbf16, #tpu.memory_space<vmem_shared>>
        tpu.wait_dma2 semaphore(%run_scoped3A_185 : memref<!tpu.dma_semaphore, #tpu.memory_space<semaphore_mem>>) src(%dma_wait3A_193 : memref<1568x64xbf16, #tpu.memory_space<vmem_shared>>) dst(%dma_wait3A_191 : memref<1568x64xbf16, #tpu.memory_space<hbm>>)
        tpu.yield
      }) : () -> ()
    } else {
    }
    %eq3A_179 = arith.constant 1 : i32
    %eq3A_180 = arith.cmpi eq, %arg0, %eq3A_179 : i32
    %convert_element_type3A_181 = arith.extui %eq3A_180 : i1 to i32
    %cond3A_182 = arith.constant 0 : i32
    %cond3A_183 = arith.cmpi ne, %convert_element_type3A_181, %cond3A_182 : i32
    scf.if %cond3A_183 {
      "tpu.region"() ({
        %run_scoped3A_185 = tpu.sem_alloc : memref<!tpu.dma_semaphore, #tpu.memory_space<semaphore_mem>>
        %dma_start3A_186 = arith.constant 0 : i32
        %dma_start3A_187 = tpu.memref_slice %arg10[%mul3A_0, %dma_start3A_186] : memref<25088x64xbf16, #tpu.memory_space<hbm>> -> memref<1568x64xbf16, #tpu.memory_space<hbm>>
        %dma_start3A_188 = arith.constant 0 : i32
        %dma_start3A_189 = tpu.memref_slice %arg11[%mul3A_0, %dma_start3A_188] : memref<25088x64xbf16, #tpu.memory_space<vmem_shared>> -> memref<1568x64xbf16, #tpu.memory_space<vmem_shared>>
        tpu.enqueue_dma source(%dma_start3A_189 : memref<1568x64xbf16, #tpu.memory_space<vmem_shared>>) target(%dma_start3A_187 : memref<1568x64xbf16, #tpu.memory_space<hbm>>) target_semaphore(%run_scoped3A_185 : memref<!tpu.dma_semaphore, #tpu.memory_space<semaphore_mem>>)
        %dma_wait3A_190 = arith.constant 0 : i32
        %dma_wait3A_191 = tpu.memref_slice %arg10[%mul3A_0, %dma_wait3A_190] : memref<25088x64xbf16, #tpu.memory_space<hbm>> -> memref<1568x64xbf16, #tpu.memory_space<hbm>>
        %dma_wait3A_192 = arith.constant 0 : i32
        %dma_wait3A_193 = tpu.memref_slice %arg11[%mul3A_0, %dma_wait3A_192] : memref<25088x64xbf16, #tpu.memory_space<vmem_shared>> -> memref<1568x64xbf16, #tpu.memory_space<vmem_shared>>
        tpu.wait_dma2 semaphore(%run_scoped3A_185 : memref<!tpu.dma_semaphore, #tpu.memory_space<semaphore_mem>>) src(%dma_wait3A_193 : memref<1568x64xbf16, #tpu.memory_space<vmem_shared>>) dst(%dma_wait3A_191 : memref<1568x64xbf16, #tpu.memory_space<hbm>>)
        tpu.yield
      }) : () -> ()
    } else {
    }
    %barrier3A_184 = arith.constant 0 : index
    tpu.barrier barrier_id(%barrier3A_184)
    return
  }
}

#map = affine_map<(d0, d1) -> (0, 0, 0)>
#map1 = affine_map<(d0, d1) -> (0, 0)>
module attributes {stable_mosaic.version = 14 : i64} {
  func.func @_deg_body(%arg0: i32, %arg1: i32, %arg2: memref<16x200x128xi32, #tpu.memory_space<hbm>>, %arg3: memref<16x200x128xi32, #tpu.memory_space<hbm>>, %arg4: memref<25088x16xf32, #tpu.memory_space<hbm>>, %arg5: memref<25088x16xf32, #tpu.memory_space<hbm>>, %arg6: memref<25088x16xf32, #tpu.memory_space<vmem_shared>>, %arg7: memref<200x128xi32, #tpu.memory_space<vmem>>, %arg8: memref<128x16xf32, #tpu.memory_space<vmem>>, %arg9: memref<224x16xf32, #tpu.memory_space<vmem>>) attributes {dimension_semantics = [#tpu.dimension_semantics<core_parallel>, #tpu.dimension_semantics<subcore_parallel>], iteration_bounds = array<i64: 2, 16>, scalar_prefetch = 0 : i64, scratch_operands = 4 : i64, tpu.core_type = #tpu.core_type<sc_vector_subcore>, window_params = [{transform_indices = #map}, {transform_indices = #map}, {transform_indices = #map1}, {transform_indices = #map1}]} {
    %mul3A = arith.constant 1568 : i32
    %mul3A_0 = arith.muli %arg1, %mul3A : i32
    %broadcast_in_dim3A = arith.constant 0.000000e+00 : f32
    %broadcast_in_dim3A_1 = vector.broadcast %broadcast_in_dim3A : f32 to vector<16xf32>
    %broadcast_in_dim3A_2 = arith.constant 1.000000e+00 : f32
    %broadcast_in_dim3A_3 = vector.broadcast %broadcast_in_dim3A_2 : f32 to vector<16xf32>
    %scan3A = arith.constant 0 : i32
    %scan3A_4 = arith.constant 0 : i32
    %scan3A_5 = arith.constant 128 : i32
    %scan3A_6 = arith.addi %scan3A_4, %scan3A_5 : i32
    %scan3A_7 = arith.constant 1 : i32
    %scan3A_8 = scf.for %scan3A_49 = %scan3A_4 to %scan3A_6 step %scan3A_7 iter_args(%scan3A_50 = %scan3A) -> (i32)  : i32 {
      %swap3A = arith.index_cast %scan3A_49 : i32 to index
      %swap3A_51 = arith.constant 0 : index
      %swap3A_52 = tpu.vector_load %arg8[%swap3A, %swap3A_51] {strides = array<i32>} : memref<128x16xf32, #tpu.memory_space<vmem>>, vector<1x16xf32>,
      %swap3A_53 = vector.shape_cast %swap3A_52 : vector<1x16xf32> to vector<16xf32>
      %swap3A_54 = vector.shape_cast %broadcast_in_dim3A_3 : vector<16xf32> to vector<1x16xf32>
      tpu.vector_store %arg8[%swap3A, %swap3A_51], %swap3A_54 {strides = array<i32>} : memref<128x16xf32, #tpu.memory_space<vmem>>, vector<1x16xf32>,
      %scan3A_55 = arith.constant 0 : i32
      scf.yield %scan3A_55 : i32
    }
    %scan3A_9 = arith.constant 128 : i32
    %scan3A_10 = arith.constant 0 : i32
    %scan3A_11 = arith.constant 0 : i32
    %scan3A_12 = arith.constant 224 : i32
    %scan3A_13 = arith.addi %scan3A_11, %scan3A_12 : i32
    %scan3A_14 = arith.constant 1 : i32
    %scan3A_15 = scf.for %scan3A_49 = %scan3A_11 to %scan3A_13 step %scan3A_14 iter_args(%scan3A_50 = %scan3A_10) -> (i32)  : i32 {
      %swap3A = arith.index_cast %scan3A_49 : i32 to index
      %swap3A_51 = arith.constant 0 : index
      %swap3A_52 = tpu.vector_load %arg9[%swap3A, %swap3A_51] {strides = array<i32>} : memref<224x16xf32, #tpu.memory_space<vmem>>, vector<1x16xf32>,
      %swap3A_53 = vector.shape_cast %swap3A_52 : vector<1x16xf32> to vector<16xf32>
      %swap3A_54 = vector.shape_cast %broadcast_in_dim3A_1 : vector<16xf32> to vector<1x16xf32>
      tpu.vector_store %arg9[%swap3A, %swap3A_51], %swap3A_54 {strides = array<i32>} : memref<224x16xf32, #tpu.memory_space<vmem>>, vector<1x16xf32>,
      %scan3A_55 = arith.constant 0 : i32
      scf.yield %scan3A_55 : i32
    }
    %scan3A_16 = arith.constant 224 : i32
    %scan3A_17 = arith.constant 0 : i32
    %scan3A_18 = arith.constant 0 : i32
    %scan3A_19 = arith.constant 7 : i32
    %scan3A_20 = arith.addi %scan3A_18, %scan3A_19 : i32
    %scan3A_21 = arith.constant 1 : i32
    %scan3A_22 = scf.for %scan3A_49 = %scan3A_18 to %scan3A_20 step %scan3A_21 iter_args(%scan3A_50 = %scan3A_17) -> (i32)  : i32 {
      %mul3A_51 = arith.constant 224 : i32
      %mul3A_52 = arith.muli %scan3A_49, %mul3A_51 : i32
      %add3A = arith.addi %mul3A_0, %mul3A_52 : i32
      "tpu.region"() ({
        %run_scoped3A = tpu.sem_alloc : memref<!tpu.dma_semaphore, #tpu.memory_space<semaphore_mem>>
        %dma_start3A = arith.constant 0 : i32
        %dma_start3A_54 = tpu.memref_slice %arg6[%add3A, %dma_start3A] : memref<25088x16xf32, #tpu.memory_space<vmem_shared>> -> memref<224x16xf32, #tpu.memory_space<vmem_shared>>
        %dma_start3A_55 = arith.constant 0 : i32
        %dma_start3A_56 = tpu.memref_slice %arg6[%add3A, %dma_start3A_55] : memref<25088x16xf32, #tpu.memory_space<vmem_shared>> -> memref<224x16xf32, #tpu.memory_space<vmem_shared>>
        tpu.enqueue_dma source(%arg9 : memref<224x16xf32, #tpu.memory_space<vmem>>) target(%dma_start3A_56 : memref<224x16xf32, #tpu.memory_space<vmem_shared>>) target_semaphore(%run_scoped3A : memref<!tpu.dma_semaphore, #tpu.memory_space<semaphore_mem>>)
        %dma_wait3A = arith.constant 0 : i32
        %dma_wait3A_57 = tpu.memref_slice %arg6[%add3A, %dma_wait3A] : memref<25088x16xf32, #tpu.memory_space<vmem_shared>> -> memref<224x16xf32, #tpu.memory_space<vmem_shared>>
        %dma_wait3A_58 = arith.constant 0 : i32
        %dma_wait3A_59 = tpu.memref_slice %arg6[%add3A, %dma_wait3A_58] : memref<25088x16xf32, #tpu.memory_space<vmem_shared>> -> memref<224x16xf32, #tpu.memory_space<vmem_shared>>
        tpu.wait_dma2 semaphore(%run_scoped3A : memref<!tpu.dma_semaphore, #tpu.memory_space<semaphore_mem>>) src(%arg9 : memref<224x16xf32, #tpu.memory_space<vmem>>) dst(%dma_wait3A_59 : memref<224x16xf32, #tpu.memory_space<vmem_shared>>)
        tpu.yield
      }) : () -> ()
      %scan3A_53 = arith.constant 0 : i32
      scf.yield %scan3A_53 : i32
    }
    %scan3A_23 = arith.constant 7 : i32
    %barrier3A = arith.constant 0 : index
    tpu.barrier barrier_id(%barrier3A)
    %eq3A = arith.constant 0 : i32
    %eq3A_24 = arith.cmpi eq, %arg0, %eq3A : i32
    %convert_element_type3A = arith.extui %eq3A_24 : i1 to i32
    %cond3A = arith.constant 0 : i32
    %cond3A_25 = arith.cmpi ne, %convert_element_type3A, %cond3A : i32
    scf.if %cond3A_25 {
      "tpu.region"() ({
        %run_scoped3A = tpu.sem_alloc : memref<!tpu.dma_semaphore, #tpu.memory_space<semaphore_mem>>
        %dma_start3A = arith.constant 0 : i32
        %dma_start3A_49 = arith.constant 0 : i32
        %dma_start3A_50 = tpu.memref_slice %arg2[%arg1, %dma_start3A, %dma_start3A_49] : memref<16x200x128xi32, #tpu.memory_space<hbm>> -> memref<1x200x128xi32, #tpu.memory_space<hbm>>
        %dma_start3A_51 = tpu.memref_squeeze %dma_start3A_50 : memref<1x200x128xi32, #tpu.memory_space<hbm>> -> memref<200x128xi32, #tpu.memory_space<hbm>>
        %dma_start3A_52 = arith.constant 0 : i32
        %dma_start3A_53 = arith.constant 0 : i32
        %dma_start3A_54 = tpu.memref_slice %arg2[%arg1, %dma_start3A_52, %dma_start3A_53] : memref<16x200x128xi32, #tpu.memory_space<hbm>> -> memref<1x200x128xi32, #tpu.memory_space<hbm>>
        %dma_start3A_55 = tpu.memref_squeeze %dma_start3A_54 : memref<1x200x128xi32, #tpu.memory_space<hbm>> -> memref<200x128xi32, #tpu.memory_space<hbm>>
        tpu.enqueue_dma source(%dma_start3A_55 : memref<200x128xi32, #tpu.memory_space<hbm>>) target(%arg7 : memref<200x128xi32, #tpu.memory_space<vmem>>) target_semaphore(%run_scoped3A : memref<!tpu.dma_semaphore, #tpu.memory_space<semaphore_mem>>)
        %dma_wait3A = arith.constant 0 : i32
        %dma_wait3A_56 = arith.constant 0 : i32
        %dma_wait3A_57 = tpu.memref_slice %arg2[%arg1, %dma_wait3A, %dma_wait3A_56] : memref<16x200x128xi32, #tpu.memory_space<hbm>> -> memref<1x200x128xi32, #tpu.memory_space<hbm>>
        %dma_wait3A_58 = tpu.memref_squeeze %dma_wait3A_57 : memref<1x200x128xi32, #tpu.memory_space<hbm>> -> memref<200x128xi32, #tpu.memory_space<hbm>>
        %dma_wait3A_59 = arith.constant 0 : i32
        %dma_wait3A_60 = arith.constant 0 : i32
        %dma_wait3A_61 = tpu.memref_slice %arg2[%arg1, %dma_wait3A_59, %dma_wait3A_60] : memref<16x200x128xi32, #tpu.memory_space<hbm>> -> memref<1x200x128xi32, #tpu.memory_space<hbm>>
        %dma_wait3A_62 = tpu.memref_squeeze %dma_wait3A_61 : memref<1x200x128xi32, #tpu.memory_space<hbm>> -> memref<200x128xi32, #tpu.memory_space<hbm>>
        tpu.wait_dma2 semaphore(%run_scoped3A : memref<!tpu.dma_semaphore, #tpu.memory_space<semaphore_mem>>) src(%dma_wait3A_62 : memref<200x128xi32, #tpu.memory_space<hbm>>) dst(%arg7 : memref<200x128xi32, #tpu.memory_space<vmem>>)
        tpu.yield
      }) : () -> ()
    } else {
    }
    %eq3A_26 = arith.constant 1 : i32
    %eq3A_27 = arith.cmpi eq, %arg0, %eq3A_26 : i32
    %convert_element_type3A_28 = arith.extui %eq3A_27 : i1 to i32
    %cond3A_29 = arith.constant 0 : i32
    %cond3A_30 = arith.cmpi ne, %convert_element_type3A_28, %cond3A_29 : i32
    scf.if %cond3A_30 {
      "tpu.region"() ({
        %run_scoped3A = tpu.sem_alloc : memref<!tpu.dma_semaphore, #tpu.memory_space<semaphore_mem>>
        %dma_start3A = arith.constant 0 : i32
        %dma_start3A_49 = arith.constant 0 : i32
        %dma_start3A_50 = tpu.memref_slice %arg3[%arg1, %dma_start3A, %dma_start3A_49] : memref<16x200x128xi32, #tpu.memory_space<hbm>> -> memref<1x200x128xi32, #tpu.memory_space<hbm>>
        %dma_start3A_51 = tpu.memref_squeeze %dma_start3A_50 : memref<1x200x128xi32, #tpu.memory_space<hbm>> -> memref<200x128xi32, #tpu.memory_space<hbm>>
        %dma_start3A_52 = arith.constant 0 : i32
        %dma_start3A_53 = arith.constant 0 : i32
        %dma_start3A_54 = tpu.memref_slice %arg3[%arg1, %dma_start3A_52, %dma_start3A_53] : memref<16x200x128xi32, #tpu.memory_space<hbm>> -> memref<1x200x128xi32, #tpu.memory_space<hbm>>
        %dma_start3A_55 = tpu.memref_squeeze %dma_start3A_54 : memref<1x200x128xi32, #tpu.memory_space<hbm>> -> memref<200x128xi32, #tpu.memory_space<hbm>>
        tpu.enqueue_dma source(%dma_start3A_55 : memref<200x128xi32, #tpu.memory_space<hbm>>) target(%arg7 : memref<200x128xi32, #tpu.memory_space<vmem>>) target_semaphore(%run_scoped3A : memref<!tpu.dma_semaphore, #tpu.memory_space<semaphore_mem>>)
        %dma_wait3A = arith.constant 0 : i32
        %dma_wait3A_56 = arith.constant 0 : i32
        %dma_wait3A_57 = tpu.memref_slice %arg3[%arg1, %dma_wait3A, %dma_wait3A_56] : memref<16x200x128xi32, #tpu.memory_space<hbm>> -> memref<1x200x128xi32, #tpu.memory_space<hbm>>
        %dma_wait3A_58 = tpu.memref_squeeze %dma_wait3A_57 : memref<1x200x128xi32, #tpu.memory_space<hbm>> -> memref<200x128xi32, #tpu.memory_space<hbm>>
        %dma_wait3A_59 = arith.constant 0 : i32
        %dma_wait3A_60 = arith.constant 0 : i32
        %dma_wait3A_61 = tpu.memref_slice %arg3[%arg1, %dma_wait3A_59, %dma_wait3A_60] : memref<16x200x128xi32, #tpu.memory_space<hbm>> -> memref<1x200x128xi32, #tpu.memory_space<hbm>>
        %dma_wait3A_62 = tpu.memref_squeeze %dma_wait3A_61 : memref<1x200x128xi32, #tpu.memory_space<hbm>> -> memref<200x128xi32, #tpu.memory_space<hbm>>
        tpu.wait_dma2 semaphore(%run_scoped3A : memref<!tpu.dma_semaphore, #tpu.memory_space<semaphore_mem>>) src(%dma_wait3A_62 : memref<200x128xi32, #tpu.memory_space<hbm>>) dst(%arg7 : memref<200x128xi32, #tpu.memory_space<vmem>>)
        tpu.yield
      }) : () -> ()
    } else {
    }
    %scan3A_31 = arith.constant 0 : i32
    %scan3A_32 = arith.constant 0 : i32
    %scan3A_33 = arith.constant 200 : i32
    %scan3A_34 = arith.addi %scan3A_32, %scan3A_33 : i32
    %scan3A_35 = arith.constant 1 : i32
    %scan3A_36 = scf.for %scan3A_49 = %scan3A_32 to %scan3A_34 step %scan3A_35 iter_args(%scan3A_50 = %scan3A_31) -> (i32)  : i32 {
      "tpu.region"() ({
        %run_scoped3A = tpu.sem_alloc : memref<!tpu.dma_semaphore, #tpu.memory_space<semaphore_mem>>
        %dma_start3A = arith.constant 0 : i32
        %dma_start3A_52 = tpu.memref_slice %arg7[%scan3A_49, %dma_start3A] : memref<200x128xi32, #tpu.memory_space<vmem>> -> memref<1x128xi32, #tpu.memory_space<vmem>>
        %dma_start3A_53 = tpu.memref_squeeze %dma_start3A_52 : memref<1x128xi32, #tpu.memory_space<vmem>> -> memref<128xi32, #tpu.memory_space<vmem>>
        %dma_start3A_54 = arith.constant 0 : i32
        %dma_start3A_55 = arith.constant 0 : i32
        %dma_start3A_56 = tpu.memref_slice %arg6[%dma_start3A_54, %dma_start3A_55] : memref<25088x16xf32, #tpu.memory_space<vmem_shared>> -> memref<25088x16xf32, #tpu.memory_space<vmem_shared>>
        tpu.enqueue_indirect_dma source(%arg8 : memref<128x16xf32, #tpu.memory_space<vmem>>) target(%dma_start3A_56 : memref<25088x16xf32, #tpu.memory_space<vmem_shared>>) offsets(%dma_start3A_53 : memref<128xi32, #tpu.memory_space<vmem>>) semaphore(%run_scoped3A : memref<!tpu.dma_semaphore, #tpu.memory_space<semaphore_mem>>) {add = true}
        %dma_wait3A = arith.constant 0 : i32
        %dma_wait3A_57 = tpu.memref_slice %arg7[%scan3A_49, %dma_wait3A] : memref<200x128xi32, #tpu.memory_space<vmem>> -> memref<1x128xi32, #tpu.memory_space<vmem>>
        %dma_wait3A_58 = tpu.memref_squeeze %dma_wait3A_57 : memref<1x128xi32, #tpu.memory_space<vmem>> -> memref<128xi32, #tpu.memory_space<vmem>>
        %dma_wait3A_59 = arith.constant 0 : i32
        %dma_wait3A_60 = arith.constant 0 : i32
        %dma_wait3A_61 = tpu.memref_slice %arg6[%dma_wait3A_59, %dma_wait3A_60] : memref<25088x16xf32, #tpu.memory_space<vmem_shared>> -> memref<25088x16xf32, #tpu.memory_space<vmem_shared>>
        tpu.wait_indirect_dma semaphore(%run_scoped3A : memref<!tpu.dma_semaphore, #tpu.memory_space<semaphore_mem>>) src(%arg8 : memref<128x16xf32, #tpu.memory_space<vmem>>) dst(%dma_wait3A_61 : memref<25088x16xf32, #tpu.memory_space<vmem_shared>>)
        tpu.yield
      }) : () -> ()
      %scan3A_51 = arith.constant 0 : i32
      scf.yield %scan3A_51 : i32
    }
    %scan3A_37 = arith.constant 200 : i32
    %barrier3A_38 = arith.constant 0 : index
    tpu.barrier barrier_id(%barrier3A_38)
    %eq3A_39 = arith.constant 0 : i32
    %eq3A_40 = arith.cmpi eq, %arg0, %eq3A_39 : i32
    %convert_element_type3A_41 = arith.extui %eq3A_40 : i1 to i32
    %cond3A_42 = arith.constant 0 : i32
    %cond3A_43 = arith.cmpi ne, %convert_element_type3A_41, %cond3A_42 : i32
    scf.if %cond3A_43 {
      "tpu.region"() ({
        %run_scoped3A = tpu.sem_alloc : memref<!tpu.dma_semaphore, #tpu.memory_space<semaphore_mem>>
        %dma_start3A = arith.constant 0 : i32
        %dma_start3A_49 = tpu.memref_slice %arg4[%mul3A_0, %dma_start3A] : memref<25088x16xf32, #tpu.memory_space<hbm>> -> memref<1568x16xf32, #tpu.memory_space<hbm>>
        %dma_start3A_50 = arith.constant 0 : i32
        %dma_start3A_51 = tpu.memref_slice %arg6[%mul3A_0, %dma_start3A_50] : memref<25088x16xf32, #tpu.memory_space<vmem_shared>> -> memref<1568x16xf32, #tpu.memory_space<vmem_shared>>
        tpu.enqueue_dma source(%dma_start3A_51 : memref<1568x16xf32, #tpu.memory_space<vmem_shared>>) target(%dma_start3A_49 : memref<1568x16xf32, #tpu.memory_space<hbm>>) target_semaphore(%run_scoped3A : memref<!tpu.dma_semaphore, #tpu.memory_space<semaphore_mem>>)
        %dma_wait3A = arith.constant 0 : i32
        %dma_wait3A_52 = tpu.memref_slice %arg4[%mul3A_0, %dma_wait3A] : memref<25088x16xf32, #tpu.memory_space<hbm>> -> memref<1568x16xf32, #tpu.memory_space<hbm>>
        %dma_wait3A_53 = arith.constant 0 : i32
        %dma_wait3A_54 = tpu.memref_slice %arg6[%mul3A_0, %dma_wait3A_53] : memref<25088x16xf32, #tpu.memory_space<vmem_shared>> -> memref<1568x16xf32, #tpu.memory_space<vmem_shared>>
        tpu.wait_dma2 semaphore(%run_scoped3A : memref<!tpu.dma_semaphore, #tpu.memory_space<semaphore_mem>>) src(%dma_wait3A_54 : memref<1568x16xf32, #tpu.memory_space<vmem_shared>>) dst(%dma_wait3A_52 : memref<1568x16xf32, #tpu.memory_space<hbm>>)
        tpu.yield
      }) : () -> ()
    } else {
    }
    %eq3A_44 = arith.constant 1 : i32
    %eq3A_45 = arith.cmpi eq, %arg0, %eq3A_44 : i32
    %convert_element_type3A_46 = arith.extui %eq3A_45 : i1 to i32
    %cond3A_47 = arith.constant 0 : i32
    %cond3A_48 = arith.cmpi ne, %convert_element_type3A_46, %cond3A_47 : i32
    scf.if %cond3A_48 {
      "tpu.region"() ({
        %run_scoped3A = tpu.sem_alloc : memref<!tpu.dma_semaphore, #tpu.memory_space<semaphore_mem>>
        %dma_start3A = arith.constant 0 : i32
        %dma_start3A_49 = tpu.memref_slice %arg5[%mul3A_0, %dma_start3A] : memref<25088x16xf32, #tpu.memory_space<hbm>> -> memref<1568x16xf32, #tpu.memory_space<hbm>>
        %dma_start3A_50 = arith.constant 0 : i32
        %dma_start3A_51 = tpu.memref_slice %arg6[%mul3A_0, %dma_start3A_50] : memref<25088x16xf32, #tpu.memory_space<vmem_shared>> -> memref<1568x16xf32, #tpu.memory_space<vmem_shared>>
        tpu.enqueue_dma source(%dma_start3A_51 : memref<1568x16xf32, #tpu.memory_space<vmem_shared>>) target(%dma_start3A_49 : memref<1568x16xf32, #tpu.memory_space<hbm>>) target_semaphore(%run_scoped3A : memref<!tpu.dma_semaphore, #tpu.memory_space<semaphore_mem>>)
        %dma_wait3A = arith.constant 0 : i32
        %dma_wait3A_52 = tpu.memref_slice %arg5[%mul3A_0, %dma_wait3A] : memref<25088x16xf32, #tpu.memory_space<hbm>> -> memref<1568x16xf32, #tpu.memory_space<hbm>>
        %dma_wait3A_53 = arith.constant 0 : i32
        %dma_wait3A_54 = tpu.memref_slice %arg6[%mul3A_0, %dma_wait3A_53] : memref<25088x16xf32, #tpu.memory_space<vmem_shared>> -> memref<1568x16xf32, #tpu.memory_space<vmem_shared>>
        tpu.wait_dma2 semaphore(%run_scoped3A : memref<!tpu.dma_semaphore, #tpu.memory_space<semaphore_mem>>) src(%dma_wait3A_54 : memref<1568x16xf32, #tpu.memory_space<vmem_shared>>) dst(%dma_wait3A_52 : memref<1568x16xf32, #tpu.memory_space<hbm>>)
        tpu.yield
      }) : () -> ()
    } else {
    }
    return
  }
}

module attributes {stable_mosaic.version = 14 : i64} {
  func.func @_tc_body(%arg0: i32, %arg1: memref<1792x128xf32, #tpu.memory_space<vmem>>, %arg2: memref<1792x64xbf16, #tpu.memory_space<vmem>>, %arg3: memref<1792x64xbf16, #tpu.memory_space<vmem>>, %arg4: memref<1792x64xbf16, #tpu.memory_space<vmem>>, %arg5: memref<1792x64xbf16, #tpu.memory_space<vmem>>, %arg6: memref<1792x16xf32, #tpu.memory_space<vmem>>, %arg7: memref<1792x16xf32, #tpu.memory_space<vmem>>, %arg8: memref<256x128xf32, #tpu.memory_space<vmem>>, %arg9: memref<1x128xf32, #tpu.memory_space<vmem>>, %arg10: memref<256x128xf32, #tpu.memory_space<vmem>>, %arg11: memref<1x128xf32, #tpu.memory_space<vmem>>, %arg12: memref<256x128xf32, #tpu.memory_space<vmem>>, %arg13: memref<1x128xf32, #tpu.memory_space<vmem>>, %arg14: memref<1792x128xf32, #tpu.memory_space<vmem>>) attributes {dimension_semantics = [#tpu.dimension_semantics<arbitrary>], iteration_bounds = array<i64: 14>, scalar_prefetch = 0 : i64, scratch_operands = 0 : i64, tpu.core_type = #tpu.core_type<tc>, window_params = [{transform_indices = @transform_0, window_bounds = array<i64: 1792, 128>}, {transform_indices = @transform_1, window_bounds = array<i64: 1792, 64>}, {transform_indices = @transform_2, window_bounds = array<i64: 1792, 64>}, {transform_indices = @transform_3, window_bounds = array<i64: 1792, 64>}, {transform_indices = @transform_4, window_bounds = array<i64: 1792, 64>}, {transform_indices = @transform_5, window_bounds = array<i64: 1792, 16>}, {transform_indices = @transform_6, window_bounds = array<i64: 1792, 16>}, {pipeline_mode = #tpu.pipeline_mode<synchronous>, transform_indices = @transform_7, window_bounds = array<i64: 256, 128>}, {pipeline_mode = #tpu.pipeline_mode<synchronous>, transform_indices = @transform_8, window_bounds = array<i64: 1, 128>}, {pipeline_mode = #tpu.pipeline_mode<synchronous>, transform_indices = @transform_9, window_bounds = array<i64: 256, 128>}, {pipeline_mode = #tpu.pipeline_mode<synchronous>, transform_indices = @transform_10, window_bounds = array<i64: 1, 128>}, {pipeline_mode = #tpu.pipeline_mode<synchronous>, transform_indices = @transform_11, window_bounds = array<i64: 256, 128>}, {pipeline_mode = #tpu.pipeline_mode<synchronous>, transform_indices = @transform_12, window_bounds = array<i64: 1, 128>}, {transform_indices = @transform_13, window_bounds = array<i64: 1792, 128>}]} {
    %get3A = arith.constant 0 : index
    %get3A_0 = arith.constant 0 : index
    %get3A_1 = vector.load %arg6[%get3A, %get3A_0] : memref<1792x16xf32, #tpu.memory_space<vmem>>, vector<1792x1xf32>
    %max3A = arith.constant 1.000000e+00 : f32
    %max3A_2 = vector.broadcast %max3A : f32 to vector<1792x1xf32>
    %max3A_3 = arith.maximumf %get3A_1, %max3A_2 : vector<1792x1xf32>
    %div3A = arith.constant 1.000000e+00 : f32
    %div3A_4 = vector.broadcast %div3A : f32 to vector<1792x1xf32>
    %div3A_5 = arith.divf %div3A_4, %max3A_3 : vector<1792x1xf32>
    %get3A_6 = arith.constant 0 : index
    %get3A_7 = arith.constant 0 : index
    %get3A_8 = vector.load %arg7[%get3A_6, %get3A_7] : memref<1792x16xf32, #tpu.memory_space<vmem>>, vector<1792x1xf32>
    %max3A_9 = arith.constant 1.000000e+00 : f32
    %max3A_10 = vector.broadcast %max3A_9 : f32 to vector<1792x1xf32>
    %max3A_11 = arith.maximumf %get3A_8, %max3A_10 : vector<1792x1xf32>
    %div3A_12 = arith.constant 1.000000e+00 : f32
    %div3A_13 = vector.broadcast %div3A_12 : f32 to vector<1792x1xf32>
    %div3A_14 = arith.divf %div3A_13, %max3A_11 : vector<1792x1xf32>
    %get3A_15 = arith.constant 0 : index
    %get3A_16 = arith.constant 0 : index
    %get3A_17 = vector.load %arg1[%get3A_15, %get3A_16] : memref<1792x128xf32, #tpu.memory_space<vmem>>, vector<1792x128xf32>
    %get3A_18 = arith.constant 0 : index
    %get3A_19 = arith.constant 0 : index
    %get3A_20 = vector.load %arg8[%get3A_18, %get3A_19] : memref<256x128xf32, #tpu.memory_space<vmem>>, vector<256x128xf32>
    %get3A_21 = arith.constant 0 : index
    %get3A_22 = arith.constant 0 : index
    %get3A_23 = vector.load %arg10[%get3A_21, %get3A_22] : memref<256x128xf32, #tpu.memory_space<vmem>>, vector<256x128xf32>
    %get3A_24 = arith.constant 0 : index
    %get3A_25 = arith.constant 0 : index
    %get3A_26 = vector.load %arg12[%get3A_24, %get3A_25] : memref<256x128xf32, #tpu.memory_space<vmem>>, vector<256x128xf32>
    %get3A_27 = arith.constant 0 : index
    %get3A_28 = arith.constant 0 : index
    %get3A_29 = vector.load %arg2[%get3A_27, %get3A_28] : memref<1792x64xbf16, #tpu.memory_space<vmem>>, vector<1792x64xbf16>
    %convert_element_type3A = arith.extf %get3A_29 : vector<1792x64xbf16> to vector<1792x64xf32>
    %get3A_30 = arith.constant 0 : index
    %get3A_31 = arith.constant 0 : index
    %get3A_32 = vector.load %arg3[%get3A_30, %get3A_31] : memref<1792x64xbf16, #tpu.memory_space<vmem>>, vector<1792x64xbf16>
    %convert_element_type3A_33 = arith.extf %get3A_32 : vector<1792x64xbf16> to vector<1792x64xf32>
    %get3A_34 = arith.constant 0 : index
    %get3A_35 = arith.constant 0 : index
    %get3A_36 = vector.load %arg4[%get3A_34, %get3A_35] : memref<1792x64xbf16, #tpu.memory_space<vmem>>, vector<1792x64xbf16>
    %convert_element_type3A_37 = arith.extf %get3A_36 : vector<1792x64xbf16> to vector<1792x64xf32>
    %get3A_38 = arith.constant 0 : index
    %get3A_39 = arith.constant 0 : index
    %get3A_40 = vector.load %arg5[%get3A_38, %get3A_39] : memref<1792x64xbf16, #tpu.memory_space<vmem>>, vector<1792x64xbf16>
    %convert_element_type3A_41 = arith.extf %get3A_40 : vector<1792x64xbf16> to vector<1792x64xf32>
    %slice3A = vector.extract_strided_slice %get3A_20 {offsets = [0, 0], sizes = [128, 128], strides = [1, 1]} : vector<256x128xf32> to vector<128x128xf32>
    %dot_general3A = arith.constant dense<0.000000e+00> : vector<1792x128xf32>
    %dot_general3A_42 = tpu.matmul %get3A_17, %slice3A, %dot_general3A {dimension_numbers = #tpu.dot_dimension_numbers<[1], [0], [0], [1], [0, 0, 1, 1], [], []>, transpose_lhs_hint = false} : vector<1792x128xf32>, vector<128x128xf32>, vector<1792x128xf32> -> vector<1792x128xf32>
    %mul3A = vector.broadcast %div3A_5 : vector<1792x1xf32> to vector<1792x64xf32>
    %mul3A_43 = arith.mulf %convert_element_type3A, %mul3A : vector<1792x64xf32>
    %slice3A_44 = vector.extract_strided_slice %get3A_20 {offsets = [128, 0], sizes = [64, 128], strides = [1, 1]} : vector<256x128xf32> to vector<64x128xf32>
    %dot_general3A_45 = arith.constant dense<0.000000e+00> : vector<1792x128xf32>
    %dot_general3A_46 = tpu.matmul %mul3A_43, %slice3A_44, %dot_general3A_45 {dimension_numbers = #tpu.dot_dimension_numbers<[1], [0], [0], [1], [0, 0, 1, 1], [], []>, transpose_lhs_hint = false} : vector<1792x64xf32>, vector<64x128xf32>, vector<1792x128xf32> -> vector<1792x128xf32>
    %add3A = arith.addf %dot_general3A_42, %dot_general3A_46 : vector<1792x128xf32>
    %mul3A_47 = vector.broadcast %div3A_5 : vector<1792x1xf32> to vector<1792x64xf32>
    %mul3A_48 = arith.mulf %convert_element_type3A_33, %mul3A_47 : vector<1792x64xf32>
    %slice3A_49 = vector.extract_strided_slice %get3A_20 {offsets = [192, 0], sizes = [64, 128], strides = [1, 1]} : vector<256x128xf32> to vector<64x128xf32>
    %dot_general3A_50 = arith.constant dense<0.000000e+00> : vector<1792x128xf32>
    %dot_general3A_51 = tpu.matmul %mul3A_48, %slice3A_49, %dot_general3A_50 {dimension_numbers = #tpu.dot_dimension_numbers<[1], [0], [0], [1], [0, 0, 1, 1], [], []>, transpose_lhs_hint = false} : vector<1792x64xf32>, vector<64x128xf32>, vector<1792x128xf32> -> vector<1792x128xf32>
    %add3A_52 = arith.addf %add3A, %dot_general3A_51 : vector<1792x128xf32>
    %get3A_53 = arith.constant 0 : index
    %get3A_54 = arith.constant 0 : index
    %get3A_55 = vector.load %arg9[%get3A_53, %get3A_54] : memref<1x128xf32, #tpu.memory_space<vmem>>, vector<1x128xf32>
    %add3A_56 = vector.broadcast %get3A_55 : vector<1x128xf32> to vector<1792x128xf32>
    %add3A_57 = arith.addf %add3A_52, %add3A_56 : vector<1792x128xf32>
    %max3A_58 = arith.constant 0.000000e+00 : f32
    %max3A_59 = vector.broadcast %max3A_58 : f32 to vector<1792x128xf32>
    %max3A_60 = arith.maximumf %add3A_57, %max3A_59 : vector<1792x128xf32>
    %slice3A_61 = vector.extract_strided_slice %get3A_23 {offsets = [0, 0], sizes = [128, 128], strides = [1, 1]} : vector<256x128xf32> to vector<128x128xf32>
    %dot_general3A_62 = arith.constant dense<0.000000e+00> : vector<1792x128xf32>
    %dot_general3A_63 = tpu.matmul %get3A_17, %slice3A_61, %dot_general3A_62 {dimension_numbers = #tpu.dot_dimension_numbers<[1], [0], [0], [1], [0, 0, 1, 1], [], []>, transpose_lhs_hint = false} : vector<1792x128xf32>, vector<128x128xf32>, vector<1792x128xf32> -> vector<1792x128xf32>
    %mul3A_64 = vector.broadcast %div3A_14 : vector<1792x1xf32> to vector<1792x64xf32>
    %mul3A_65 = arith.mulf %convert_element_type3A_37, %mul3A_64 : vector<1792x64xf32>
    %slice3A_66 = vector.extract_strided_slice %get3A_23 {offsets = [128, 0], sizes = [64, 128], strides = [1, 1]} : vector<256x128xf32> to vector<64x128xf32>
    %dot_general3A_67 = arith.constant dense<0.000000e+00> : vector<1792x128xf32>
    %dot_general3A_68 = tpu.matmul %mul3A_65, %slice3A_66, %dot_general3A_67 {dimension_numbers = #tpu.dot_dimension_numbers<[1], [0], [0], [1], [0, 0, 1, 1], [], []>, transpose_lhs_hint = false} : vector<1792x64xf32>, vector<64x128xf32>, vector<1792x128xf32> -> vector<1792x128xf32>
    %add3A_69 = arith.addf %dot_general3A_63, %dot_general3A_68 : vector<1792x128xf32>
    %mul3A_70 = vector.broadcast %div3A_14 : vector<1792x1xf32> to vector<1792x64xf32>
    %mul3A_71 = arith.mulf %convert_element_type3A_41, %mul3A_70 : vector<1792x64xf32>
    %slice3A_72 = vector.extract_strided_slice %get3A_23 {offsets = [192, 0], sizes = [64, 128], strides = [1, 1]} : vector<256x128xf32> to vector<64x128xf32>
    %dot_general3A_73 = arith.constant dense<0.000000e+00> : vector<1792x128xf32>
    %dot_general3A_74 = tpu.matmul %mul3A_71, %slice3A_72, %dot_general3A_73 {dimension_numbers = #tpu.dot_dimension_numbers<[1], [0], [0], [1], [0, 0, 1, 1], [], []>, transpose_lhs_hint = false} : vector<1792x64xf32>, vector<64x128xf32>, vector<1792x128xf32> -> vector<1792x128xf32>
    %add3A_75 = arith.addf %add3A_69, %dot_general3A_74 : vector<1792x128xf32>
    %get3A_76 = arith.constant 0 : index
    %get3A_77 = arith.constant 0 : index
    %get3A_78 = vector.load %arg11[%get3A_76, %get3A_77] : memref<1x128xf32, #tpu.memory_space<vmem>>, vector<1x128xf32>
    %add3A_79 = vector.broadcast %get3A_78 : vector<1x128xf32> to vector<1792x128xf32>
    %add3A_80 = arith.addf %add3A_75, %add3A_79 : vector<1792x128xf32>
    %max3A_81 = arith.constant 0.000000e+00 : f32
    %max3A_82 = vector.broadcast %max3A_81 : f32 to vector<1792x128xf32>
    %max3A_83 = arith.maximumf %add3A_80, %max3A_82 : vector<1792x128xf32>
    %slice3A_84 = vector.extract_strided_slice %get3A_26 {offsets = [0, 0], sizes = [128, 128], strides = [1, 1]} : vector<256x128xf32> to vector<128x128xf32>
    %dot_general3A_85 = arith.constant dense<0.000000e+00> : vector<1792x128xf32>
    %dot_general3A_86 = tpu.matmul %max3A_60, %slice3A_84, %dot_general3A_85 {dimension_numbers = #tpu.dot_dimension_numbers<[1], [0], [0], [1], [0, 0, 1, 1], [], []>, transpose_lhs_hint = false} : vector<1792x128xf32>, vector<128x128xf32>, vector<1792x128xf32> -> vector<1792x128xf32>
    %slice3A_87 = vector.extract_strided_slice %get3A_26 {offsets = [128, 0], sizes = [128, 128], strides = [1, 1]} : vector<256x128xf32> to vector<128x128xf32>
    %dot_general3A_88 = arith.constant dense<0.000000e+00> : vector<1792x128xf32>
    %dot_general3A_89 = tpu.matmul %max3A_83, %slice3A_87, %dot_general3A_88 {dimension_numbers = #tpu.dot_dimension_numbers<[1], [0], [0], [1], [0, 0, 1, 1], [], []>, transpose_lhs_hint = false} : vector<1792x128xf32>, vector<128x128xf32>, vector<1792x128xf32> -> vector<1792x128xf32>
    %add3A_90 = arith.addf %dot_general3A_86, %dot_general3A_89 : vector<1792x128xf32>
    %get3A_91 = arith.constant 0 : index
    %get3A_92 = arith.constant 0 : index
    %get3A_93 = vector.load %arg13[%get3A_91, %get3A_92] : memref<1x128xf32, #tpu.memory_space<vmem>>, vector<1x128xf32>
    %add3A_94 = vector.broadcast %get3A_93 : vector<1x128xf32> to vector<1792x128xf32>
    %add3A_95 = arith.addf %add3A_90, %add3A_94 : vector<1792x128xf32>
    %swap3A = arith.constant 0 : index
    %swap3A_96 = arith.constant 0 : index
    %swap3A_97 = vector.load %arg14[%swap3A, %swap3A_96] : memref<1792x128xf32, #tpu.memory_space<vmem>>, vector<1792x128xf32>
    tpu.vector_store %arg14[%swap3A, %swap3A_96], %add3A_95 {strides = array<i32>} : memref<1792x128xf32, #tpu.memory_space<vmem>>, vector<1792x128xf32>,
    return
  }
  func.func @transform_0(%arg0: i32) -> (i32, i32) {
    %c0_i32 = arith.constant 0 : i32
    %c0_i32_0 = arith.constant 0 : i32
    return %arg0, %c0_i32 : i32, i32
  }
  func.func @transform_1(%arg0: i32) -> (i32, i32) {
    %c0_i32 = arith.constant 0 : i32
    %c0_i32_0 = arith.constant 0 : i32
    return %arg0, %c0_i32 : i32, i32
  }
  func.func @transform_2(%arg0: i32) -> (i32, i32) {
    %c0_i32 = arith.constant 0 : i32
    %c0_i32_0 = arith.constant 0 : i32
    return %arg0, %c0_i32 : i32, i32
  }
  func.func @transform_3(%arg0: i32) -> (i32, i32) {
    %c0_i32 = arith.constant 0 : i32
    %c0_i32_0 = arith.constant 0 : i32
    return %arg0, %c0_i32 : i32, i32
  }
  func.func @transform_4(%arg0: i32) -> (i32, i32) {
    %c0_i32 = arith.constant 0 : i32
    %c0_i32_0 = arith.constant 0 : i32
    return %arg0, %c0_i32 : i32, i32
  }
  func.func @transform_5(%arg0: i32) -> (i32, i32) {
    %c0_i32 = arith.constant 0 : i32
    %c0_i32_0 = arith.constant 0 : i32
    return %arg0, %c0_i32 : i32, i32
  }
  func.func @transform_6(%arg0: i32) -> (i32, i32) {
    %c0_i32 = arith.constant 0 : i32
    %c0_i32_0 = arith.constant 0 : i32
    return %arg0, %c0_i32 : i32, i32
  }
  func.func @transform_7(%arg0: i32) -> (i32, i32) {
    %c0_i32 = arith.constant 0 : i32
    %c0_i32_0 = arith.constant 0 : i32
    %c0_i32_1 = arith.constant 0 : i32
    return %c0_i32, %c0_i32_0 : i32, i32
  }
  func.func @transform_8(%arg0: i32) -> (i32, i32) {
    %c0_i32 = arith.constant 0 : i32
    %c0_i32_0 = arith.constant 0 : i32
    %c0_i32_1 = arith.constant 0 : i32
    return %c0_i32, %c0_i32_0 : i32, i32
  }
  func.func @transform_9(%arg0: i32) -> (i32, i32) {
    %c0_i32 = arith.constant 0 : i32
    %c0_i32_0 = arith.constant 0 : i32
    %c0_i32_1 = arith.constant 0 : i32
    return %c0_i32, %c0_i32_0 : i32, i32
  }
  func.func @transform_10(%arg0: i32) -> (i32, i32) {
    %c0_i32 = arith.constant 0 : i32
    %c0_i32_0 = arith.constant 0 : i32
    %c0_i32_1 = arith.constant 0 : i32
    return %c0_i32, %c0_i32_0 : i32, i32
  }
  func.func @transform_11(%arg0: i32) -> (i32, i32) {
    %c0_i32 = arith.constant 0 : i32
    %c0_i32_0 = arith.constant 0 : i32
    %c0_i32_1 = arith.constant 0 : i32
    return %c0_i32, %c0_i32_0 : i32, i32
  }
  func.func @transform_12(%arg0: i32) -> (i32, i32) {
    %c0_i32 = arith.constant 0 : i32
    %c0_i32_0 = arith.constant 0 : i32
    %c0_i32_1 = arith.constant 0 : i32
    return %c0_i32, %c0_i32_0 : i32, i32
  }
  func.func @transform_13(%arg0: i32) -> (i32, i32) {
    %c0_i32 = arith.constant 0 : i32
    %c0_i32_0 = arith.constant 0 : i32
    return %arg0, %c0_i32 : i32, i32
  }
}

</mosaic_0001>

<sc_bundles>
// kernel: kernel.5.cloned.1.call-start
scs
__scs_entry_jumppad:
0x0: {  	(pc) =	sbr.rel $0x88, $3  }
0x1: {  	(tag) =	ssettag $0x0;
	lr =	simm.s32 $0x1  }
0x2: {  	[smem:$0x3F96] =	sst lr;
	_ =	strace $0xD0000000  }
0x3: {  	_ = 	snop  }
0x4: {  	_ = 	snop  }
0x5: {  	_ = 	snop  }
0x6: {  	_ = 	snop  }
0x7: {  	_ = 	snop  }
__scs_overlays_trampoline_lowered:
0x8: {  	[smem:$0x3FA5] =	sst s0  }
0x9: {  	[smem:$0x3FA6] =	sst s1  }
0xa: {  	[smem:$0x3FA7] =	sst s2  }
0xb: {  	[smem:$0x3FA8] =	sst s3  }
0xc: {  	[smem:$0x3FA9] =	sst s4  }
0xd: {  	[smem:$0x3FAA] =	sst s5  }
0xe: {  	[smem:$0x3FAB] =	sst s6  }
0xf: {  	[smem:$0x3FAC] =	sst s7  }
0x10: {  	[smem:$0x3FAD] =	sst s8  }
0x11: {  	[smem:$0x3FAE] =	sst s9;
	s0 =	simm.s32 @!p0 $0x0  }
0x12: {  	s1 =	sld [smem:$0x3F94];
	s0 =	simm.s32 @p0 $0x1  }
0x13: {  	[smem:$0x3FAF] =	sst s0;
	s0 =	simm.s32 @!p1 $0x0  }
0x14: {  	s2 =	sld [smem:$0x3F93];
	s0 =	simm.s32 @p1 $0x1  }
0x15: {  	[smem:$0x3FB0] =	sst s0;
	s0 =	simm.s32 @!p2 $0x0  }
0x16: {  	s3 =	sld [smem:$0x3FDB];
	s0 =	simm.s32 @p2 $0x1  }
0x17: {  	s4 =	simm.s32 $0x1BF5;
	[smem:$0x3FB2] =	sst s0  }
0x18: {  	s0 =	sld [smem:$0x3F95];
	_ =	swait.ge [sflag:s4], $0x0  }
0x19: {  	s7 =	sld [smem:$0x3F96]  }
0x1a: {  	s8 =	sadd.s32 $0xFFFFE003, lr  }
0x1b: {  	s9 =	sadd.s32 $0xFFFFFEF7, lr;
	s5 =	simm.s32 $0xFFFFFFFF;
	p2 =	slt.u32 s8, $0xFFFFF086  }
0x1c: {  	p1 =	slt.u32 s9, $0xF7A;
	s5 =	simm.s32 @!p2 $0x0  }
0x1d: {  	s5 =	simm.s32 @p1 $0x1;
	p0 =	seq.s32 s7, s2  }
0x1e: {  	s7 =	smul.u32 @!p0 $0xF7A, s2;
	p2 =	seq.s32 @!p0 s5, $0x0  }
0x1f: {  	s9 =	smul.u32 $0xF7A, s1;
	s8 =	simm.s32 @!p0 $0x1BF5;
	p2 =	por !p2, p0  }
0x20: {  	[sflag:s8] =	ssyncset.s32 @!p0 $0xFFFFF086;
	s6 =	sadd.s32 @!p0 s3, s7;
	s7 =	simm.s32 @!p0 $0x108  }
0x21: {  	s3 =	sadd.s32 s3, s9;
	s6 =	sadd.s32 @!p0 $0x88, s6;
	s7 =	simm.s32 @p2 $0x1082  }
0x22: {  	[simem:s7], [sflag:s8] =	dma.local @!p0 [hbm:s6], $0xF7A  }
0x23: {  	s9 =	sor.u32 $0xD0000000, s2;
	s6 =	simm.s32 $0x108;
	_ =	swait.ge @!p0 [sflag:s8], $0x0  }
0x24: {  	s3 =	sadd.s32 $0x88, s3;
	s6 =	simm.s32 @!p1 $0x1082;
	[sflag:s4] =	ssyncset.s32 $0xFFFFF086  }
0x25: {  	[simem:s6], [sflag:s4] =	dma.local [hbm:s3], $0xF7A  }
0x26: {  	[smem:$0x3F96] =	sst s1;
	(tag) =	ssettag s2;
	_ =	strace s9  }
0x27: {  	s1 =	sld [smem:$0x3FA6]  }
0x28: {  	s2 =	sld [smem:$0x3FA7]  }
0x29: {  	s4 =	sld [smem:$0x3FA9]  }
0x2a: {  	p0 =	seq.s32 s5, $0x0;
	s5 =	sld [smem:$0x3FAA]  }
0x2b: {  	s6 =	sld [smem:$0x3FAB]  }
0x2c: {  	s7 =	sld [smem:$0x3FAC]  }
0x2d: {  	s3 =	simm.s32 $0x108;
	s8 =	sld [smem:$0x3FAD]  }
0x2e: {  	s3 =	simm.s32 @!p0 $0x1082;
	s9 =	sld [smem:$0x3FAE]  }
0x2f: {  	lr =	sadd.s32 s0, s3;
	s0 =	sld [smem:$0x3FA5]  }
0x30: {  	s3 =	sld [smem:$0x3FA8]  }
0x31: {  	[smem:$0x3FB1] =	sst s10  }
0x32: {  	s10 =	sld [smem:$0x3FAF];
	_ =	sdelay $0x3  }
0x33: {  	p0 =	seq.s32 s10, $0x1;
	s10 =	sld [smem:$0x3FB1];
	_ =	sdelay $0x3  }
0x34: {  	[smem:$0x3FB1] =	sst s10  }
0x35: {  	s10 =	sld [smem:$0x3FB0];
	_ =	sdelay $0x3  }
0x36: {  	p1 =	seq.s32 s10, $0x1;
	s10 =	sld [smem:$0x3FB1];
	_ =	sdelay $0x3  }
0x37: {  	[smem:$0x3FB1] =	sst s10  }
0x38: {  	s10 =	sld [smem:$0x3FB2]  }
0x39: {  	_ = 	snop;
	(pc) =	sbr.ind lr, $3  }
0x3a: {  	_ = 	snop  }
0x3b: {  	_ = 	snop  }
0x3c: {  	p2 =	seq.s32 s10, $0x1;
	s10 =	sld [smem:$0x3FB1]  }
0x3d: {  	_ =	shalt  }
0x3e: {  	_ =	shalt  }
0x3f: {  	_ =	shalt  }
0x40: {  	_ =	shalt  }
0x41: {  	_ =	shalt  }
0x42: {  	_ =	shalt  }
0x43: {  	_ =	shalt  }
0x44: {  	_ =	shalt  }
0x45: {  	_ =	shalt  }
0x46: {  	_ =	shalt  }
0x47: {  	_ =	shalt  }
0x48: {  	_ =	shalt  }
0x49: {  	_ =	shalt  }
0x4a: {  	_ =	shalt  }
0x4b: {  	_ =	shalt  }
0x4c: {  	_ =	shalt  }
0x4d: {  	_ =	shalt  }
0x4e: {  	_ =	shalt  }
0x4f: {  	_ =	shalt  }
0x50: {  	_ =	shalt  }
0x51: {  	_ =	shalt  }
0x52: {  	_ =	shalt  }
0x53: {  	_ =	shalt  }
0x54: {  	_ =	shalt  }
0x55: {  	_ =	shalt  }
0x56: {  	_ =	shalt  }
0x57: {  	_ =	shalt  }
0x58: {  	_ =	shalt  }
0x59: {  	_ =	shalt  }
0x5a: {  	_ =	shalt  }
0x5b: {  	_ =	shalt  }
0x5c: {  	_ =	shalt  }
0x5d: {  	_ =	shalt  }
0x5e: {  	_ =	shalt  }
0x5f: {  	_ =	shalt  }
0x60: {  	_ =	shalt  }
0x61: {  	_ =	shalt  }
0x62: {  	_ =	shalt  }
0x63: {  	_ =	shalt  }
0x64: {  	_ =	shalt  }
0x65: {  	_ =	shalt  }
0x66: {  	_ =	shalt  }
0x67: {  	_ =	shalt  }
0x68: {  	_ =	shalt  }
0x69: {  	_ =	shalt  }
0x6a: {  	_ =	shalt  }
0x6b: {  	_ =	shalt  }
0x6c: {  	_ =	shalt  }
0x6d: {  	_ =	shalt  }
0x6e: {  	_ =	shalt  }
0x6f: {  	_ =	shalt  }
0x70: {  	_ =	shalt  }
0x71: {  	_ =	shalt  }
0x72: {  	_ =	shalt  }
0x73: {  	_ =	shalt  }
0x74: {  	_ =	shalt  }
0x75: {  	_ =	shalt  }
0x76: {  	_ =	shalt  }
0x77: {  	_ =	shalt  }
0x78: {  	_ =	shalt  }
0x79: {  	_ =	shalt  }
0x7a: {  	_ =	shalt  }
0x7b: {  	_ =	shalt  }
0x7c: {  	_ =	shalt  }
0x7d: {  	_ =	shalt  }
0x7e: {  	_ =	shalt  }
0x7f: {  	_ =	shalt  }
0x80: {  	_ =	shalt  }
0x81: {  	_ =	shalt  }
0x82: {  	_ =	shalt  }
0x83: {  	_ =	shalt  }
0x84: {  	_ =	shalt  }
0x85: {  	_ =	shalt  }
0x86: {  	_ =	shalt  }
0x87: {  	_ =	shalt  }
.Lfunc_end0:
.L_simem_size_0:
called_computation_lowered:
.L_overlay_start_0:
0x88: {  	s2 =	sld [smem:$0x3FD9]  }
0x89: {  	s3 =	sld [smem:$0x3FFE];
	_ =	sdelay $0x1  }
0x8a: {  	s1 =	srdreg.scid  }
0x8b: {  	s0 =	sand.u32 $0x1, s1  }
0x8c: {  	s17 =	sshll.u32 s0, $0xA;
	s2 =	sadd.s32 s3, s2  }
0x8d: {  	s2 =	sadd.s32 s2, s17  }
0x8e: {  	[smem:$0x3FBD] =	sst s2  }
0x8f: {  	_ = 	snop  }
0x90: {  	s18 =	sld [smem:$0x3FD0];
	(tm) =	ssettm $0x1  }
0x91: {  	s19 =	sld [smem:$0x3FFB];
	_ =	sdelay $0x3  }
0x92: {  	_ =	strace s19  }
0x93: {  	s2 =	sld [smem:$0x3FFC];
	_ =	sdelay $0x3  }
0x94: {  	_ =	strace s2  }
0x95: {  	s2 =	sld [smem:$0x3FFD];
	_ =	sdelay $0x3  }
0x96: {  	_ =	strace s2  }
0x97: {  	_ =	strace $0x8FFFFFFF  }
0x98: {  	s20 =	sld [smem:$0x3FDB];
	_ =	sdelay $0x1  }
0x99: {  	s4 =	simm.s32 $_scs_section_size  }
0x9a: {  	s5 =	simm.s32 $_size__tile_overlayer_lowered;
	s6 =	simm.s32 $_tile_overlayer_lowered  }
0x9b: {  	s7 =	simm.s32 $0x1BFF;
	s21 =	sshll.u32 s6, $0x1;
	s4 =	sadd.s32 s4, s20  }
0x9c: {  	s22 =	simm.s32 $0x0;
	s5 =	sshll.u32 s5, $0x1;
	s6 =	sadd.s32 s21, s4  }
0x9d: {  	[timem:s22], [sflag:s7] =	dma.local [hbm:s6], s5  }
0x9e: {  	_ =	swait.ge [sflag:s7], s5  }
0x9f: {  	s5 =	ssub.s32 $0x0, s5;
	[sflag:s7] =	ssyncset.done $0x0  }
0xa0: {  	[sflag:s7] =	ssyncadd.s32 s5;
	_ =	sdelay $0x1  }
0xa1: {  	s23 =	simm.s32 $0x1B8B  }
0xa2: {  	_ =	swait.ge [sflag:s23], $0x1  }
0xa3: {  	[sflag:s23] =	ssyncset.done $0x0  }
0xa4: {  	[sflag:s23] =	ssyncadd.s32 $0xFFFFFFFF  }
0xa5: {  	s5 =	sld [smem:$0x0]  }
0xa6: {  	s6 =	sand.u32 $0xFFFFFFFE, s1  }
0xa7: {  	p0 =	sne.s32 s1, s6  }
0xa8: {  	s6 =	sshll.u32 @p0 s6, $0xE  }
0xa9: {  	s6 =	sadd.s32 @p0 $0x11B8D, s6;
	s7 =	sshll.u32 @p0 s5, $0x11  }
0xaa: {  	s6 =	sor.u32 @p0 s7, s6  }
0xab: {  	[sflag:s6] =	ssyncadd.remote.s32 @p0 $0x1;
	_ =	sdelay $0x1  }
0xac: {  	s6 =	simm.s32 @p0 $0x1B8D  }
0xad: {  	_ =	swait.eq @p0 [sflag:s6], $0x1  }
0xae: {  	[sflag:s6] =	ssyncadd.s32 @p0 $0xFFFFFFFF  }
0xaf: {  	s7 =	sshll.u32 @!p0 s1, $0xE  }
0xb0: {  	s7 =	sor.u32 @!p0 $0x4000, s7;
	s6 =	simm.s32 @!p0 $0x1B8D  }
0xb1: {  	s5 =	sshll.u32 @!p0 s5, $0x11;
	s7 =	sadd.s32 @!p0 $0x11B8D, s7;
	_ =	swait.eq @!p0 [sflag:s6], $0x1  }
0xb2: {  	s5 =	sor.u32 @!p0 s5, s7;
	[sflag:s6] =	ssyncadd.s32 @!p0 $0xFFFFFFFF  }
0xb3: {  	s25 =	simm.s32 $0x1B8E;
	s24 =	sld [smem:$0x3FFE];
	[sflag:s5] =	ssyncadd.remote.s32 @!p0 $0x1  }
0xb4: {  	s26 =	simm.s32 $execute0_lowered;
	[smem:$0x3FD2] =	sst s25  }
0xb5: {  	s6 =	sshll.u32 s26, $0x1;
	_ =	strace $0x80000049;
	[dreg:$0x1] =	wrdreg $0xFFFFFFFF  }
0xb6: {  	s28 =	simm.s32 $_size_execute0_lowered;
	s4 =	sadd.s32 s4, s6;
	[dreg:$0x0] =	wrdreg $0x0  }
0xb7: {  	s6 =	sshll.u32 s28, $0x1;
	[dreg:$0x2] =	wrdreg s4  }
0xb8: {  	[dreg:$0x3] =	wrdreg s6  }
0xb9: {  	[dreg:$0x4] =	wrdreg $0xC0  }
0xba: {  	_ =	task [dreg:s22], $0x5FFFF  }
0xbb: {  	[dreg:$0x1] =	wrdreg $0xFFFFFFFF  }
0xbc: {  	[dreg:$0x0] =	wrdreg $0x60  }
0xbd: {  	[dreg:$0x2] =	wrdreg s18  }
0xbe: {  	[dreg:$0x3] =	wrdreg s24  }
0xbf: {  	[dreg:$0x4] =	wrdreg $0x0  }
0xc0: {  	[dreg:$0x5] =	wrdreg $0x9  }
0xc1: {  	_ =	task.clear_ibuf [dreg:s22], $0x6FFFF;
	_ =	strace $0x90000049  }
0xc2: {  	s29 =	simm.s32 $0x9;
	_ =	strace $0x8000004B  }
0xc3: {  	_ =	swait.ge [sflag:s29], $0x1  }
0xc4: {  	[sflag:s29] =	ssyncadd.s32 $0xFFFFFFFF  }
0xc5: {  	_ =	strace $0x9000004B  }
0xc6: {  	_ =	sfence  }
0xc7: {  	s30 =	sld [smem:$0x0];
	_ =	sdelay $0x2  }
0xc8: {  	s31 =	sshll.u32 s1, $0xD;
	s1 =	sshrl.u32 s1, $0x2  }
0xc9: {  	s4 =	sand.u32 $0x4000, s31;
	s1 =	sadd.s32 s1, s30  }
0xca: {  	s0 =	sor.u32 s4, s0;
	s1 =	sshll.u32 s1, $0x11  }
0xcb: {  	s0 =	sor.u32 s1, s0  }
0xcc: {  	s0 =	sadd.s32 $0x8F2B, s0  }
0xcd: {  	[sflag:s0] =	ssyncadd.remote.s32 $0x1  }
0xce: {  	_ =	sfence.sel $0xFFFF  }
0xcf: {  	[dreg:$0x0] =	wrdreg $0xFFFFFFFF;
	(pc) =	sbr.abs _section_cstart, $3  }
0xd0: {  	[dreg:$0x1] =	wrdreg $0xFFFFFFFF  }
0xd1: {  	_ =	task.clear_ibuf [dreg:s22], $0x2FFFF;
	_ =	strace $0x9FFFFFFF  }
0xd2: {  	(tm) =	ssettm $0x7FFFFFFF  }
0xd3: {  	_ =	shalt  }
tec
execute0_lowered:
.L_overlay_start_1:
0x0: {  	(tag) =	ssettag $0x1  }
0x1: {  	s1 =	rddreg [dreg:$0x0]  }
0x2: {  	s0 =	rddreg [dreg:$0x1]  }
0x3: {  	s2 =	rddreg [dreg:$0x2];
	s3 =	srdreg.scid  }
0x4: {  	s5 =	simm.s32 $0x0;
	s12 =	stileid.u32;
	s28 =	simm.s32 $0x5  }
0x5: {  	s29 =	simm.s32 $0xC400;
	s31 =	simm.s32 $0x80;
	s7 =	smul.u32 $0xC80, s12  }
0x6: {  	s30 =	simm.s32 $0x3;
	s3 =	sand.u32 $0x1, s3;
	s24 =	smul.u32 $0x31000, s12  }
0x7: {  	[smem:$0x7FF] =	sst s5;
	s9 =	sadd.s32 $0x66600, s0;
	s12 =	smul.u32 $0x18800, s12  }
0x8: {  	s10 =	sadd.s32 $0x7EE00, s0;
	s19 =	sadd.s32 $0x97600, s0;
	s4 =	smul.u32 $0xC800, s3  }
0x9: {  	_ =	strace $0x8000004A;
	s6 =	ssub.s32 $0x2, s3;
	p0 =	seq.s32 s3, $0x0  }
0xa: {  	s8 =	sadd.s32 s7, s0;
	s5 =	sshrl.u32 s24, $0x2;
	s11 =	sshrl.u32 s6, $0x1  }
0xb: {  	s21 =	sshrl.u32 s12, $0x4;
	s10 =	smov.u32 @p0 s9;
	s9 =	simm.s32 $0x1BC00  }
0xc: {  	s4 =	sadd.s32 s4, s0;
	s0 =	sadd.s32 $0xAFE00, s0;
	s5 =	sadd.s32 s5, s2  }
0xd: {  	s11 =	ssub.s32 s6, s11;
	s26 =	sadd.s32 $0x2E00, s8;
	s6 =	sshrl.u32 s12, $0x1  }
0xe: {  	s18 =	sadd.s32 $0xF600, s8;
	s24 =	sadd.s32 s10, s21;
	s10 =	simm.s32 $0x1  }
0xf: {  	s8 =	simm.s32 $0x0;
	s25 =	sadd.s32 $0xC000, s5;
	s20 =	sadd.s32 $0x34600, s4  }
0x10: {  	[dreg:$0x5] =	wrdreg s26;
	s3 =	sadd.s32 s6, s2;
	s12 =	sadd.s32 $0x4D600, s4  }
0x11: {  	[dreg:$0x7] =	wrdreg s18;
	s22 =	smax.u32 s11, $0x1;
	s11 =	sadd.s32 $0x1000, s5  }
0x12: {  	s23 =	sadd.s32 $0x2000, s5;
	s13 =	sadd.s32 $0x3000, s5;
	[dreg:$0xa] =	wrdreg s24  }
0x13: {  	s14 =	sadd.s32 $0x4000, s5;
	s15 =	sadd.s32 $0x5000, s5;
	[dreg:$0x4] =	wrdreg s25  }
0x14: {  	s16 =	sadd.s32 $0x6000, s5;
	s17 =	sadd.s32 $0x7000, s5;
	[dreg:$0x6] =	wrdreg s3  }
0x15: {  	s18 =	sadd.s32 $0x8000, s5;
	s0 =	smov.u32 @p0 s19;
	[dreg:$0x8] =	wrdreg s22  }
0x16: {  	s19 =	sadd.s32 $0x9000, s5;
	[dreg:$0x9] =	wrdreg s23;
	s0 =	sadd.s32 s0, s21  }
0x17: {  	s22 =	sadd.s32 $0xA000, s5;
	s25 =	sadd.s32 s7, s20;
	s26 =	sadd.s32 s7, s12  }
0x18: {  	s3 =	simm.s32 $0x19C00;
	s7 =	simm.s32 $0x1AC00;
	[dreg:$0xb] =	wrdreg s0  }
0x19: {  	s20 =	simm.s32 $0x2;
	s21 =	simm.s32 $0x4;
	[dreg:$0xc] =	wrdreg s25  }
0x1a: {  	v0 =	vimm.bf16 $0.0e+00;
	[dreg:$0xd] =	wrdreg s26;
	s25 =	sadd.s32 $0xB000, s5;
	s26 =	simm.s32 $0x18C00  }
.LBB2_1:
0x1b: {  	s4 =	simm.s32 $0x0  }
0x1c: {  	s0 =	sand.u32 $0x3F80, s4;
	s4 =	sand.u32 $0x20, s4  }
0x1d: {  	s0 =	sshrl.u32 s0, $0x2;
	s4 =	sshrl.u32 s4, $0x1  }
0x1e: {  	s4 =	sor.u32 s4, s0  }
0x1f: {  	s0 =	simm.s32 $0x40;
	[tilespmem:s4+$0x18C00] =	vst v0;
	s4 =	simm.s32 $0x0  }
.LBB2_2:
0x20: {  	p0 =	sne.s32 s0, $0x3FC0  }
.Ltmp0:
0x21: {  	s23 =	sand.u32 $0x3F80, s0;
	s4 =	sadd.s32 $0x20, s4;
	(pc) =	sbr.rel @p0 .LBB2_2-.Ltmp0, $4  }
0x22: {  	s0 =	sadd.s32 $0x40, s0;
	s24 =	sand.u32 $0x20, s4  }
0x23: {  	s23 =	sshrl.u32 s23, $0x2;
	s24 =	sshrl.u32 s24, $0x1  }
0x24: {  	s23 =	sor.u32 s24, s23  }
0x25: {  	[tilespmem:s23+$0x18C00] =	vst v0  }
0x26: {  	[spmem:s5] =	stream.linear.scatter [tilespmem:s26], [sflag:$0x5], $0x1000, $0x38;
	[tilespmem:$0x1CC00] =	vst v63  }
0x27: {  	_ =	swait.ge [sflag:s28], $0x1000  }
0x28: {  	[sflag:s28] =	ssyncset.done $0x0  }
0x29: {  	[sflag:s28] =	ssyncadd.s32 $0xFFFFF000  }
0x2a: {  	[spmem:s11] =	stream.linear.scatter [tilespmem:s26], [sflag:$0x5], $0x1000, $0x38;
	[tilespmem:$0x1CC00] =	vst v63  }
0x2b: {  	_ =	swait.ge [sflag:s28], $0x1000  }
0x2c: {  	[sflag:s28] =	ssyncset.done $0x0  }
0x2d: {  	s0 =	rddreg [dreg:$0x9];
	[sflag:s28] =	ssyncadd.s32 $0xFFFFF000  }
0x2e: {  	[spmem:s0] =	stream.linear.scatter [tilespmem:s26], [sflag:$0x5], $0x1000, $0x38;
	[tilespmem:$0x1CC00] =	vst v63  }
0x2f: {  	_ =	swait.ge [sflag:s28], $0x1000  }
0x30: {  	[sflag:s28] =	ssyncset.done $0x0  }
0x31: {  	[sflag:s28] =	ssyncadd.s32 $0xFFFFF000  }
0x32: {  	[spmem:s13] =	stream.linear.scatter [tilespmem:s26], [sflag:$0x5], $0x1000, $0x38;
	[tilespmem:$0x1CC00] =	vst v63  }
0x33: {  	_ =	swait.ge [sflag:s28], $0x1000  }
0x34: {  	[sflag:s28] =	ssyncset.done $0x0  }
0x35: {  	[sflag:s28] =	ssyncadd.s32 $0xFFFFF000  }
0x36: {  	[spmem:s14] =	stream.linear.scatter [tilespmem:s26], [sflag:$0x5], $0x1000, $0x38;
	[tilespmem:$0x1CC00] =	vst v63  }
0x37: {  	_ =	swait.ge [sflag:s28], $0x1000  }
0x38: {  	[sflag:s28] =	ssyncset.done $0x0  }
0x39: {  	[sflag:s28] =	ssyncadd.s32 $0xFFFFF000  }
0x3a: {  	[spmem:s15] =	stream.linear.scatter [tilespmem:s26], [sflag:$0x5], $0x1000, $0x38;
	[tilespmem:$0x1CC00] =	vst v63  }
0x3b: {  	_ =	swait.ge [sflag:s28], $0x1000  }
0x3c: {  	[sflag:s28] =	ssyncset.done $0x0  }
0x3d: {  	[sflag:s28] =	ssyncadd.s32 $0xFFFFF000  }
0x3e: {  	[spmem:s16] =	stream.linear.scatter [tilespmem:s26], [sflag:$0x5], $0x1000, $0x38;
	[tilespmem:$0x1CC00] =	vst v63  }
0x3f: {  	_ =	swait.ge [sflag:s28], $0x1000  }
0x40: {  	[sflag:s28] =	ssyncset.done $0x0  }
0x41: {  	[sflag:s28] =	ssyncadd.s32 $0xFFFFF000  }
0x42: {  	[spmem:s17] =	stream.linear.scatter [tilespmem:s26], [sflag:$0x5], $0x1000, $0x38;
	[tilespmem:$0x1CC00] =	vst v63  }
0x43: {  	_ =	swait.ge [sflag:s28], $0x1000  }
0x44: {  	[sflag:s28] =	ssyncset.done $0x0  }
0x45: {  	[sflag:s28] =	ssyncadd.s32 $0xFFFFF000  }
0x46: {  	[spmem:s18] =	stream.linear.scatter [tilespmem:s26], [sflag:$0x5], $0x1000, $0x38;
	[tilespmem:$0x1CC00] =	vst v63  }
0x47: {  	_ =	swait.ge [sflag:s28], $0x1000  }
0x48: {  	[sflag:s28] =	ssyncset.done $0x0  }
0x49: {  	[sflag:s28] =	ssyncadd.s32 $0xFFFFF000  }
0x4a: {  	[spmem:s19] =	stream.linear.scatter [tilespmem:s26], [sflag:$0x5], $0x1000, $0x38;
	[tilespmem:$0x1CC00] =	vst v63  }
0x4b: {  	_ =	swait.ge [sflag:s28], $0x1000  }
0x4c: {  	[sflag:s28] =	ssyncset.done $0x0  }
0x4d: {  	[sflag:s28] =	ssyncadd.s32 $0xFFFFF000  }
0x4e: {  	[spmem:s22] =	stream.linear.scatter [tilespmem:s26], [sflag:$0x5], $0x1000, $0x38;
	[tilespmem:$0x1CC00] =	vst v63  }
0x4f: {  	_ =	swait.ge [sflag:s28], $0x1000  }
0x50: {  	[sflag:s28] =	ssyncset.done $0x0  }
0x51: {  	[sflag:s28] =	ssyncadd.s32 $0xFFFFF000  }
0x52: {  	[spmem:s25] =	stream.linear.scatter [tilespmem:s26], [sflag:$0x5], $0x1000, $0x38;
	[tilespmem:$0x1CC00] =	vst v63  }
0x53: {  	_ =	swait.ge [sflag:s28], $0x1000  }
0x54: {  	[sflag:s28] =	ssyncset.done $0x0  }
0x55: {  	s12 =	smov.u32 s11;
	s11 =	rddreg [dreg:$0x4];
	[sflag:s28] =	ssyncadd.s32 $0xFFFFF000  }
0x56: {  	[spmem:s11] =	stream.linear.scatter [tilespmem:s26], [sflag:$0x5], $0x400, $0x38;
	[tilespmem:$0x1CC00] =	vst v63  }
0x57: {  	_ =	swait.ge [sflag:s28], $0x400  }
0x58: {  	[sflag:s28] =	ssyncset.done $0x0  }
0x59: {  	[sflag:s28] =	ssyncadd.s32 $0xFFFFFC00  }
0x5a: {  	[bflag:$0x0] =	sbarrier.arrive $0xFFFF  }
0x5b: {  	s23 =	simm.s32 $0x0;
	s4 =	rddreg [dreg:$0xc]  }
0x5c: {  	[tilespmem:s29], [sflag:$0x5] =	stream.linear.gather [hbm4b:s4+s23], $0x6400, $0x38;
	[tilespmem:$0x1CC00] =	vst v63  }
0x5d: {  	_ =	swait.ge [sflag:s28], $0x6400  }
0x5e: {  	[sflag:s28] =	ssyncset.done $0x0  }
0x5f: {  	s6 =	simm.s32 $0x12800;
	s24 =	rddreg [dreg:$0x5];
	[sflag:s28] =	ssyncadd.s32 $0xFFFF9C00  }
0x60: {  	[tilespmem:s6], [sflag:$0x5] =	stream.linear.gather [hbm4b:s24+s23], $0x6400, $0x38;
	[tilespmem:$0x1CC00] =	vst v63  }
0x61: {  	_ =	swait.ge [sflag:s28], $0x6400  }
0x62: {  	[sflag:s28] =	ssyncset.done $0x0  }
0x63: {  	[sflag:s28] =	ssyncadd.s32 $0xFFFF9C00  }
0x64: {  	[tilespmem:s26], [sflag:$0x1] =	stream.indirect.gather [hbm4b:s1+s31], $0x20, s29, s31, $0xb8;
	[tilespmem:$0x1CC00] =	vst v63  }
0x65: {  	s4 =	simm.s32 $0xC480  }
0x66: {  	[tilespmem:s3], [sflag:$0x2] =	stream.indirect.gather [hbm4b:s1+s31], $0x20, s4, s31, $0xb8;
	[tilespmem:$0x1CC00] =	vst v63  }
0x67: {  	s6 =	simm.s32 $0xC500  }
0x68: {  	[tilespmem:s7], [sflag:$0x3] =	stream.indirect.gather [hbm4b:s1+s31], $0x20, s6, s31, $0xb8;
	[tilespmem:$0x1CC00] =	vst v63  }
0x69: {  	s11 =	simm.s32 $0xC580  }
0x6a: {  	[tilespmem:s9], [sflag:$0x4] =	stream.indirect.gather [hbm4b:s1+s31], $0x20, s11, s31, $0xb8;
	[tilespmem:$0x1CC00] =	vst v63  }
0x6b: {  	_ =	swait.ge [sflag:s10], $0x1000  }
0x6c: {  	[sflag:s10] =	ssyncset.done $0x0  }
0x6d: {  	s23 =	simm.s32 $0x12800;
	[sflag:s10] =	ssyncadd.s32 $0xFFFFF000  }
0x6e: {  	[spmem:s2] =	stream.indirect.scatter.add.bf16 [tilespmem:s26], [sflag:$0x5], $0x20, s23, s31, $0xb8;
	[tilespmem:$0x1CC00] =	vst v63  }
0x6f: {  	_ =	swait.ge [sflag:s28], $0x1000  }
0x70: {  	[sflag:s28] =	ssyncset.done $0x0  }
0x71: {  	s24 =	simm.s32 $0xC600;
	[sflag:s28] =	ssyncadd.s32 $0xFFFFF000  }
0x72: {  	[tilespmem:s26], [sflag:$0x1] =	stream.indirect.gather [hbm4b:s1+s31], $0x20, s24, s31, $0xb8;
	[tilespmem:$0x1CC00] =	vst v63  }
0x73: {  	_ =	swait.ge [sflag:s20], $0x1000  }
0x74: {  	[sflag:s20] =	ssyncset.done $0x0  }
0x75: {  	s4 =	simm.s32 $0x12880;
	[sflag:s20] =	ssyncadd.s32 $0xFFFFF000  }
0x76: {  	[spmem:s2] =	stream.indirect.scatter.add.bf16 [tilespmem:s3], [sflag:$0x5], $0x20, s4, s31, $0xb8;
	[tilespmem:$0x1CC00] =	vst v63  }
0x77: {  	_ =	swait.ge [sflag:s28], $0x1000  }
0x78: {  	[sflag:s28] =	ssyncset.done $0x0  }
0x79: {  	s6 =	simm.s32 $0xC680;
	[sflag:s28] =	ssyncadd.s32 $0xFFFFF000  }
0x7a: {  	[tilespmem:s3], [sflag:$0x2] =	stream.indirect.gather [hbm4b:s1+s31], $0x20, s6, s31, $0xb8;
	[tilespmem:$0x1CC00] =	vst v63  }
0x7b: {  	_ =	swait.ge [sflag:s30], $0x1000  }
0x7c: {  	[sflag:s30] =	ssyncset.done $0x0  }
0x7d: {  	s11 =	simm.s32 $0x12900;
	[sflag:s30] =	ssyncadd.s32 $0xFFFFF000  }
0x7e: {  	[spmem:s2] =	stream.indirect.scatter.add.bf16 [tilespmem:s7], [sflag:$0x5], $0x20, s11, s31, $0xb8;
	[tilespmem:$0x1CC00] =	vst v63  }
0x7f: {  	_ =	swait.ge [sflag:s28], $0x1000  }
0x80: {  	[sflag:s28] =	ssyncset.done $0x0  }
0x81: {  	s23 =	simm.s32 $0xC700;
	[sflag:s28] =	ssyncadd.s32 $0xFFFFF000  }
0x82: {  	[tilespmem:s7], [sflag:$0x3] =	stream.indirect.gather [hbm4b:s1+s31], $0x20, s23, s31, $0xb8;
	[tilespmem:$0x1CC00] =	vst v63  }
0x83: {  	_ =	swait.ge [sflag:s21], $0x1000  }
0x84: {  	[sflag:s21] =	ssyncset.done $0x0  }
0x85: {  	s24 =	simm.s32 $0x12980;
	[sflag:s21] =	ssyncadd.s32 $0xFFFFF000  }
0x86: {  	[spmem:s2] =	stream.indirect.scatter.add.bf16 [tilespmem:s9], [sflag:$0x5], $0x20, s24, s31, $0xb8;
	[tilespmem:$0x1CC00] =	vst v63  }
0x87: {  	_ =	swait.ge [sflag:s28], $0x1000  }
0x88: {  	[sflag:s28] =	ssyncset.done $0x0  }
0x89: {  	s0 =	simm.s32 $0x800;
	s4 =	simm.s32 $0xC780;
	[sflag:s28] =	ssyncadd.s32 $0xFFFFF000  }
.LBB2_4:
0x8a: {  	[tilespmem:s9], [sflag:$0x4] =	stream.indirect.gather [hbm4b:s1+s31], $0x20, s4, s31, $0xb8;
	[tilespmem:$0x1CC00] =	vst v63  }
0x8b: {  	s4 =	smov.u32 s0  }
0x8c: {  	p0 =	sne.s32 s0, $0x18000;
	s0 =	sadd.s32 $0x800, s0;
	_ =	swait.ge [sflag:s10], $0x1000  }
0x8d: {  	s23 =	sshra.s32 s4, $0x2;
	[sflag:s10] =	ssyncset.done $0x0  }
0x8e: {  	s4 =	sadd.s32 $0x12800, s23;
	[sflag:s10] =	ssyncadd.s32 $0xFFFFF000  }
0x8f: {  	[spmem:s2] =	stream.indirect.scatter.add.bf16 [tilespmem:s26], [sflag:$0x5], $0x20, s4, s31, $0xb8;
	[tilespmem:$0x1CC00] =	vst v63  }
0x90: {  	_ =	swait.ge [sflag:s28], $0x1000  }
0x91: {  	[sflag:s28] =	ssyncset.done $0x0  }
0x92: {  	s4 =	sadd.s32 $0xC600, s23;
	[sflag:s28] =	ssyncadd.s32 $0xFFFFF000  }
0x93: {  	[tilespmem:s26], [sflag:$0x1] =	stream.indirect.gather [hbm4b:s1+s31], $0x20, s4, s31, $0xb8;
	[tilespmem:$0x1CC00] =	vst v63  }
0x94: {  	_ =	swait.ge [sflag:s20], $0x1000  }
0x95: {  	[sflag:s20] =	ssyncset.done $0x0  }
0x96: {  	s4 =	sadd.s32 $0x12880, s23;
	[sflag:s20] =	ssyncadd.s32 $0xFFFFF000  }
0x97: {  	[spmem:s2] =	stream.indirect.scatter.add.bf16 [tilespmem:s3], [sflag:$0x5], $0x20, s4, s31, $0xb8;
	[tilespmem:$0x1CC00] =	vst v63  }
0x98: {  	_ =	swait.ge [sflag:s28], $0x1000  }
0x99: {  	[sflag:s28] =	ssyncset.done $0x0  }
0x9a: {  	s4 =	sadd.s32 $0xC680, s23;
	[sflag:s28] =	ssyncadd.s32 $0xFFFFF000  }
0x9b: {  	[tilespmem:s3], [sflag:$0x2] =	stream.indirect.gather [hbm4b:s1+s31], $0x20, s4, s31, $0xb8;
	[tilespmem:$0x1CC00] =	vst v63  }
0x9c: {  	_ =	swait.ge [sflag:s30], $0x1000  }
0x9d: {  	[sflag:s30] =	ssyncset.done $0x0  }
0x9e: {  	s4 =	sadd.s32 $0x12900, s23;
	[sflag:s30] =	ssyncadd.s32 $0xFFFFF000  }
0x9f: {  	[spmem:s2] =	stream.indirect.scatter.add.bf16 [tilespmem:s7], [sflag:$0x5], $0x20, s4, s31, $0xb8;
	[tilespmem:$0x1CC00] =	vst v63  }
0xa0: {  	_ =	swait.ge [sflag:s28], $0x1000  }
0xa1: {  	[sflag:s28] =	ssyncset.done $0x0  }
0xa2: {  	s4 =	sadd.s32 $0xC700, s23;
	[sflag:s28] =	ssyncadd.s32 $0xFFFFF000  }
0xa3: {  	[tilespmem:s7], [sflag:$0x3] =	stream.indirect.gather [hbm4b:s1+s31], $0x20, s4, s31, $0xb8;
	[tilespmem:$0x1CC00] =	vst v63  }
0xa4: {  	_ =	swait.ge [sflag:s21], $0x1000  }
0xa5: {  	[sflag:s21] =	ssyncset.done $0x0  }
.Ltmp1:
0xa6: {  	s4 =	sadd.s32 $0x12980, s23;
	[sflag:s21] =	ssyncadd.s32 $0xFFFFF000;
	(pc) =	sbr.rel @p0 .LBB2_4-.Ltmp1, $4  }
0xa7: {  	[spmem:s2] =	stream.indirect.scatter.add.bf16 [tilespmem:s9], [sflag:$0x5], $0x20, s4, s31, $0xb8;
	[tilespmem:$0x1CC00] =	vst v63  }
0xa8: {  	_ =	swait.ge [sflag:s28], $0x1000  }
0xa9: {  	[sflag:s28] =	ssyncset.done $0x0  }
0xaa: {  	s4 =	sadd.s32 $0xC780, s23;
	[sflag:s28] =	ssyncadd.s32 $0xFFFFF000  }
0xab: {  	[tilespmem:s9], [sflag:$0x4] =	stream.indirect.gather [hbm4b:s1+s31], $0x20, s4, s31, $0xb8;
	[tilespmem:$0x1CC00] =	vst v63  }
0xac: {  	_ =	swait.ge [sflag:s10], $0x1000  }
0xad: {  	[sflag:s10] =	ssyncset.done $0x0  }
0xae: {  	s0 =	simm.s32 $0x18A00;
	[sflag:s10] =	ssyncadd.s32 $0xFFFFF000  }
0xaf: {  	[spmem:s2] =	stream.indirect.scatter.add.bf16 [tilespmem:s26], [sflag:$0x5], $0x20, s0, s31, $0xb8;
	[tilespmem:$0x1CC00] =	vst v63  }
0xb0: {  	_ =	swait.ge [sflag:s28], $0x1000  }
0xb1: {  	[sflag:s28] =	ssyncset.done $0x0  }
0xb2: {  	[sflag:s28] =	ssyncadd.s32 $0xFFFFF000  }
0xb3: {  	_ =	swait.ge [sflag:s20], $0x1000  }
0xb4: {  	[sflag:s20] =	ssyncset.done $0x0  }
0xb5: {  	s24 =	simm.s32 $0x18A80;
	[sflag:s20] =	ssyncadd.s32 $0xFFFFF000  }
0xb6: {  	[spmem:s2] =	stream.indirect.scatter.add.bf16 [tilespmem:s3], [sflag:$0x5], $0x20, s24, s31, $0xb8;
	[tilespmem:$0x1CC00] =	vst v63  }
0xb7: {  	_ =	swait.ge [sflag:s28], $0x1000  }
0xb8: {  	[sflag:s28] =	ssyncset.done $0x0  }
0xb9: {  	[sflag:s28] =	ssyncadd.s32 $0xFFFFF000  }
0xba: {  	_ =	swait.ge [sflag:s30], $0x1000  }
0xbb: {  	[sflag:s30] =	ssyncset.done $0x0  }
0xbc: {  	s4 =	simm.s32 $0x18B00;
	[sflag:s30] =	ssyncadd.s32 $0xFFFFF000  }
0xbd: {  	[spmem:s2] =	stream.indirect.scatter.add.bf16 [tilespmem:s7], [sflag:$0x5], $0x20, s4, s31, $0xb8;
	[tilespmem:$0x1CC00] =	vst v63  }
0xbe: {  	_ =	swait.ge [sflag:s28], $0x1000  }
0xbf: {  	[sflag:s28] =	ssyncset.done $0x0  }
0xc0: {  	[sflag:s28] =	ssyncadd.s32 $0xFFFFF000  }
0xc1: {  	_ =	swait.ge [sflag:s21], $0x1000  }
0xc2: {  	[sflag:s21] =	ssyncset.done $0x0  }
0xc3: {  	s6 =	simm.s32 $0x18B80;
	[sflag:s21] =	ssyncadd.s32 $0xFFFFF000  }
0xc4: {  	[spmem:s2] =	stream.indirect.scatter.add.bf16 [tilespmem:s9], [sflag:$0x5], $0x20, s6, s31, $0xb8;
	[tilespmem:$0x1CC00] =	vst v63  }
0xc5: {  	_ =	swait.ge [sflag:s28], $0x1000  }
0xc6: {  	[sflag:s28] =	ssyncset.done $0x0  }
0xc7: {  	[sflag:s28] =	ssyncadd.s32 $0xFFFFF000  }
0xc8: {  	s11 =	stileid.u32;
	[bflag:$0x0] =	sbarrier.arrive $0xFFFF  }
0xc9: {  	s0 =	sshll.u32 s11, $0x6;
	s23 =	rddreg [dreg:$0x6]  }
0xca: {  	s0 =	sor.u32 $0x1C05, s0;
	s24 =	rddreg [dreg:$0xa];
	s23 =	sshrl.u32 s23, $0x3  }
0xcb: {  	[hbm:s24], [sflag:s0] =	dma.local [spmem:s23], $0x1880  }
0xcc: {  	s4 =	simm.s32 $0x0;
	_ =	swait.ge [sflag:s28], $0x1880  }
0xcd: {  	s6 =	sand.u32 $0x20, s4;
	s24 =	sand.u32 $0x3F80, s4;
	[sflag:s28] =	ssyncset.done $0x0  }
0xce: {  	s6 =	sshrl.u32 s6, $0x1;
	s24 =	sshrl.u32 s24, $0x2;
	[sflag:s28] =	ssyncadd.s32 $0xFFFFE780  }
0xcf: {  	s6 =	sor.u32 s6, s24;
	[bflag:$0x0] =	sbarrier.arrive $0xFFFF  }
0xd0: {  	s24 =	simm.s32 $0x40;
	[tilespmem:s6+$0x18C00] =	vst v0  }
.LBB2_6:
0xd1: {  	p0 =	sne.s32 s24, $0x3FC0  }
.Ltmp2:
0xd2: {  	s6 =	sand.u32 $0x3F80, s24;
	s4 =	sadd.s32 $0x20, s4;
	(pc) =	sbr.rel @p0 .LBB2_6-.Ltmp2, $4  }
0xd3: {  	s24 =	sadd.s32 $0x40, s24;
	s11 =	sand.u32 $0x20, s4  }
0xd4: {  	s6 =	sshrl.u32 s6, $0x2;
	s11 =	sshrl.u32 s11, $0x1  }
0xd5: {  	s6 =	sor.u32 s11, s6  }
0xd6: {  	[tilespmem:s6+$0x18C00] =	vst v0  }
0xd7: {  	[spmem:s5] =	stream.linear.scatter [tilespmem:s26], [sflag:$0x5], $0x1000, $0x38;
	[tilespmem:$0x1CC00] =	vst v63  }
0xd8: {  	_ =	swait.ge [sflag:s28], $0x1000  }
0xd9: {  	[sflag:s28] =	ssyncset.done $0x0  }
0xda: {  	[sflag:s28] =	ssyncadd.s32 $0xFFFFF000  }
0xdb: {  	[spmem:s12] =	stream.linear.scatter [tilespmem:s26], [sflag:$0x5], $0x1000, $0x38;
	[tilespmem:$0x1CC00] =	vst v63  }
0xdc: {  	_ =	swait.ge [sflag:s28], $0x1000  }
0xdd: {  	[sflag:s28] =	ssyncset.done $0x0  }
0xde: {  	s4 =	rddreg [dreg:$0x9];
	[sflag:s28] =	ssyncadd.s32 $0xFFFFF000  }
0xdf: {  	[spmem:s4] =	stream.linear.scatter [tilespmem:s26], [sflag:$0x5], $0x1000, $0x38;
	[tilespmem:$0x1CC00] =	vst v63  }
0xe0: {  	_ =	swait.ge [sflag:s28], $0x1000  }
0xe1: {  	[sflag:s28] =	ssyncset.done $0x0  }
0xe2: {  	[sflag:s28] =	ssyncadd.s32 $0xFFFFF000  }
0xe3: {  	[spmem:s13] =	stream.linear.scatter [tilespmem:s26], [sflag:$0x5], $0x1000, $0x38;
	[tilespmem:$0x1CC00] =	vst v63  }
0xe4: {  	_ =	swait.ge [sflag:s28], $0x1000  }
0xe5: {  	[sflag:s28] =	ssyncset.done $0x0  }
0xe6: {  	[sflag:s28] =	ssyncadd.s32 $0xFFFFF000  }
0xe7: {  	[spmem:s14] =	stream.linear.scatter [tilespmem:s26], [sflag:$0x5], $0x1000, $0x38;
	[tilespmem:$0x1CC00] =	vst v63  }
0xe8: {  	_ =	swait.ge [sflag:s28], $0x1000  }
0xe9: {  	[sflag:s28] =	ssyncset.done $0x0  }
0xea: {  	[sflag:s28] =	ssyncadd.s32 $0xFFFFF000  }
0xeb: {  	[spmem:s15] =	stream.linear.scatter [tilespmem:s26], [sflag:$0x5], $0x1000, $0x38;
	[tilespmem:$0x1CC00] =	vst v63  }
0xec: {  	_ =	swait.ge [sflag:s28], $0x1000  }
0xed: {  	[sflag:s28] =	ssyncset.done $0x0  }
0xee: {  	[sflag:s28] =	ssyncadd.s32 $0xFFFFF000  }
0xef: {  	[spmem:s16] =	stream.linear.scatter [tilespmem:s26], [sflag:$0x5], $0x1000, $0x38;
	[tilespmem:$0x1CC00] =	vst v63  }
0xf0: {  	_ =	swait.ge [sflag:s28], $0x1000  }
0xf1: {  	[sflag:s28] =	ssyncset.done $0x0  }
0xf2: {  	[sflag:s28] =	ssyncadd.s32 $0xFFFFF000  }
0xf3: {  	[spmem:s17] =	stream.linear.scatter [tilespmem:s26], [sflag:$0x5], $0x1000, $0x38;
	[tilespmem:$0x1CC00] =	vst v63  }
0xf4: {  	_ =	swait.ge [sflag:s28], $0x1000  }
0xf5: {  	[sflag:s28] =	ssyncset.done $0x0  }
0xf6: {  	[sflag:s28] =	ssyncadd.s32 $0xFFFFF000  }
0xf7: {  	[spmem:s18] =	stream.linear.scatter [tilespmem:s26], [sflag:$0x5], $0x1000, $0x38;
	[tilespmem:$0x1CC00] =	vst v63  }
0xf8: {  	_ =	swait.ge [sflag:s28], $0x1000  }
0xf9: {  	[sflag:s28] =	ssyncset.done $0x0  }
0xfa: {  	[sflag:s28] =	ssyncadd.s32 $0xFFFFF000  }
0xfb: {  	[spmem:s19] =	stream.linear.scatter [tilespmem:s26], [sflag:$0x5], $0x1000, $0x38;
	[tilespmem:$0x1CC00] =	vst v63  }
0xfc: {  	_ =	swait.ge [sflag:s28], $0x1000  }
0xfd: {  	[sflag:s28] =	ssyncset.done $0x0  }
0xfe: {  	[sflag:s28] =	ssyncadd.s32 $0xFFFFF000  }
0xff: {  	[spmem:s22] =	stream.linear.scatter [tilespmem:s26], [sflag:$0x5], $0x1000, $0x38;
	[tilespmem:$0x1CC00] =	vst v63  }
0x100: {  	_ =	swait.ge [sflag:s28], $0x1000  }
0x101: {  	[sflag:s28] =	ssyncset.done $0x0  }
0x102: {  	[sflag:s28] =	ssyncadd.s32 $0xFFFFF000  }
0x103: {  	[spmem:s25] =	stream.linear.scatter [tilespmem:s26], [sflag:$0x5], $0x1000, $0x38;
	[tilespmem:$0x1CC00] =	vst v63  }
0x104: {  	_ =	swait.ge [sflag:s28], $0x1000  }
0x105: {  	[sflag:s28] =	ssyncset.done $0x0  }
0x106: {  	s6 =	rddreg [dreg:$0x4];
	[sflag:s28] =	ssyncadd.s32 $0xFFFFF000  }
0x107: {  	[spmem:s6] =	stream.linear.scatter [tilespmem:s26], [sflag:$0x5], $0x400, $0x38;
	[tilespmem:$0x1CC00] =	vst v63  }
0x108: {  	_ =	swait.ge [sflag:s28], $0x400  }
0x109: {  	[sflag:s28] =	ssyncset.done $0x0  }
0x10a: {  	[sflag:s28] =	ssyncadd.s32 $0xFFFFFC00  }
0x10b: {  	[bflag:$0x0] =	sbarrier.arrive $0xFFFF  }
0x10c: {  	s4 =	simm.s32 $0x0;
	s6 =	rddreg [dreg:$0xd]  }
0x10d: {  	[tilespmem:s29], [sflag:$0x5] =	stream.linear.gather [hbm4b:s6+s4], $0x6400, $0x38;
	[tilespmem:$0x1CC00] =	vst v63  }
0x10e: {  	_ =	swait.ge [sflag:s28], $0x6400  }
0x10f: {  	s11 =	smov.u32 s12;
	[sflag:s28] =	ssyncset.done $0x0  }
0x110: {  	s24 =	simm.s32 $0x12800;
	s12 =	rddreg [dreg:$0x7];
	[sflag:s28] =	ssyncadd.s32 $0xFFFF9C00  }
0x111: {  	[tilespmem:s24], [sflag:$0x5] =	stream.linear.gather [hbm4b:s12+s4], $0x6400, $0x38;
	[tilespmem:$0x1CC00] =	vst v63  }
0x112: {  	_ =	swait.ge [sflag:s28], $0x6400  }
0x113: {  	[sflag:s28] =	ssyncset.done $0x0  }
0x114: {  	[sflag:s28] =	ssyncadd.s32 $0xFFFF9C00  }
0x115: {  	[tilespmem:s26], [sflag:$0x1] =	stream.indirect.gather [hbm4b:s1+s31], $0x20, s29, s31, $0xb8;
	[tilespmem:$0x1CC00] =	vst v63  }
0x116: {  	s24 =	simm.s32 $0xC480  }
0x117: {  	[tilespmem:s3], [sflag:$0x2] =	stream.indirect.gather [hbm4b:s1+s31], $0x20, s24, s31, $0xb8;
	[tilespmem:$0x1CC00] =	vst v63  }
0x118: {  	s6 =	simm.s32 $0xC500  }
0x119: {  	[tilespmem:s7], [sflag:$0x3] =	stream.indirect.gather [hbm4b:s1+s31], $0x20, s6, s31, $0xb8;
	[tilespmem:$0x1CC00] =	vst v63  }
0x11a: {  	s12 =	simm.s32 $0xC580  }
0x11b: {  	[tilespmem:s9], [sflag:$0x4] =	stream.indirect.gather [hbm4b:s1+s31], $0x20, s12, s31, $0xb8;
	[tilespmem:$0x1CC00] =	vst v63  }
0x11c: {  	_ =	swait.ge [sflag:s10], $0x1000  }
0x11d: {  	[sflag:s10] =	ssyncset.done $0x0  }
0x11e: {  	s24 =	simm.s32 $0x12800;
	[sflag:s10] =	ssyncadd.s32 $0xFFFFF000  }
0x11f: {  	[spmem:s2] =	stream.indirect.scatter.add.bf16 [tilespmem:s26], [sflag:$0x5], $0x20, s24, s31, $0xb8;
	[tilespmem:$0x1CC00] =	vst v63  }
0x120: {  	_ =	swait.ge [sflag:s28], $0x1000  }
0x121: {  	[sflag:s28] =	ssyncset.done $0x0  }
0x122: {  	s6 =	simm.s32 $0xC600;
	[sflag:s28] =	ssyncadd.s32 $0xFFFFF000  }
0x123: {  	[tilespmem:s26], [sflag:$0x1] =	stream.indirect.gather [hbm4b:s1+s31], $0x20, s6, s31, $0xb8;
	[tilespmem:$0x1CC00] =	vst v63  }
0x124: {  	_ =	swait.ge [sflag:s20], $0x1000  }
0x125: {  	[sflag:s20] =	ssyncset.done $0x0  }
0x126: {  	s12 =	simm.s32 $0x12880;
	[sflag:s20] =	ssyncadd.s32 $0xFFFFF000  }
0x127: {  	[spmem:s2] =	stream.indirect.scatter.add.bf16 [tilespmem:s3], [sflag:$0x5], $0x20, s12, s31, $0xb8;
	[tilespmem:$0x1CC00] =	vst v63  }
0x128: {  	_ =	swait.ge [sflag:s28], $0x1000  }
0x129: {  	[sflag:s28] =	ssyncset.done $0x0  }
0x12a: {  	s24 =	simm.s32 $0xC680;
	[sflag:s28] =	ssyncadd.s32 $0xFFFFF000  }
0x12b: {  	[tilespmem:s3], [sflag:$0x2] =	stream.indirect.gather [hbm4b:s1+s31], $0x20, s24, s31, $0xb8;
	[tilespmem:$0x1CC00] =	vst v63  }
0x12c: {  	_ =	swait.ge [sflag:s30], $0x1000  }
0x12d: {  	[sflag:s30] =	ssyncset.done $0x0  }
0x12e: {  	s6 =	simm.s32 $0x12900;
	[sflag:s30] =	ssyncadd.s32 $0xFFFFF000  }
0x12f: {  	[spmem:s2] =	stream.indirect.scatter.add.bf16 [tilespmem:s7], [sflag:$0x5], $0x20, s6, s31, $0xb8;
	[tilespmem:$0x1CC00] =	vst v63  }
0x130: {  	_ =	swait.ge [sflag:s28], $0x1000  }
0x131: {  	[sflag:s28] =	ssyncset.done $0x0  }
0x132: {  	s12 =	simm.s32 $0xC700;
	[sflag:s28] =	ssyncadd.s32 $0xFFFFF000  }
0x133: {  	[tilespmem:s7], [sflag:$0x3] =	stream.indirect.gather [hbm4b:s1+s31], $0x20, s12, s31, $0xb8;
	[tilespmem:$0x1CC00] =	vst v63  }
0x134: {  	_ =	swait.ge [sflag:s21], $0x1000  }
0x135: {  	[sflag:s21] =	ssyncset.done $0x0  }
0x136: {  	s24 =	simm.s32 $0x12980;
	[sflag:s21] =	ssyncadd.s32 $0xFFFFF000  }
0x137: {  	[spmem:s2] =	stream.indirect.scatter.add.bf16 [tilespmem:s9], [sflag:$0x5], $0x20, s24, s31, $0xb8;
	[tilespmem:$0x1CC00] =	vst v63  }
0x138: {  	_ =	swait.ge [sflag:s28], $0x1000  }
0x139: {  	[sflag:s28] =	ssyncset.done $0x0  }
0x13a: {  	s4 =	simm.s32 $0xC780;
	s24 =	simm.s32 $0x800;
	[sflag:s28] =	ssyncadd.s32 $0xFFFFF000  }
.LBB2_8:
0x13b: {  	[tilespmem:s9], [sflag:$0x4] =	stream.indirect.gather [hbm4b:s1+s31], $0x20, s4, s31, $0xb8;
	[tilespmem:$0x1CC00] =	vst v63  }
0x13c: {  	s4 =	smov.u32 s24  }
0x13d: {  	p0 =	sne.s32 s24, $0x18000;
	s24 =	sadd.s32 $0x800, s24;
	_ =	swait.ge [sflag:s10], $0x1000  }
0x13e: {  	s4 =	sshra.s32 s4, $0x2;
	[sflag:s10] =	ssyncset.done $0x0  }
0x13f: {  	s6 =	sadd.s32 $0x12800, s4;
	[sflag:s10] =	ssyncadd.s32 $0xFFFFF000  }
0x140: {  	[spmem:s2] =	stream.indirect.scatter.add.bf16 [tilespmem:s26], [sflag:$0x5], $0x20, s6, s31, $0xb8;
	[tilespmem:$0x1CC00] =	vst v63  }
0x141: {  	_ =	swait.ge [sflag:s28], $0x1000  }
0x142: {  	[sflag:s28] =	ssyncset.done $0x0  }
0x143: {  	s6 =	sadd.s32 $0xC600, s4;
	[sflag:s28] =	ssyncadd.s32 $0xFFFFF000  }
0x144: {  	[tilespmem:s26], [sflag:$0x1] =	stream.indirect.gather [hbm4b:s1+s31], $0x20, s6, s31, $0xb8;
	[tilespmem:$0x1CC00] =	vst v63  }
0x145: {  	_ =	swait.ge [sflag:s20], $0x1000  }
0x146: {  	[sflag:s20] =	ssyncset.done $0x0  }
0x147: {  	s6 =	sadd.s32 $0x12880, s4;
	[sflag:s20] =	ssyncadd.s32 $0xFFFFF000  }
0x148: {  	[spmem:s2] =	stream.indirect.scatter.add.bf16 [tilespmem:s3], [sflag:$0x5], $0x20, s6, s31, $0xb8;
	[tilespmem:$0x1CC00] =	vst v63  }
0x149: {  	_ =	swait.ge [sflag:s28], $0x1000  }
0x14a: {  	[sflag:s28] =	ssyncset.done $0x0  }
0x14b: {  	s6 =	sadd.s32 $0xC680, s4;
	[sflag:s28] =	ssyncadd.s32 $0xFFFFF000  }
0x14c: {  	[tilespmem:s3], [sflag:$0x2] =	stream.indirect.gather [hbm4b:s1+s31], $0x20, s6, s31, $0xb8;
	[tilespmem:$0x1CC00] =	vst v63  }
0x14d: {  	_ =	swait.ge [sflag:s30], $0x1000  }
0x14e: {  	[sflag:s30] =	ssyncset.done $0x0  }
0x14f: {  	s6 =	sadd.s32 $0x12900, s4;
	[sflag:s30] =	ssyncadd.s32 $0xFFFFF000  }
0x150: {  	[spmem:s2] =	stream.indirect.scatter.add.bf16 [tilespmem:s7], [sflag:$0x5], $0x20, s6, s31, $0xb8;
	[tilespmem:$0x1CC00] =	vst v63  }
0x151: {  	_ =	swait.ge [sflag:s28], $0x1000  }
0x152: {  	[sflag:s28] =	ssyncset.done $0x0  }
0x153: {  	s6 =	sadd.s32 $0xC700, s4;
	[sflag:s28] =	ssyncadd.s32 $0xFFFFF000  }
0x154: {  	[tilespmem:s7], [sflag:$0x3] =	stream.indirect.gather [hbm4b:s1+s31], $0x20, s6, s31, $0xb8;
	[tilespmem:$0x1CC00] =	vst v63  }
0x155: {  	_ =	swait.ge [sflag:s21], $0x1000  }
0x156: {  	[sflag:s21] =	ssyncset.done $0x0  }
.Ltmp3:
0x157: {  	s6 =	sadd.s32 $0x12980, s4;
	[sflag:s21] =	ssyncadd.s32 $0xFFFFF000;
	(pc) =	sbr.rel @p0 .LBB2_8-.Ltmp3, $4  }
0x158: {  	[spmem:s2] =	stream.indirect.scatter.add.bf16 [tilespmem:s9], [sflag:$0x5], $0x20, s6, s31, $0xb8;
	[tilespmem:$0x1CC00] =	vst v63  }
0x159: {  	_ =	swait.ge [sflag:s28], $0x1000  }
0x15a: {  	[sflag:s28] =	ssyncset.done $0x0  }
0x15b: {  	s4 =	sadd.s32 $0xC780, s4;
	[sflag:s28] =	ssyncadd.s32 $0xFFFFF000  }
0x15c: {  	[tilespmem:s9], [sflag:$0x4] =	stream.indirect.gather [hbm4b:s1+s31], $0x20, s4, s31, $0xb8;
	[tilespmem:$0x1CC00] =	vst v63  }
0x15d: {  	_ =	swait.ge [sflag:s10], $0x1000  }
0x15e: {  	[sflag:s10] =	ssyncset.done $0x0  }
0x15f: {  	s6 =	simm.s32 $0x18A00;
	[sflag:s10] =	ssyncadd.s32 $0xFFFFF000  }
0x160: {  	[spmem:s2] =	stream.indirect.scatter.add.bf16 [tilespmem:s26], [sflag:$0x5], $0x20, s6, s31, $0xb8;
	[tilespmem:$0x1CC00] =	vst v63  }
0x161: {  	_ =	swait.ge [sflag:s28], $0x1000  }
0x162: {  	[sflag:s28] =	ssyncset.done $0x0  }
0x163: {  	[sflag:s28] =	ssyncadd.s32 $0xFFFFF000  }
0x164: {  	_ =	swait.ge [sflag:s20], $0x1000  }
0x165: {  	[sflag:s20] =	ssyncset.done $0x0  }
0x166: {  	s12 =	simm.s32 $0x18A80;
	[sflag:s20] =	ssyncadd.s32 $0xFFFFF000  }
0x167: {  	[spmem:s2] =	stream.indirect.scatter.add.bf16 [tilespmem:s3], [sflag:$0x5], $0x20, s12, s31, $0xb8;
	[tilespmem:$0x1CC00] =	vst v63  }
0x168: {  	_ =	swait.ge [sflag:s28], $0x1000  }
0x169: {  	[sflag:s28] =	ssyncset.done $0x0  }
0x16a: {  	[sflag:s28] =	ssyncadd.s32 $0xFFFFF000  }
0x16b: {  	_ =	swait.ge [sflag:s30], $0x1000  }
0x16c: {  	[sflag:s30] =	ssyncset.done $0x0  }
0x16d: {  	s24 =	simm.s32 $0x18B00;
	[sflag:s30] =	ssyncadd.s32 $0xFFFFF000  }
0x16e: {  	[spmem:s2] =	stream.indirect.scatter.add.bf16 [tilespmem:s7], [sflag:$0x5], $0x20, s24, s31, $0xb8;
	[tilespmem:$0x1CC00] =	vst v63  }
0x16f: {  	_ =	swait.ge [sflag:s28], $0x1000  }
0x170: {  	[sflag:s28] =	ssyncset.done $0x0  }
0x171: {  	[sflag:s28] =	ssyncadd.s32 $0xFFFFF000  }
0x172: {  	_ =	swait.ge [sflag:s21], $0x1000  }
0x173: {  	[sflag:s21] =	ssyncset.done $0x0  }
0x174: {  	s6 =	simm.s32 $0x18B80;
	[sflag:s21] =	ssyncadd.s32 $0xFFFFF000  }
0x175: {  	[spmem:s2] =	stream.indirect.scatter.add.bf16 [tilespmem:s9], [sflag:$0x5], $0x20, s6, s31, $0xb8;
	[tilespmem:$0x1CC00] =	vst v63  }
0x176: {  	_ =	swait.ge [sflag:s28], $0x1000  }
0x177: {  	[sflag:s28] =	ssyncset.done $0x0  }
0x178: {  	[sflag:s28] =	ssyncadd.s32 $0xFFFFF000  }
0x179: {  	[bflag:$0x0] =	sbarrier.arrive $0xFFFF  }
0x17a: {  	s12 =	rddreg [dreg:$0xb]  }
0x17b: {  	[hbm:s12], [sflag:s0] =	dma.local [spmem:s23], $0x1880  }
0x17c: {  	_ =	swait.ge [sflag:s28], $0x1880  }
0x17d: {  	s8 =	sadd.s32 $0x1, s8;
	s24 =	rddreg [dreg:$0x8]  }
0x17e: {  	p0 =	sne.s32 s8, s24  }
.Ltmp4:
0x17f: {  	_ = 	snop;
	(pc) =	sbr.rel @p0 .LBB2_1-.Ltmp4, $3  }
0x180: {  	[sflag:s28] =	ssyncset.done $0x0  }
0x181: {  	[sflag:s28] =	ssyncadd.s32 $0xFFFFE780  }
0x182: {  	[bflag:$0x0] =	sbarrier.arrive $0xFFFF;
	_ =	sdelay $0x1  }
0x183: {  	_ =	sfence.sel $0x180000  }
0x184: {  	[bflag:$0x0] =	sbarrier.arrive $0xFFFF  }
0x185: {  	_ =	strace $0x9000004A  }
0x186: {  	s0 =	stileid.u32;
	[bflag:$0x2] =	sbarrier.arrive $0xFFFF  }
0x187: {  	p0 =	sne.s32 s0, $0x0;
	s0 =	rddreg [dreg:$0x3]  }
0x188: {  	s0 =	sadd.s32 @!p0 $0x100000, s0  }
0x189: {  	[sflag:s0] =	ssyncadd.tile.s32 @!p0 $0x1;
	_ =	shalt  }
.Lfunc_end2:
_tile_overlayer_lowered:
.L_overlay_start_2:
0x18a: {  	(tag) =	ssettag $0x2  }
0x18b: {  	s0 =	rddreg [dreg:$0x0];
	s2 =	stileid.u32  }
0x18c: {  	s1 =	rddreg [dreg:$0x1];
	p0 =	sne.s32 s2, $0x0  }
0x18d: {  	s3 =	rddreg [dreg:$0x2];
	[bflag:$0x3] =	sbarrier.arrive $0xFFFF;
	s2 =	simm.s32 @!p0 $0x1C05  }
0x18e: {  	[timem:s3], [sflag:s2] =	dma.local @!p0 [hbm:s0], s1  }
0x18f: {  	s0 =	simm.s32 @!p0 $0x5  }
0x190: {  	_ =	swait.ge @!p0 [sflag:s0], s1  }
0x191: {  	s1 =	ssub.s32 @!p0 $0x0, s1;
	[sflag:s0] =	ssyncset.done @!p0 $0x0  }
0x192: {  	[sflag:s0] =	ssyncadd.s32 @!p0 s1  }
0x193: {  	[bflag:$0x3] =	sbarrier.arrive $0xFFFF  }
0x194: {  	_ =	shalt  }

// kernel: kernel.8.cloned.1.call-start
scs
__scs_entry_jumppad:
0x0: {  	(pc) =	sbr.rel $0x88, $3  }
0x1: {  	(tag) =	ssettag $0x0;
	lr =	simm.s32 $0x1  }
0x2: {  	[smem:$0x3F96] =	sst lr;
	_ =	strace $0xD0000000  }
0x3: {  	_ = 	snop  }
0x4: {  	_ = 	snop  }
0x5: {  	_ = 	snop  }
0x6: {  	_ = 	snop  }
0x7: {  	_ = 	snop  }
__scs_overlays_trampoline_lowered:
0x8: {  	[smem:$0x3FA5] =	sst s0  }
0x9: {  	[smem:$0x3FA6] =	sst s1  }
0xa: {  	[smem:$0x3FA7] =	sst s2  }
0xb: {  	[smem:$0x3FA8] =	sst s3  }
0xc: {  	[smem:$0x3FA9] =	sst s4  }
0xd: {  	[smem:$0x3FAA] =	sst s5  }
0xe: {  	[smem:$0x3FAB] =	sst s6  }
0xf: {  	[smem:$0x3FAC] =	sst s7  }
0x10: {  	[smem:$0x3FAD] =	sst s8  }
0x11: {  	[smem:$0x3FAE] =	sst s9;
	s0 =	simm.s32 @!p0 $0x0  }
0x12: {  	s1 =	sld [smem:$0x3F94];
	s0 =	simm.s32 @p0 $0x1  }
0x13: {  	[smem:$0x3FAF] =	sst s0;
	s0 =	simm.s32 @!p1 $0x0  }
0x14: {  	s2 =	sld [smem:$0x3F93];
	s0 =	simm.s32 @p1 $0x1  }
0x15: {  	[smem:$0x3FB0] =	sst s0;
	s0 =	simm.s32 @!p2 $0x0  }
0x16: {  	s3 =	sld [smem:$0x3FDB];
	s0 =	simm.s32 @p2 $0x1  }
0x17: {  	s4 =	simm.s32 $0x1BF5;
	[smem:$0x3FB2] =	sst s0  }
0x18: {  	s0 =	sld [smem:$0x3F95];
	_ =	swait.ge [sflag:s4], $0x0  }
0x19: {  	s7 =	sld [smem:$0x3F96]  }
0x1a: {  	s8 =	sadd.s32 $0xFFFFE003, lr  }
0x1b: {  	s9 =	sadd.s32 $0xFFFFFEF7, lr;
	s5 =	simm.s32 $0xFFFFFFFF;
	p2 =	slt.u32 s8, $0xFFFFF086  }
0x1c: {  	p1 =	slt.u32 s9, $0xF7A;
	s5 =	simm.s32 @!p2 $0x0  }
0x1d: {  	s5 =	simm.s32 @p1 $0x1;
	p0 =	seq.s32 s7, s2  }
0x1e: {  	s7 =	smul.u32 @!p0 $0xF7A, s2;
	p2 =	seq.s32 @!p0 s5, $0x0  }
0x1f: {  	s9 =	smul.u32 $0xF7A, s1;
	s8 =	simm.s32 @!p0 $0x1BF5;
	p2 =	por !p2, p0  }
0x20: {  	[sflag:s8] =	ssyncset.s32 @!p0 $0xFFFFF086;
	s6 =	sadd.s32 @!p0 s3, s7;
	s7 =	simm.s32 @!p0 $0x108  }
0x21: {  	s3 =	sadd.s32 s3, s9;
	s6 =	sadd.s32 @!p0 $0x88, s6;
	s7 =	simm.s32 @p2 $0x1082  }
0x22: {  	[simem:s7], [sflag:s8] =	dma.local @!p0 [hbm:s6], $0xF7A  }
0x23: {  	s9 =	sor.u32 $0xD0000000, s2;
	s6 =	simm.s32 $0x108;
	_ =	swait.ge @!p0 [sflag:s8], $0x0  }
0x24: {  	s3 =	sadd.s32 $0x88, s3;
	s6 =	simm.s32 @!p1 $0x1082;
	[sflag:s4] =	ssyncset.s32 $0xFFFFF086  }
0x25: {  	[simem:s6], [sflag:s4] =	dma.local [hbm:s3], $0xF7A  }
0x26: {  	[smem:$0x3F96] =	sst s1;
	(tag) =	ssettag s2;
	_ =	strace s9  }
0x27: {  	s1 =	sld [smem:$0x3FA6]  }
0x28: {  	s2 =	sld [smem:$0x3FA7]  }
0x29: {  	s4 =	sld [smem:$0x3FA9]  }
0x2a: {  	p0 =	seq.s32 s5, $0x0;
	s5 =	sld [smem:$0x3FAA]  }
0x2b: {  	s6 =	sld [smem:$0x3FAB]  }
0x2c: {  	s7 =	sld [smem:$0x3FAC]  }
0x2d: {  	s3 =	simm.s32 $0x108;
	s8 =	sld [smem:$0x3FAD]  }
0x2e: {  	s3 =	simm.s32 @!p0 $0x1082;
	s9 =	sld [smem:$0x3FAE]  }
0x2f: {  	lr =	sadd.s32 s0, s3;
	s0 =	sld [smem:$0x3FA5]  }
0x30: {  	s3 =	sld [smem:$0x3FA8]  }
0x31: {  	[smem:$0x3FB1] =	sst s10  }
0x32: {  	s10 =	sld [smem:$0x3FAF];
	_ =	sdelay $0x3  }
0x33: {  	p0 =	seq.s32 s10, $0x1;
	s10 =	sld [smem:$0x3FB1];
	_ =	sdelay $0x3  }
0x34: {  	[smem:$0x3FB1] =	sst s10  }
0x35: {  	s10 =	sld [smem:$0x3FB0];
	_ =	sdelay $0x3  }
0x36: {  	p1 =	seq.s32 s10, $0x1;
	s10 =	sld [smem:$0x3FB1];
	_ =	sdelay $0x3  }
0x37: {  	[smem:$0x3FB1] =	sst s10  }
0x38: {  	s10 =	sld [smem:$0x3FB2]  }
0x39: {  	_ = 	snop;
	(pc) =	sbr.ind lr, $3  }
0x3a: {  	_ = 	snop  }
0x3b: {  	_ = 	snop  }
0x3c: {  	p2 =	seq.s32 s10, $0x1;
	s10 =	sld [smem:$0x3FB1]  }
0x3d: {  	_ =	shalt  }
0x3e: {  	_ =	shalt  }
0x3f: {  	_ =	shalt  }
0x40: {  	_ =	shalt  }
0x41: {  	_ =	shalt  }
0x42: {  	_ =	shalt  }
0x43: {  	_ =	shalt  }
0x44: {  	_ =	shalt  }
0x45: {  	_ =	shalt  }
0x46: {  	_ =	shalt  }
0x47: {  	_ =	shalt  }
0x48: {  	_ =	shalt  }
0x49: {  	_ =	shalt  }
0x4a: {  	_ =	shalt  }
0x4b: {  	_ =	shalt  }
0x4c: {  	_ =	shalt  }
0x4d: {  	_ =	shalt  }
0x4e: {  	_ =	shalt  }
0x4f: {  	_ =	shalt  }
0x50: {  	_ =	shalt  }
0x51: {  	_ =	shalt  }
0x52: {  	_ =	shalt  }
0x53: {  	_ =	shalt  }
0x54: {  	_ =	shalt  }
0x55: {  	_ =	shalt  }
0x56: {  	_ =	shalt  }
0x57: {  	_ =	shalt  }
0x58: {  	_ =	shalt  }
0x59: {  	_ =	shalt  }
0x5a: {  	_ =	shalt  }
0x5b: {  	_ =	shalt  }
0x5c: {  	_ =	shalt  }
0x5d: {  	_ =	shalt  }
0x5e: {  	_ =	shalt  }
0x5f: {  	_ =	shalt  }
0x60: {  	_ =	shalt  }
0x61: {  	_ =	shalt  }
0x62: {  	_ =	shalt  }
0x63: {  	_ =	shalt  }
0x64: {  	_ =	shalt  }
0x65: {  	_ =	shalt  }
0x66: {  	_ =	shalt  }
0x67: {  	_ =	shalt  }
0x68: {  	_ =	shalt  }
0x69: {  	_ =	shalt  }
0x6a: {  	_ =	shalt  }
0x6b: {  	_ =	shalt  }
0x6c: {  	_ =	shalt  }
0x6d: {  	_ =	shalt  }
0x6e: {  	_ =	shalt  }
0x6f: {  	_ =	shalt  }
0x70: {  	_ =	shalt  }
0x71: {  	_ =	shalt  }
0x72: {  	_ =	shalt  }
0x73: {  	_ =	shalt  }
0x74: {  	_ =	shalt  }
0x75: {  	_ =	shalt  }
0x76: {  	_ =	shalt  }
0x77: {  	_ =	shalt  }
0x78: {  	_ =	shalt  }
0x79: {  	_ =	shalt  }
0x7a: {  	_ =	shalt  }
0x7b: {  	_ =	shalt  }
0x7c: {  	_ =	shalt  }
0x7d: {  	_ =	shalt  }
0x7e: {  	_ =	shalt  }
0x7f: {  	_ =	shalt  }
0x80: {  	_ =	shalt  }
0x81: {  	_ =	shalt  }
0x82: {  	_ =	shalt  }
0x83: {  	_ =	shalt  }
0x84: {  	_ =	shalt  }
0x85: {  	_ =	shalt  }
0x86: {  	_ =	shalt  }
0x87: {  	_ =	shalt  }
.Lfunc_end0:
.L_simem_size_0:
called_computation.1_lowered:
.L_overlay_start_0:
0x88: {  	s2 =	sld [smem:$0x3FD9]  }
0x89: {  	s3 =	sld [smem:$0x3FFE];
	_ =	sdelay $0x1  }
0x8a: {  	s1 =	srdreg.scid  }
0x8b: {  	s0 =	sand.u32 $0x1, s1  }
0x8c: {  	s16 =	sshll.u32 s0, $0xA;
	s2 =	sadd.s32 s3, s2  }
0x8d: {  	s2 =	sadd.s32 s2, s16  }
0x8e: {  	[smem:$0x3FBD] =	sst s2  }
0x8f: {  	_ = 	snop  }
0x90: {  	(tm) =	ssettm $0x1  }
0x91: {  	s17 =	sld [smem:$0x3FFB];
	_ =	sdelay $0x3  }
0x92: {  	_ =	strace s17  }
0x93: {  	s2 =	sld [smem:$0x3FFC];
	_ =	sdelay $0x3  }
0x94: {  	_ =	strace s2  }
0x95: {  	s2 =	sld [smem:$0x3FFD];
	_ =	sdelay $0x3  }
0x96: {  	_ =	strace s2  }
0x97: {  	_ =	strace $0x8FFFFFFF  }
0x98: {  	s18 =	sld [smem:$0x3FDB];
	_ =	sdelay $0x1  }
0x99: {  	s19 =	simm.s32 $_scs_section_size  }
0x9a: {  	s4 =	simm.s32 $_size__tile_overlayer_lowered;
	s5 =	simm.s32 $_tile_overlayer_lowered  }
0x9b: {  	s22 =	simm.s32 $0x1BFF;
	s21 =	sshll.u32 s5, $0x1;
	s2 =	sadd.s32 s19, s18  }
0x9c: {  	s6 =	simm.s32 $0x0;
	s20 =	sshll.u32 s4, $0x1;
	s4 =	sadd.s32 s21, s2  }
0x9d: {  	[timem:s6], [sflag:s22] =	dma.local [hbm:s4], s20  }
0x9e: {  	_ =	swait.ge [sflag:s22], s20  }
0x9f: {  	s3 =	ssub.s32 $0x0, s20;
	[sflag:s22] =	ssyncset.done $0x0  }
0xa0: {  	[sflag:s22] =	ssyncadd.s32 s3;
	_ =	sdelay $0x1  }
0xa1: {  	s23 =	simm.s32 $0x1B8B  }
0xa2: {  	_ =	swait.ge [sflag:s23], $0x1  }
0xa3: {  	[sflag:s23] =	ssyncset.done $0x0  }
0xa4: {  	s25 =	simm.s32 $0x1B8E;
	s24 =	sld [smem:$0x3FFE];
	[sflag:s23] =	ssyncadd.s32 $0xFFFFFFFF  }
0xa5: {  	s26 =	simm.s32 $execute0_lowered;
	[smem:$0x3FD2] =	sst s25  }
0xa6: {  	s4 =	sshll.u32 s26, $0x1;
	_ =	strace $0x80000046;
	[dreg:$0x1] =	wrdreg $0xFFFFFFFF  }
0xa7: {  	s28 =	simm.s32 $_size_execute0_lowered;
	s2 =	sadd.s32 s2, s4;
	[dreg:$0x0] =	wrdreg $0x0  }
0xa8: {  	s4 =	sshll.u32 s28, $0x1;
	[dreg:$0x2] =	wrdreg s2  }
0xa9: {  	[dreg:$0x3] =	wrdreg s4  }
0xaa: {  	[dreg:$0x4] =	wrdreg $0xC0  }
0xab: {  	_ =	task [dreg:s6], $0x5FFFF  }
0xac: {  	[dreg:$0x1] =	wrdreg $0xFFFFFFFF  }
0xad: {  	[dreg:$0x0] =	wrdreg $0x60  }
0xae: {  	[dreg:$0x2] =	wrdreg s24  }
0xaf: {  	[dreg:$0x3] =	wrdreg $0x0  }
0xb0: {  	[dreg:$0x4] =	wrdreg $0xA  }
0xb1: {  	_ =	task.clear_ibuf [dreg:s6], $0x5FFFF;
	_ =	strace $0x90000046  }
0xb2: {  	s29 =	simm.s32 $0xA;
	_ =	strace $0x80000048  }
0xb3: {  	_ =	swait.ge [sflag:s29], $0x1  }
0xb4: {  	[sflag:s29] =	ssyncadd.s32 $0xFFFFFFFF  }
0xb5: {  	_ =	strace $0x90000048  }
0xb6: {  	_ =	sfence  }
0xb7: {  	s30 =	sld [smem:$0x0];
	_ =	sdelay $0x2  }
0xb8: {  	s31 =	sshll.u32 s1, $0xD;
	s1 =	sshrl.u32 s1, $0x2  }
0xb9: {  	s3 =	sand.u32 $0x4000, s31;
	s1 =	sadd.s32 s1, s30  }
0xba: {  	s0 =	sor.u32 s3, s0;
	s1 =	sshll.u32 s1, $0x11  }
0xbb: {  	s0 =	sor.u32 s1, s0  }
0xbc: {  	s0 =	sadd.s32 $0x8F2B, s0  }
0xbd: {  	[sflag:s0] =	ssyncadd.remote.s32 $0x1  }
0xbe: {  	_ =	sfence.sel $0xFFFF  }
0xbf: {  	[dreg:$0x0] =	wrdreg $0xFFFFFFFF;
	(pc) =	sbr.abs _section_cstart, $3  }
0xc0: {  	[dreg:$0x1] =	wrdreg $0xFFFFFFFF  }
0xc1: {  	_ =	task.clear_ibuf [dreg:s6], $0x2FFFF;
	_ =	strace $0x9FFFFFFF  }
0xc2: {  	(tm) =	ssettm $0x7FFFFFFF  }
0xc3: {  	_ =	shalt  }
tec
execute0_lowered:
.L_overlay_start_1:
0x0: {  	(tag) =	ssettag $0x1  }
0x1: {  	s4 =	rddreg [dreg:$0x0]  }
0x2: {  	s1 =	rddreg [dreg:$0x1]  }
0x3: {  	s0 =	rddreg [dreg:$0x2];
	s2 =	simm.s32 $0x0;
	s5 =	srdreg.scid  }
0x4: {  	s3 =	stileid.u32;
	s17 =	simm.s32 $0x80;
	s18 =	simm.s32 $0xC600  }
0x5: {  	[smem:$0x7FF] =	sst s2;
	s11 =	sadd.s32 $0x2E00, s4;
	s7 =	smul.u32 $0x18800, s3  }
0x6: {  	s12 =	sadd.s32 $0xF600, s4;
	s5 =	sand.u32 $0x1, s5;
	s8 =	smul.u32 $0x6200, s3  }
0x7: {  	s13 =	sadd.s32 $0x28200, s4;
	s14 =	sadd.s32 $0x1BE00, s4;
	s15 =	smul.u32 $0xC80, s3  }
0x8: {  	_ =	strace $0x80000047;
	s6 =	ssub.s32 $0x2, s5;
	p0 =	seq.s32 s5, $0x0  }
0x9: {  	s30 =	sshrl.u32 s6, $0x1;
	s31 =	sshrl.u32 s7, $0x2;
	s16 =	sshrl.u32 s8, $0x3  }
0xa: {  	s19 =	sadd.s32 s8, s1;
	s12 =	smov.u32 @p0 s11;
	s14 =	smov.u32 @p0 s13  }
0xb: {  	s6 =	ssub.s32 s6, s30;
	s4 =	sadd.s32 s31, s1;
	s12 =	sadd.s32 s12, s15  }
0xc: {  	s13 =	sadd.s32 s14, s16;
	s14 =	simm.s32 $0xCE00;
	s15 =	simm.s32 $0x1  }
0xd: {  	s16 =	simm.s32 $0x6200;
	s19 =	sshrl.u32 s19, $0x3;
	s5 =	smax.u32 s6, $0x1  }
0xe: {  	s6 =	sadd.s32 $0xE00, s4;
	s7 =	sadd.s32 $0x1C00, s4;
	s8 =	sadd.s32 $0x2A00, s4  }
0xf: {  	v0 =	vimm.f32 $1.000000000e+00;
	v1 =	vimm.f32 $0.0e+00;
	s9 =	sadd.s32 $0x3800, s4;
	s10 =	sadd.s32 $0x4600, s4;
	s11 =	sadd.s32 $0x5400, s4  }
.LBB2_1:
0x10: {  	s20 =	simm.s32 $0x0  }
.LBB2_2:
0x11: {  	p0 =	sne.s32 s20, $0x1FC0  }
.Ltmp0:
0x12: {  	_ = 	snop;
	(pc) =	sbr.rel @p0 .LBB2_2-.Ltmp0, $3  }
0x13: {  	_ =	sdelay $0x1  }
0x14: {  	s21 =	sshra.s32 s20, $0x2  }
0x15: {  	s20 =	sadd.s32 $0x40, s20;
	[tilespmem:s21+$0xC600] =	vst v0  }
0x16: {  	s20 =	simm.s32 $0x40;
	s21 =	simm.s32 $0x0  }
.LBB2_4:
0x17: {  	p0 =	sne.s32 s20, $0x37C0;
	[tilespmem:s21+$0xCE00] =	vst v1;
	s21 =	smov.u32 s20;
	s20 =	sadd.s32 $0x40, s20  }
.Ltmp1:
0x18: {  	(pc) =	sbr.rel @p0 .LBB2_4-.Ltmp1, $2  }
0x19: {  	_ =	sdelay $0x2  }
0x1a: {  	s21 =	sshra.s32 s21, $0x2  }
0x1b: {  	[tilespmem:s21+$0xCE00] =	vst v1  }
0x1c: {  	[spmem:s4] =	stream.linear.scatter [tilespmem:s14], [sflag:$0x1], $0xE00, $0x38;
	[tilespmem:$0xDC00] =	vst v63  }
0x1d: {  	_ =	swait.ge [sflag:s15], $0xE00  }
0x1e: {  	[sflag:s15] =	ssyncset.done $0x0  }
0x1f: {  	[sflag:s15] =	ssyncadd.s32 $0xFFFFF200  }
0x20: {  	[spmem:s6] =	stream.linear.scatter [tilespmem:s14], [sflag:$0x1], $0xE00, $0x38;
	[tilespmem:$0xDC00] =	vst v63  }
0x21: {  	_ =	swait.ge [sflag:s15], $0xE00  }
0x22: {  	[sflag:s15] =	ssyncset.done $0x0  }
0x23: {  	[sflag:s15] =	ssyncadd.s32 $0xFFFFF200  }
0x24: {  	[spmem:s7] =	stream.linear.scatter [tilespmem:s14], [sflag:$0x1], $0xE00, $0x38;
	[tilespmem:$0xDC00] =	vst v63  }
0x25: {  	_ =	swait.ge [sflag:s15], $0xE00  }
0x26: {  	[sflag:s15] =	ssyncset.done $0x0  }
0x27: {  	[sflag:s15] =	ssyncadd.s32 $0xFFFFF200  }
0x28: {  	[spmem:s8] =	stream.linear.scatter [tilespmem:s14], [sflag:$0x1], $0xE00, $0x38;
	[tilespmem:$0xDC00] =	vst v63  }
0x29: {  	_ =	swait.ge [sflag:s15], $0xE00  }
0x2a: {  	[sflag:s15] =	ssyncset.done $0x0  }
0x2b: {  	[sflag:s15] =	ssyncadd.s32 $0xFFFFF200  }
0x2c: {  	[spmem:s9] =	stream.linear.scatter [tilespmem:s14], [sflag:$0x1], $0xE00, $0x38;
	[tilespmem:$0xDC00] =	vst v63  }
0x2d: {  	_ =	swait.ge [sflag:s15], $0xE00  }
0x2e: {  	[sflag:s15] =	ssyncset.done $0x0  }
0x2f: {  	[sflag:s15] =	ssyncadd.s32 $0xFFFFF200  }
0x30: {  	[spmem:s10] =	stream.linear.scatter [tilespmem:s14], [sflag:$0x1], $0xE00, $0x38;
	[tilespmem:$0xDC00] =	vst v63  }
0x31: {  	_ =	swait.ge [sflag:s15], $0xE00  }
0x32: {  	[sflag:s15] =	ssyncset.done $0x0  }
0x33: {  	[sflag:s15] =	ssyncadd.s32 $0xFFFFF200  }
0x34: {  	[spmem:s11] =	stream.linear.scatter [tilespmem:s14], [sflag:$0x1], $0xE00, $0x38;
	[tilespmem:$0xDC00] =	vst v63  }
0x35: {  	_ =	swait.ge [sflag:s15], $0xE00  }
0x36: {  	[sflag:s15] =	ssyncset.done $0x0  }
0x37: {  	[sflag:s15] =	ssyncadd.s32 $0xFFFFF200  }
0x38: {  	s20 =	simm.s32 $0x0;
	[bflag:$0x0] =	sbarrier.arrive $0xFFFF  }
0x39: {  	[tilespmem:s16], [sflag:$0x1] =	stream.linear.gather [hbm4b:s12+s20], $0x6400, $0x38;
	[tilespmem:$0xDC00] =	vst v63  }
0x3a: {  	_ =	swait.ge [sflag:s15], $0x6400  }
0x3b: {  	[sflag:s15] =	ssyncset.done $0x0  }
0x3c: {  	s31 =	simm.s32 $0x6200;
	[sflag:s15] =	ssyncadd.s32 $0xFFFF9C00  }
0x3d: {  	[spmem:s1] =	stream.indirect.scatter.add.f32 [tilespmem:s18], [sflag:$0x1], $0x10, s31, s17, $0xb8;
	[tilespmem:$0xDC00] =	vst v63  }
0x3e: {  	s20 =	simm.s32 $0x200;
	_ =	swait.ge [sflag:s15], $0x800  }
.LBB2_6:
0x3f: {  	s21 =	sshra.s32 s20, $0x2;
	[sflag:s15] =	ssyncset.done $0x0;
	p0 =	sne.s32 s20, $0x18E00  }
.Ltmp2:
0x40: {  	s21 =	sadd.s32 $0x6200, s21;
	[sflag:s15] =	ssyncadd.s32 $0xFFFFF800;
	(pc) =	sbr.rel @p0 .LBB2_6-.Ltmp2, $3  }
0x41: {  	[spmem:s1] =	stream.indirect.scatter.add.f32 [tilespmem:s18], [sflag:$0x1], $0x10, s21, s17, $0xb8;
	[tilespmem:$0xDC00] =	vst v63  }
0x42: {  	s20 =	sadd.s32 $0x200, s20;
	_ =	sdelay $0x1  }
0x43: {  	_ =	swait.ge [sflag:s15], $0x800  }
0x44: {  	[sflag:s15] =	ssyncset.done $0x0;
	s2 =	sadd.s32 $0x1, s2  }
0x45: {  	s20 =	sshll.u32 s3, $0x6;
	[sflag:s15] =	ssyncadd.s32 $0xFFFFF800;
	p0 =	sne.s32 s2, s5  }
.Ltmp3:
0x46: {  	s20 =	sor.u32 $0x1C01, s20;
	[bflag:$0x0] =	sbarrier.arrive $0xFFFF;
	(pc) =	sbr.rel @p0 .LBB2_1-.Ltmp3, $4  }
0x47: {  	[hbm:s13], [sflag:s20] =	dma.local [spmem:s19], $0xC40  }
0x48: {  	_ =	swait.ge [sflag:s15], $0xC40  }
0x49: {  	[sflag:s15] =	ssyncset.done $0x0  }
0x4a: {  	[sflag:s15] =	ssyncadd.s32 $0xFFFFF3C0  }
0x4b: {  	_ =	sfence.sel $0x180000  }
0x4c: {  	[bflag:$0x0] =	sbarrier.arrive $0xFFFF  }
0x4d: {  	p0 =	sne.s32 s3, $0x0;
	_ =	strace $0x90000047  }
0x4e: {  	s0 =	sadd.s32 @!p0 $0x100000, s0;
	[bflag:$0x2] =	sbarrier.arrive $0xFFFF  }
0x4f: {  	[sflag:s0] =	ssyncadd.tile.s32 @!p0 $0x1;
	_ =	shalt  }
.Lfunc_end2:
_tile_overlayer_lowered:
.L_overlay_start_2:
0x50: {  	(tag) =	ssettag $0x2  }
0x51: {  	s0 =	rddreg [dreg:$0x0];
	s2 =	stileid.u32  }
0x52: {  	s1 =	rddreg [dreg:$0x1];
	p0 =	sne.s32 s2, $0x0  }
0x53: {  	s3 =	rddreg [dreg:$0x2];
	[bflag:$0x3] =	sbarrier.arrive $0xFFFF;
	s2 =	simm.s32 @!p0 $0x1C01  }
0x54: {  	[timem:s3], [sflag:s2] =	dma.local @!p0 [hbm:s0], s1  }
0x55: {  	s0 =	simm.s32 @!p0 $0x1  }
0x56: {  	_ =	swait.ge @!p0 [sflag:s0], s1  }
0x57: {  	s1 =	ssub.s32 @!p0 $0x0, s1;
	[sflag:s0] =	ssyncset.done @!p0 $0x0  }
0x58: {  	[sflag:s0] =	ssyncadd.s32 @!p0 s1  }
0x59: {  	[bflag:$0x3] =	sbarrier.arrive $0xFFFF  }
0x5a: {  	_ =	shalt  }

</sc_bundles>
